<compile_context>
chip_gen: v7x
topology: tpu7x:2x2x1
jax: 0.10.2.dev20260603
libtpu: 0.0.44.dev20260713+nightly
codegen_flags: <defaults>
</compile_context>

<pallas_src>
import functools

import jax
import jax.numpy as jnp
from jax import lax
from jax.experimental import pallas as pl
from jax.experimental.pallas import tpu as pltpu
from jax.experimental.pallas import tpu_sc as plsc

E = 8
N = 8192
D = 1024

BLK = 512
NB = (N - E) // BLK + E
NPAD = NB * BLK

NC = 2
NS = 16
NW = NC * NS
TOK_W = N // NW
CH = 32
NBUF = 3
NCH = TOK_W // CH


def _permute_body(src_hbm, idx_hbm, out_hbm, *sc, gather):
    idx_b, row_b = sc[0:NBUF], sc[NBUF:2 * NBUF]
    isem, osem = sc[2 * NBUF:3 * NBUF], sc[3 * NBUF:4 * NBUF]
    wid = lax.axis_index("s") * NC + lax.axis_index("c")
    base = wid * TOK_W
    in_d = [None] * NCH
    out_d = [None] * NCH

    def issue_in(c):
        b = c % NBUF
        off = base + c * CH
        pltpu.sync_copy(idx_hbm.at[pl.ds(off, CH)], idx_b[b])
        if gather:
            in_d[c] = pltpu.async_copy(src_hbm.at[idx_b[b]], row_b[b], isem[b])
        else:
            in_d[c] = pltpu.async_copy(
                src_hbm.at[pl.ds(off, CH)], row_b[b], isem[b])

    for p in range(min(NBUF, NCH)):
        issue_in(p)
    for c in range(NCH):
        b = c % NBUF
        off = base + c * CH
        in_d[c].wait()
        if gather:
            out_d[c] = pltpu.async_copy(
                row_b[b], out_hbm.at[pl.ds(off, CH)], osem[b])
        else:
            out_d[c] = pltpu.async_copy(row_b[b], out_hbm.at[idx_b[b]], osem[b])
        n = c + NBUF
        if n < NCH:
            out_d[c].wait()
            issue_in(n)
    for c in range(max(NCH - NBUF, 0), NCH):
        out_d[c].wait()


@functools.cache
def _make_permute(out_rows, gather):
    mesh = plsc.VectorSubcoreMesh(
        core_axis_name="c", subcore_axis_name="s",
        num_cores=NC, num_subcores=NS)
    return pl.kernel(
        functools.partial(_permute_body, gather=gather),
        out_type=jax.ShapeDtypeStruct((out_rows, D), jnp.float32),
        mesh=mesh,
        scratch_types=(
            [pltpu.VMEM((CH,), jnp.int32) for _ in range(NBUF)]
            + [pltpu.VMEM((CH, D), jnp.float32) for _ in range(NBUF)]
            + [pltpu.SemaphoreType.DMA for _ in range(2 * NBUF)]
        ),
    )


def _scatter_rows(src, idx):
    return _make_permute(NPAD, False)(src, idx)


def _gather_rows(src, idx):
    return _make_permute(N, True)(src, idx)


MROWS = 64
MCOLS = 128


def _meta_body(s_ref, dst_ref, be_ref):
    s = s_ref[...]
    dst = jnp.zeros((MROWS, MCOLS), jnp.int32)
    tstart = lax.broadcasted_iota(jnp.int32, (1, MCOLS), 1) * BLK
    be = jnp.zeros((1, MCOLS), jnp.int32)
    bound = jnp.int32(0)
    up = (lax.broadcasted_iota(jnp.int32, (MCOLS, MCOLS), 0)
          <= lax.broadcasted_iota(jnp.int32, (MCOLS, MCOLS), 1)
          ).astype(jnp.float32)
    lo = (lax.broadcasted_iota(jnp.int32, (MROWS, MROWS), 1)
          < lax.broadcasted_iota(jnp.int32, (MROWS, MROWS), 0)
          ).astype(jnp.float32)
    for e in range(E):
        m = s == e
        mf = m.astype(jnp.float32)
        c = lax.dot_general(mf, up, (((1,), (0,)), ((), ())),
                            preferred_element_type=jnp.float32)
        rowtot = c[:, MCOLS - 1:MCOLS]
        rowoff = lax.dot_general(lo, rowtot, (((1,), (0,)), ((), ())),
                                 preferred_element_type=jnp.float32)
        rank = (c + rowoff).astype(jnp.int32) - 1
        cnt = jnp.sum(m.astype(jnp.int32))
        dst = dst + jnp.where(m, bound + rank, 0)
        bound = bound + ((cnt + BLK - 1) // BLK) * BLK
        be = be + (tstart >= bound).astype(jnp.int32)
    dst_ref[...] = dst
    be_ref[...] = jnp.minimum(be, E - 1)


_meta = pl.pallas_call(
    _meta_body,
    out_shape=(
        jax.ShapeDtypeStruct((MROWS, MCOLS), jnp.int32),
        jax.ShapeDtypeStruct((1, MCOLS), jnp.int32),
    ),
)


def _mm_body(be_ref, x_ref, w_ref, b_ref, o_ref):
    acc = lax.dot_general(
        x_ref[...], w_ref[0],
        dimension_numbers=(((1,), (1,)), ((), ())),
        preferred_element_type=jnp.float32)
    o_ref[...] = (acc + b_ref[0]).astype(o_ref.dtype)


_grouped_mm = pl.pallas_call(
    _mm_body,
    grid_spec=pltpu.PrefetchScalarGridSpec(
        num_scalar_prefetch=1,
        grid=(NB,),
        in_specs=[
            pl.BlockSpec((BLK, D), lambda i, be: (i, 0)),
            pl.BlockSpec((1, D, D), lambda i, be: (be[i], 0, 0)),
            pl.BlockSpec((1, 1, D), lambda i, be: (be[i], 0, 0)),
        ],
        out_specs=pl.BlockSpec((BLK, D), lambda i, be: (i, 0)),
    ),
    out_shape=jax.ShapeDtypeStruct((NPAD, D), jnp.float32),
)


def kernel(x, split, W, b):
    split = split.astype(jnp.int32)
    dst2, be2 = _meta(split.reshape(MROWS, MCOLS))
    dst = dst2.reshape(N)
    block_expert = be2.reshape(MCOLS)

    xs = _scatter_rows(x, dst)
    ys = _grouped_mm(block_expert, xs, W, b[:, None, :])
    y = _gather_rows(ys, dst)
    return y

# --- scband reference (transcript-rebuilt; emitter-appended) ---
"""Pipeline reference for scband-router-25941602468241 (READ-ONLY COPY).

The authoritative reference and input builder live on the scoring server;
editing this copy changes nothing except your own understanding.
"""

import jax, jax.numpy as jnp
import numpy as np

E = 8
N = 8192
D = 1024


def setup_inputs(seed: int = 0) -> dict:
    key = jax.random.key(seed)
    k1, k2, k3, k4 = jax.random.split(key, 4)
    x = jax.random.normal(k1, (N, D), dtype=jnp.float32)
    split = jax.random.randint(k2, (N,), 0, E, dtype=jnp.int32)
    # Expert parameters: E independent Linear(D, D) layers (torch convention y = x @ W.T + b)
    W = jax.random.normal(k3, (E, D, D), dtype=jnp.float32) * (1.0 / np.sqrt(D))
    b = jax.random.normal(k4, (E, D), dtype=jnp.float32) * 0.01
    return {"x": x, "split": split, "W": W, "b": b}


def reference(x, split, W, b):
    # Faithful translation of Router.forward with dist_mode='alone' after make_split(split).
    # Per-token routing: each output row equals x[i] @ W[split[i]].T + b[split[i]],
    # which matches gather-per-expert, Linear, concat, then un-permute by argsort.
    num_experts = W.shape[0]
    outs = []
    for e in range(num_experts):
        outs.append(x @ W[e].T + b[e])
    y = jnp.stack(outs, axis=1)
    idx = split.astype(jnp.int32)[:, None, None]
    return jnp.take_along_axis(y, idx, axis=1)[:, 0, :]

if __name__ == "__main__":
    import jax
    _d = setup_inputs()
    print(jax.jit(kernel)(*tuple(_d.values())))

</pallas_src>

<mosaic_0001>
#map = affine_map<(d0, d1) -> (0, 0)>
#map1 = affine_map<(d0, d1) -> (0)>
module attributes {stable_mosaic.version = 14 : i64} {
  func.func @_permute_body(%arg0: i32, %arg1: i32, %arg2: memref<8192x1024xf32, #tpu.memory_space<hbm>>, %arg3: memref<8192xi32, #tpu.memory_space<hbm>>, %arg4: memref<11776x1024xf32, #tpu.memory_space<hbm>>, %arg5: memref<32xi32, #tpu.memory_space<vmem>>, %arg6: memref<32xi32, #tpu.memory_space<vmem>>, %arg7: memref<32xi32, #tpu.memory_space<vmem>>, %arg8: memref<32x1024xf32, #tpu.memory_space<vmem>>, %arg9: memref<32x1024xf32, #tpu.memory_space<vmem>>, %arg10: memref<32x1024xf32, #tpu.memory_space<vmem>>, %arg11: memref<!tpu.dma_semaphore, #tpu.memory_space<semaphore_mem>>, %arg12: memref<!tpu.dma_semaphore, #tpu.memory_space<semaphore_mem>>, %arg13: memref<!tpu.dma_semaphore, #tpu.memory_space<semaphore_mem>>, %arg14: memref<!tpu.dma_semaphore, #tpu.memory_space<semaphore_mem>>, %arg15: memref<!tpu.dma_semaphore, #tpu.memory_space<semaphore_mem>>, %arg16: memref<!tpu.dma_semaphore, #tpu.memory_space<semaphore_mem>>) attributes {dimension_semantics = [#tpu.dimension_semantics<core_parallel>, #tpu.dimension_semantics<subcore_parallel>], iteration_bounds = array<i64: 2, 16>, scalar_prefetch = 0 : i64, scratch_operands = 12 : i64, tpu.core_type = #tpu.core_type<sc_vector_subcore>, window_params = [{transform_indices = #map}, {transform_indices = #map1}, {transform_indices = #map}]} {
    %mul3A = arith.constant 2 : i32
    %mul3A_0 = arith.muli %arg1, %mul3A : i32
    %add3A = arith.addi %mul3A_0, %arg0 : i32
    %mul3A_1 = arith.constant 256 : i32
    %mul3A_2 = arith.muli %add3A, %mul3A_1 : i32
    %add3A_3 = arith.constant 0 : i32
    %add3A_4 = arith.addi %mul3A_2, %add3A_3 : i32
    "tpu.region"() ({
      %run_scoped3A = tpu.sem_alloc : memref<!tpu.dma_semaphore, #tpu.memory_space<semaphore_mem>>
      %dma_start3A_145 = tpu.memref_slice %arg3[%add3A_4] : memref<8192xi32, #tpu.memory_space<hbm>> -> memref<32xi32, #tpu.memory_space<hbm>>
      %dma_start3A_146 = tpu.memref_slice %arg3[%add3A_4] : memref<8192xi32, #tpu.memory_space<hbm>> -> memref<32xi32, #tpu.memory_space<hbm>>
      tpu.enqueue_dma source(%dma_start3A_146 : memref<32xi32, #tpu.memory_space<hbm>>) target(%arg5 : memref<32xi32, #tpu.memory_space<vmem>>) target_semaphore(%run_scoped3A : memref<!tpu.dma_semaphore, #tpu.memory_space<semaphore_mem>>)
      %dma_wait3A_147 = tpu.memref_slice %arg3[%add3A_4] : memref<8192xi32, #tpu.memory_space<hbm>> -> memref<32xi32, #tpu.memory_space<hbm>>
      %dma_wait3A_148 = tpu.memref_slice %arg3[%add3A_4] : memref<8192xi32, #tpu.memory_space<hbm>> -> memref<32xi32, #tpu.memory_space<hbm>>
      tpu.wait_dma2 semaphore(%run_scoped3A : memref<!tpu.dma_semaphore, #tpu.memory_space<semaphore_mem>>) src(%dma_wait3A_148 : memref<32xi32, #tpu.memory_space<hbm>>) dst(%arg5 : memref<32xi32, #tpu.memory_space<vmem>>)
      tpu.yield
    }) : () -> ()
    %dma_start3A = arith.constant 0 : i32
    %dma_start3A_5 = tpu.memref_slice %arg2[%add3A_4, %dma_start3A] : memref<8192x1024xf32, #tpu.memory_space<hbm>> -> memref<32x1024xf32, #tpu.memory_space<hbm>>
    %dma_start3A_6 = arith.constant 0 : i32
    %dma_start3A_7 = tpu.memref_slice %arg2[%add3A_4, %dma_start3A_6] : memref<8192x1024xf32, #tpu.memory_space<hbm>> -> memref<32x1024xf32, #tpu.memory_space<hbm>>
    tpu.enqueue_dma source(%dma_start3A_7 : memref<32x1024xf32, #tpu.memory_space<hbm>>) target(%arg8 : memref<32x1024xf32, #tpu.memory_space<vmem>>) target_semaphore(%arg11 : memref<!tpu.dma_semaphore, #tpu.memory_space<semaphore_mem>>)
    %add3A_8 = arith.constant 32 : i32
    %add3A_9 = arith.addi %mul3A_2, %add3A_8 : i32
    "tpu.region"() ({
      %run_scoped3A = tpu.sem_alloc : memref<!tpu.dma_semaphore, #tpu.memory_space<semaphore_mem>>
      %dma_start3A_145 = tpu.memref_slice %arg3[%add3A_9] : memref<8192xi32, #tpu.memory_space<hbm>> -> memref<32xi32, #tpu.memory_space<hbm>>
      %dma_start3A_146 = tpu.memref_slice %arg3[%add3A_9] : memref<8192xi32, #tpu.memory_space<hbm>> -> memref<32xi32, #tpu.memory_space<hbm>>
      tpu.enqueue_dma source(%dma_start3A_146 : memref<32xi32, #tpu.memory_space<hbm>>) target(%arg6 : memref<32xi32, #tpu.memory_space<vmem>>) target_semaphore(%run_scoped3A : memref<!tpu.dma_semaphore, #tpu.memory_space<semaphore_mem>>)
      %dma_wait3A_147 = tpu.memref_slice %arg3[%add3A_9] : memref<8192xi32, #tpu.memory_space<hbm>> -> memref<32xi32, #tpu.memory_space<hbm>>
      %dma_wait3A_148 = tpu.memref_slice %arg3[%add3A_9] : memref<8192xi32, #tpu.memory_space<hbm>> -> memref<32xi32, #tpu.memory_space<hbm>>
      tpu.wait_dma2 semaphore(%run_scoped3A : memref<!tpu.dma_semaphore, #tpu.memory_space<semaphore_mem>>) src(%dma_wait3A_148 : memref<32xi32, #tpu.memory_space<hbm>>) dst(%arg6 : memref<32xi32, #tpu.memory_space<vmem>>)
      tpu.yield
    }) : () -> ()
    %dma_start3A_10 = arith.constant 0 : i32
    %dma_start3A_11 = tpu.memref_slice %arg2[%add3A_9, %dma_start3A_10] : memref<8192x1024xf32, #tpu.memory_space<hbm>> -> memref<32x1024xf32, #tpu.memory_space<hbm>>
    %dma_start3A_12 = arith.constant 0 : i32
    %dma_start3A_13 = tpu.memref_slice %arg2[%add3A_9, %dma_start3A_12] : memref<8192x1024xf32, #tpu.memory_space<hbm>> -> memref<32x1024xf32, #tpu.memory_space<hbm>>
    tpu.enqueue_dma source(%dma_start3A_13 : memref<32x1024xf32, #tpu.memory_space<hbm>>) target(%arg9 : memref<32x1024xf32, #tpu.memory_space<vmem>>) target_semaphore(%arg12 : memref<!tpu.dma_semaphore, #tpu.memory_space<semaphore_mem>>)
    %add3A_14 = arith.constant 64 : i32
    %add3A_15 = arith.addi %mul3A_2, %add3A_14 : i32
    "tpu.region"() ({
      %run_scoped3A = tpu.sem_alloc : memref<!tpu.dma_semaphore, #tpu.memory_space<semaphore_mem>>
      %dma_start3A_145 = tpu.memref_slice %arg3[%add3A_15] : memref<8192xi32, #tpu.memory_space<hbm>> -> memref<32xi32, #tpu.memory_space<hbm>>
      %dma_start3A_146 = tpu.memref_slice %arg3[%add3A_15] : memref<8192xi32, #tpu.memory_space<hbm>> -> memref<32xi32, #tpu.memory_space<hbm>>
      tpu.enqueue_dma source(%dma_start3A_146 : memref<32xi32, #tpu.memory_space<hbm>>) target(%arg7 : memref<32xi32, #tpu.memory_space<vmem>>) target_semaphore(%run_scoped3A : memref<!tpu.dma_semaphore, #tpu.memory_space<semaphore_mem>>)
      %dma_wait3A_147 = tpu.memref_slice %arg3[%add3A_15] : memref<8192xi32, #tpu.memory_space<hbm>> -> memref<32xi32, #tpu.memory_space<hbm>>
      %dma_wait3A_148 = tpu.memref_slice %arg3[%add3A_15] : memref<8192xi32, #tpu.memory_space<hbm>> -> memref<32xi32, #tpu.memory_space<hbm>>
      tpu.wait_dma2 semaphore(%run_scoped3A : memref<!tpu.dma_semaphore, #tpu.memory_space<semaphore_mem>>) src(%dma_wait3A_148 : memref<32xi32, #tpu.memory_space<hbm>>) dst(%arg7 : memref<32xi32, #tpu.memory_space<vmem>>)
      tpu.yield
    }) : () -> ()
    %dma_start3A_16 = arith.constant 0 : i32
    %dma_start3A_17 = tpu.memref_slice %arg2[%add3A_15, %dma_start3A_16] : memref<8192x1024xf32, #tpu.memory_space<hbm>> -> memref<32x1024xf32, #tpu.memory_space<hbm>>
    %dma_start3A_18 = arith.constant 0 : i32
    %dma_start3A_19 = tpu.memref_slice %arg2[%add3A_15, %dma_start3A_18] : memref<8192x1024xf32, #tpu.memory_space<hbm>> -> memref<32x1024xf32, #tpu.memory_space<hbm>>
    tpu.enqueue_dma source(%dma_start3A_19 : memref<32x1024xf32, #tpu.memory_space<hbm>>) target(%arg10 : memref<32x1024xf32, #tpu.memory_space<vmem>>) target_semaphore(%arg13 : memref<!tpu.dma_semaphore, #tpu.memory_space<semaphore_mem>>)
    %add3A_20 = arith.constant 0 : i32
    %add3A_21 = arith.addi %mul3A_2, %add3A_20 : i32
    %dma_wait3A = arith.constant 0 : i32
    %dma_wait3A_22 = tpu.memref_slice %arg2[%add3A_4, %dma_wait3A] : memref<8192x1024xf32, #tpu.memory_space<hbm>> -> memref<32x1024xf32, #tpu.memory_space<hbm>>
    %dma_wait3A_23 = arith.constant 0 : i32
    %dma_wait3A_24 = tpu.memref_slice %arg2[%add3A_4, %dma_wait3A_23] : memref<8192x1024xf32, #tpu.memory_space<hbm>> -> memref<32x1024xf32, #tpu.memory_space<hbm>>
    tpu.wait_dma2 semaphore(%arg11 : memref<!tpu.dma_semaphore, #tpu.memory_space<semaphore_mem>>) src(%dma_wait3A_24 : memref<32x1024xf32, #tpu.memory_space<hbm>>) dst(%arg8 : memref<32x1024xf32, #tpu.memory_space<vmem>>)
    %dma_start3A_25 = arith.constant 0 : i32
    %dma_start3A_26 = arith.constant 0 : i32
    %dma_start3A_27 = tpu.memref_slice %arg4[%dma_start3A_25, %dma_start3A_26] : memref<11776x1024xf32, #tpu.memory_space<hbm>> -> memref<11776x1024xf32, #tpu.memory_space<hbm>>
    tpu.enqueue_indirect_dma source(%arg8 : memref<32x1024xf32, #tpu.memory_space<vmem>>) target(%dma_start3A_27 : memref<11776x1024xf32, #tpu.memory_space<hbm>>) offsets(%arg5 : memref<32xi32, #tpu.memory_space<vmem>>) semaphore(%arg14 : memref<!tpu.dma_semaphore, #tpu.memory_space<semaphore_mem>>)
    %dma_wait3A_28 = arith.constant 0 : i32
    %dma_wait3A_29 = arith.constant 0 : i32
    %dma_wait3A_30 = tpu.memref_slice %arg4[%dma_wait3A_28, %dma_wait3A_29] : memref<11776x1024xf32, #tpu.memory_space<hbm>> -> memref<11776x1024xf32, #tpu.memory_space<hbm>>
    tpu.wait_indirect_dma semaphore(%arg14 : memref<!tpu.dma_semaphore, #tpu.memory_space<semaphore_mem>>) src(%arg8 : memref<32x1024xf32, #tpu.memory_space<vmem>>) dst(%dma_wait3A_30 : memref<11776x1024xf32, #tpu.memory_space<hbm>>)
    %add3A_31 = arith.constant 96 : i32
    %add3A_32 = arith.addi %mul3A_2, %add3A_31 : i32
    "tpu.region"() ({
      %run_scoped3A = tpu.sem_alloc : memref<!tpu.dma_semaphore, #tpu.memory_space<semaphore_mem>>
      %dma_start3A_145 = tpu.memref_slice %arg3[%add3A_32] : memref<8192xi32, #tpu.memory_space<hbm>> -> memref<32xi32, #tpu.memory_space<hbm>>
      %dma_start3A_146 = tpu.memref_slice %arg3[%add3A_32] : memref<8192xi32, #tpu.memory_space<hbm>> -> memref<32xi32, #tpu.memory_space<hbm>>
      tpu.enqueue_dma source(%dma_start3A_146 : memref<32xi32, #tpu.memory_space<hbm>>) target(%arg5 : memref<32xi32, #tpu.memory_space<vmem>>) target_semaphore(%run_scoped3A : memref<!tpu.dma_semaphore, #tpu.memory_space<semaphore_mem>>)
      %dma_wait3A_147 = tpu.memref_slice %arg3[%add3A_32] : memref<8192xi32, #tpu.memory_space<hbm>> -> memref<32xi32, #tpu.memory_space<hbm>>
      %dma_wait3A_148 = tpu.memref_slice %arg3[%add3A_32] : memref<8192xi32, #tpu.memory_space<hbm>> -> memref<32xi32, #tpu.memory_space<hbm>>
      tpu.wait_dma2 semaphore(%run_scoped3A : memref<!tpu.dma_semaphore, #tpu.memory_space<semaphore_mem>>) src(%dma_wait3A_148 : memref<32xi32, #tpu.memory_space<hbm>>) dst(%arg5 : memref<32xi32, #tpu.memory_space<vmem>>)
      tpu.yield
    }) : () -> ()
    %dma_start3A_33 = arith.constant 0 : i32
    %dma_start3A_34 = tpu.memref_slice %arg2[%add3A_32, %dma_start3A_33] : memref<8192x1024xf32, #tpu.memory_space<hbm>> -> memref<32x1024xf32, #tpu.memory_space<hbm>>
    %dma_start3A_35 = arith.constant 0 : i32
    %dma_start3A_36 = tpu.memref_slice %arg2[%add3A_32, %dma_start3A_35] : memref<8192x1024xf32, #tpu.memory_space<hbm>> -> memref<32x1024xf32, #tpu.memory_space<hbm>>
    tpu.enqueue_dma source(%dma_start3A_36 : memref<32x1024xf32, #tpu.memory_space<hbm>>) target(%arg8 : memref<32x1024xf32, #tpu.memory_space<vmem>>) target_semaphore(%arg11 : memref<!tpu.dma_semaphore, #tpu.memory_space<semaphore_mem>>)
    %add3A_37 = arith.constant 32 : i32
    %add3A_38 = arith.addi %mul3A_2, %add3A_37 : i32
    %dma_wait3A_39 = arith.constant 0 : i32
    %dma_wait3A_40 = tpu.memref_slice %arg2[%add3A_9, %dma_wait3A_39] : memref<8192x1024xf32, #tpu.memory_space<hbm>> -> memref<32x1024xf32, #tpu.memory_space<hbm>>
    %dma_wait3A_41 = arith.constant 0 : i32
    %dma_wait3A_42 = tpu.memref_slice %arg2[%add3A_9, %dma_wait3A_41] : memref<8192x1024xf32, #tpu.memory_space<hbm>> -> memref<32x1024xf32, #tpu.memory_space<hbm>>
    tpu.wait_dma2 semaphore(%arg12 : memref<!tpu.dma_semaphore, #tpu.memory_space<semaphore_mem>>) src(%dma_wait3A_42 : memref<32x1024xf32, #tpu.memory_space<hbm>>) dst(%arg9 : memref<32x1024xf32, #tpu.memory_space<vmem>>)
    %dma_start3A_43 = arith.constant 0 : i32
    %dma_start3A_44 = arith.constant 0 : i32
    %dma_start3A_45 = tpu.memref_slice %arg4[%dma_start3A_43, %dma_start3A_44] : memref<11776x1024xf32, #tpu.memory_space<hbm>> -> memref<11776x1024xf32, #tpu.memory_space<hbm>>
    tpu.enqueue_indirect_dma source(%arg9 : memref<32x1024xf32, #tpu.memory_space<vmem>>) target(%dma_start3A_45 : memref<11776x1024xf32, #tpu.memory_space<hbm>>) offsets(%arg6 : memref<32xi32, #tpu.memory_space<vmem>>) semaphore(%arg15 : memref<!tpu.dma_semaphore, #tpu.memory_space<semaphore_mem>>)
    %dma_wait3A_46 = arith.constant 0 : i32
    %dma_wait3A_47 = arith.constant 0 : i32
    %dma_wait3A_48 = tpu.memref_slice %arg4[%dma_wait3A_46, %dma_wait3A_47] : memref<11776x1024xf32, #tpu.memory_space<hbm>> -> memref<11776x1024xf32, #tpu.memory_space<hbm>>
    tpu.wait_indirect_dma semaphore(%arg15 : memref<!tpu.dma_semaphore, #tpu.memory_space<semaphore_mem>>) src(%arg9 : memref<32x1024xf32, #tpu.memory_space<vmem>>) dst(%dma_wait3A_48 : memref<11776x1024xf32, #tpu.memory_space<hbm>>)
    %add3A_49 = arith.constant 128 : i32
    %add3A_50 = arith.addi %mul3A_2, %add3A_49 : i32
    "tpu.region"() ({
      %run_scoped3A = tpu.sem_alloc : memref<!tpu.dma_semaphore, #tpu.memory_space<semaphore_mem>>
      %dma_start3A_145 = tpu.memref_slice %arg3[%add3A_50] : memref<8192xi32, #tpu.memory_space<hbm>> -> memref<32xi32, #tpu.memory_space<hbm>>
      %dma_start3A_146 = tpu.memref_slice %arg3[%add3A_50] : memref<8192xi32, #tpu.memory_space<hbm>> -> memref<32xi32, #tpu.memory_space<hbm>>
      tpu.enqueue_dma source(%dma_start3A_146 : memref<32xi32, #tpu.memory_space<hbm>>) target(%arg6 : memref<32xi32, #tpu.memory_space<vmem>>) target_semaphore(%run_scoped3A : memref<!tpu.dma_semaphore, #tpu.memory_space<semaphore_mem>>)
      %dma_wait3A_147 = tpu.memref_slice %arg3[%add3A_50] : memref<8192xi32, #tpu.memory_space<hbm>> -> memref<32xi32, #tpu.memory_space<hbm>>
      %dma_wait3A_148 = tpu.memref_slice %arg3[%add3A_50] : memref<8192xi32, #tpu.memory_space<hbm>> -> memref<32xi32, #tpu.memory_space<hbm>>
      tpu.wait_dma2 semaphore(%run_scoped3A : memref<!tpu.dma_semaphore, #tpu.memory_space<semaphore_mem>>) src(%dma_wait3A_148 : memref<32xi32, #tpu.memory_space<hbm>>) dst(%arg6 : memref<32xi32, #tpu.memory_space<vmem>>)
      tpu.yield
    }) : () -> ()
    %dma_start3A_51 = arith.constant 0 : i32
    %dma_start3A_52 = tpu.memref_slice %arg2[%add3A_50, %dma_start3A_51] : memref<8192x1024xf32, #tpu.memory_space<hbm>> -> memref<32x1024xf32, #tpu.memory_space<hbm>>
    %dma_start3A_53 = arith.constant 0 : i32
    %dma_start3A_54 = tpu.memref_slice %arg2[%add3A_50, %dma_start3A_53] : memref<8192x1024xf32, #tpu.memory_space<hbm>> -> memref<32x1024xf32, #tpu.memory_space<hbm>>
    tpu.enqueue_dma source(%dma_start3A_54 : memref<32x1024xf32, #tpu.memory_space<hbm>>) target(%arg9 : memref<32x1024xf32, #tpu.memory_space<vmem>>) target_semaphore(%arg12 : memref<!tpu.dma_semaphore, #tpu.memory_space<semaphore_mem>>)
    %add3A_55 = arith.constant 64 : i32
    %add3A_56 = arith.addi %mul3A_2, %add3A_55 : i32
    %dma_wait3A_57 = arith.constant 0 : i32
    %dma_wait3A_58 = tpu.memref_slice %arg2[%add3A_15, %dma_wait3A_57] : memref<8192x1024xf32, #tpu.memory_space<hbm>> -> memref<32x1024xf32, #tpu.memory_space<hbm>>
    %dma_wait3A_59 = arith.constant 0 : i32
    %dma_wait3A_60 = tpu.memref_slice %arg2[%add3A_15, %dma_wait3A_59] : memref<8192x1024xf32, #tpu.memory_space<hbm>> -> memref<32x1024xf32, #tpu.memory_space<hbm>>
    tpu.wait_dma2 semaphore(%arg13 : memref<!tpu.dma_semaphore, #tpu.memory_space<semaphore_mem>>) src(%dma_wait3A_60 : memref<32x1024xf32, #tpu.memory_space<hbm>>) dst(%arg10 : memref<32x1024xf32, #tpu.memory_space<vmem>>)
    %dma_start3A_61 = arith.constant 0 : i32
    %dma_start3A_62 = arith.constant 0 : i32
    %dma_start3A_63 = tpu.memref_slice %arg4[%dma_start3A_61, %dma_start3A_62] : memref<11776x1024xf32, #tpu.memory_space<hbm>> -> memref<11776x1024xf32, #tpu.memory_space<hbm>>
    tpu.enqueue_indirect_dma source(%arg10 : memref<32x1024xf32, #tpu.memory_space<vmem>>) target(%dma_start3A_63 : memref<11776x1024xf32, #tpu.memory_space<hbm>>) offsets(%arg7 : memref<32xi32, #tpu.memory_space<vmem>>) semaphore(%arg16 : memref<!tpu.dma_semaphore, #tpu.memory_space<semaphore_mem>>)
    %dma_wait3A_64 = arith.constant 0 : i32
    %dma_wait3A_65 = arith.constant 0 : i32
    %dma_wait3A_66 = tpu.memref_slice %arg4[%dma_wait3A_64, %dma_wait3A_65] : memref<11776x1024xf32, #tpu.memory_space<hbm>> -> memref<11776x1024xf32, #tpu.memory_space<hbm>>
    tpu.wait_indirect_dma semaphore(%arg16 : memref<!tpu.dma_semaphore, #tpu.memory_space<semaphore_mem>>) src(%arg10 : memref<32x1024xf32, #tpu.memory_space<vmem>>) dst(%dma_wait3A_66 : memref<11776x1024xf32, #tpu.memory_space<hbm>>)
    %add3A_67 = arith.constant 160 : i32
    %add3A_68 = arith.addi %mul3A_2, %add3A_67 : i32
    "tpu.region"() ({
      %run_scoped3A = tpu.sem_alloc : memref<!tpu.dma_semaphore, #tpu.memory_space<semaphore_mem>>
      %dma_start3A_145 = tpu.memref_slice %arg3[%add3A_68] : memref<8192xi32, #tpu.memory_space<hbm>> -> memref<32xi32, #tpu.memory_space<hbm>>
      %dma_start3A_146 = tpu.memref_slice %arg3[%add3A_68] : memref<8192xi32, #tpu.memory_space<hbm>> -> memref<32xi32, #tpu.memory_space<hbm>>
      tpu.enqueue_dma source(%dma_start3A_146 : memref<32xi32, #tpu.memory_space<hbm>>) target(%arg7 : memref<32xi32, #tpu.memory_space<vmem>>) target_semaphore(%run_scoped3A : memref<!tpu.dma_semaphore, #tpu.memory_space<semaphore_mem>>)
      %dma_wait3A_147 = tpu.memref_slice %arg3[%add3A_68] : memref<8192xi32, #tpu.memory_space<hbm>> -> memref<32xi32, #tpu.memory_space<hbm>>
      %dma_wait3A_148 = tpu.memref_slice %arg3[%add3A_68] : memref<8192xi32, #tpu.memory_space<hbm>> -> memref<32xi32, #tpu.memory_space<hbm>>
      tpu.wait_dma2 semaphore(%run_scoped3A : memref<!tpu.dma_semaphore, #tpu.memory_space<semaphore_mem>>) src(%dma_wait3A_148 : memref<32xi32, #tpu.memory_space<hbm>>) dst(%arg7 : memref<32xi32, #tpu.memory_space<vmem>>)
      tpu.yield
    }) : () -> ()
    %dma_start3A_69 = arith.constant 0 : i32
    %dma_start3A_70 = tpu.memref_slice %arg2[%add3A_68, %dma_start3A_69] : memref<8192x1024xf32, #tpu.memory_space<hbm>> -> memref<32x1024xf32, #tpu.memory_space<hbm>>
    %dma_start3A_71 = arith.constant 0 : i32
    %dma_start3A_72 = tpu.memref_slice %arg2[%add3A_68, %dma_start3A_71] : memref<8192x1024xf32, #tpu.memory_space<hbm>> -> memref<32x1024xf32, #tpu.memory_space<hbm>>
    tpu.enqueue_dma source(%dma_start3A_72 : memref<32x1024xf32, #tpu.memory_space<hbm>>) target(%arg10 : memref<32x1024xf32, #tpu.memory_space<vmem>>) target_semaphore(%arg13 : memref<!tpu.dma_semaphore, #tpu.memory_space<semaphore_mem>>)
    %add3A_73 = arith.constant 96 : i32
    %add3A_74 = arith.addi %mul3A_2, %add3A_73 : i32
    %dma_wait3A_75 = arith.constant 0 : i32
    %dma_wait3A_76 = tpu.memref_slice %arg2[%add3A_32, %dma_wait3A_75] : memref<8192x1024xf32, #tpu.memory_space<hbm>> -> memref<32x1024xf32, #tpu.memory_space<hbm>>
    %dma_wait3A_77 = arith.constant 0 : i32
    %dma_wait3A_78 = tpu.memref_slice %arg2[%add3A_32, %dma_wait3A_77] : memref<8192x1024xf32, #tpu.memory_space<hbm>> -> memref<32x1024xf32, #tpu.memory_space<hbm>>
    tpu.wait_dma2 semaphore(%arg11 : memref<!tpu.dma_semaphore, #tpu.memory_space<semaphore_mem>>) src(%dma_wait3A_78 : memref<32x1024xf32, #tpu.memory_space<hbm>>) dst(%arg8 : memref<32x1024xf32, #tpu.memory_space<vmem>>)
    %dma_start3A_79 = arith.constant 0 : i32
    %dma_start3A_80 = arith.constant 0 : i32
    %dma_start3A_81 = tpu.memref_slice %arg4[%dma_start3A_79, %dma_start3A_80] : memref<11776x1024xf32, #tpu.memory_space<hbm>> -> memref<11776x1024xf32, #tpu.memory_space<hbm>>
    tpu.enqueue_indirect_dma source(%arg8 : memref<32x1024xf32, #tpu.memory_space<vmem>>) target(%dma_start3A_81 : memref<11776x1024xf32, #tpu.memory_space<hbm>>) offsets(%arg5 : memref<32xi32, #tpu.memory_space<vmem>>) semaphore(%arg14 : memref<!tpu.dma_semaphore, #tpu.memory_space<semaphore_mem>>)
    %dma_wait3A_82 = arith.constant 0 : i32
    %dma_wait3A_83 = arith.constant 0 : i32
    %dma_wait3A_84 = tpu.memref_slice %arg4[%dma_wait3A_82, %dma_wait3A_83] : memref<11776x1024xf32, #tpu.memory_space<hbm>> -> memref<11776x1024xf32, #tpu.memory_space<hbm>>
    tpu.wait_indirect_dma semaphore(%arg14 : memref<!tpu.dma_semaphore, #tpu.memory_space<semaphore_mem>>) src(%arg8 : memref<32x1024xf32, #tpu.memory_space<vmem>>) dst(%dma_wait3A_84 : memref<11776x1024xf32, #tpu.memory_space<hbm>>)
    %add3A_85 = arith.constant 192 : i32
    %add3A_86 = arith.addi %mul3A_2, %add3A_85 : i32
    "tpu.region"() ({
      %run_scoped3A = tpu.sem_alloc : memref<!tpu.dma_semaphore, #tpu.memory_space<semaphore_mem>>
      %dma_start3A_145 = tpu.memref_slice %arg3[%add3A_86] : memref<8192xi32, #tpu.memory_space<hbm>> -> memref<32xi32, #tpu.memory_space<hbm>>
      %dma_start3A_146 = tpu.memref_slice %arg3[%add3A_86] : memref<8192xi32, #tpu.memory_space<hbm>> -> memref<32xi32, #tpu.memory_space<hbm>>
      tpu.enqueue_dma source(%dma_start3A_146 : memref<32xi32, #tpu.memory_space<hbm>>) target(%arg5 : memref<32xi32, #tpu.memory_space<vmem>>) target_semaphore(%run_scoped3A : memref<!tpu.dma_semaphore, #tpu.memory_space<semaphore_mem>>)
      %dma_wait3A_147 = tpu.memref_slice %arg3[%add3A_86] : memref<8192xi32, #tpu.memory_space<hbm>> -> memref<32xi32, #tpu.memory_space<hbm>>
      %dma_wait3A_148 = tpu.memref_slice %arg3[%add3A_86] : memref<8192xi32, #tpu.memory_space<hbm>> -> memref<32xi32, #tpu.memory_space<hbm>>
      tpu.wait_dma2 semaphore(%run_scoped3A : memref<!tpu.dma_semaphore, #tpu.memory_space<semaphore_mem>>) src(%dma_wait3A_148 : memref<32xi32, #tpu.memory_space<hbm>>) dst(%arg5 : memref<32xi32, #tpu.memory_space<vmem>>)
      tpu.yield
    }) : () -> ()
    %dma_start3A_87 = arith.constant 0 : i32
    %dma_start3A_88 = tpu.memref_slice %arg2[%add3A_86, %dma_start3A_87] : memref<8192x1024xf32, #tpu.memory_space<hbm>> -> memref<32x1024xf32, #tpu.memory_space<hbm>>
    %dma_start3A_89 = arith.constant 0 : i32
    %dma_start3A_90 = tpu.memref_slice %arg2[%add3A_86, %dma_start3A_89] : memref<8192x1024xf32, #tpu.memory_space<hbm>> -> memref<32x1024xf32, #tpu.memory_space<hbm>>
    tpu.enqueue_dma source(%dma_start3A_90 : memref<32x1024xf32, #tpu.memory_space<hbm>>) target(%arg8 : memref<32x1024xf32, #tpu.memory_space<vmem>>) target_semaphore(%arg11 : memref<!tpu.dma_semaphore, #tpu.memory_space<semaphore_mem>>)
    %add3A_91 = arith.constant 128 : i32
    %add3A_92 = arith.addi %mul3A_2, %add3A_91 : i32
    %dma_wait3A_93 = arith.constant 0 : i32
    %dma_wait3A_94 = tpu.memref_slice %arg2[%add3A_50, %dma_wait3A_93] : memref<8192x1024xf32, #tpu.memory_space<hbm>> -> memref<32x1024xf32, #tpu.memory_space<hbm>>
    %dma_wait3A_95 = arith.constant 0 : i32
    %dma_wait3A_96 = tpu.memref_slice %arg2[%add3A_50, %dma_wait3A_95] : memref<8192x1024xf32, #tpu.memory_space<hbm>> -> memref<32x1024xf32, #tpu.memory_space<hbm>>
    tpu.wait_dma2 semaphore(%arg12 : memref<!tpu.dma_semaphore, #tpu.memory_space<semaphore_mem>>) src(%dma_wait3A_96 : memref<32x1024xf32, #tpu.memory_space<hbm>>) dst(%arg9 : memref<32x1024xf32, #tpu.memory_space<vmem>>)
    %dma_start3A_97 = arith.constant 0 : i32
    %dma_start3A_98 = arith.constant 0 : i32
    %dma_start3A_99 = tpu.memref_slice %arg4[%dma_start3A_97, %dma_start3A_98] : memref<11776x1024xf32, #tpu.memory_space<hbm>> -> memref<11776x1024xf32, #tpu.memory_space<hbm>>
    tpu.enqueue_indirect_dma source(%arg9 : memref<32x1024xf32, #tpu.memory_space<vmem>>) target(%dma_start3A_99 : memref<11776x1024xf32, #tpu.memory_space<hbm>>) offsets(%arg6 : memref<32xi32, #tpu.memory_space<vmem>>) semaphore(%arg15 : memref<!tpu.dma_semaphore, #tpu.memory_space<semaphore_mem>>)
    %dma_wait3A_100 = arith.constant 0 : i32
    %dma_wait3A_101 = arith.constant 0 : i32
    %dma_wait3A_102 = tpu.memref_slice %arg4[%dma_wait3A_100, %dma_wait3A_101] : memref<11776x1024xf32, #tpu.memory_space<hbm>> -> memref<11776x1024xf32, #tpu.memory_space<hbm>>
    tpu.wait_indirect_dma semaphore(%arg15 : memref<!tpu.dma_semaphore, #tpu.memory_space<semaphore_mem>>) src(%arg9 : memref<32x1024xf32, #tpu.memory_space<vmem>>) dst(%dma_wait3A_102 : memref<11776x1024xf32, #tpu.memory_space<hbm>>)
    %add3A_103 = arith.constant 224 : i32
    %add3A_104 = arith.addi %mul3A_2, %add3A_103 : i32
    "tpu.region"() ({
      %run_scoped3A = tpu.sem_alloc : memref<!tpu.dma_semaphore, #tpu.memory_space<semaphore_mem>>
      %dma_start3A_145 = tpu.memref_slice %arg3[%add3A_104] : memref<8192xi32, #tpu.memory_space<hbm>> -> memref<32xi32, #tpu.memory_space<hbm>>
      %dma_start3A_146 = tpu.memref_slice %arg3[%add3A_104] : memref<8192xi32, #tpu.memory_space<hbm>> -> memref<32xi32, #tpu.memory_space<hbm>>
      tpu.enqueue_dma source(%dma_start3A_146 : memref<32xi32, #tpu.memory_space<hbm>>) target(%arg6 : memref<32xi32, #tpu.memory_space<vmem>>) target_semaphore(%run_scoped3A : memref<!tpu.dma_semaphore, #tpu.memory_space<semaphore_mem>>)
      %dma_wait3A_147 = tpu.memref_slice %arg3[%add3A_104] : memref<8192xi32, #tpu.memory_space<hbm>> -> memref<32xi32, #tpu.memory_space<hbm>>
      %dma_wait3A_148 = tpu.memref_slice %arg3[%add3A_104] : memref<8192xi32, #tpu.memory_space<hbm>> -> memref<32xi32, #tpu.memory_space<hbm>>
      tpu.wait_dma2 semaphore(%run_scoped3A : memref<!tpu.dma_semaphore, #tpu.memory_space<semaphore_mem>>) src(%dma_wait3A_148 : memref<32xi32, #tpu.memory_space<hbm>>) dst(%arg6 : memref<32xi32, #tpu.memory_space<vmem>>)
      tpu.yield
    }) : () -> ()
    %dma_start3A_105 = arith.constant 0 : i32
    %dma_start3A_106 = tpu.memref_slice %arg2[%add3A_104, %dma_start3A_105] : memref<8192x1024xf32, #tpu.memory_space<hbm>> -> memref<32x1024xf32, #tpu.memory_space<hbm>>
    %dma_start3A_107 = arith.constant 0 : i32
    %dma_start3A_108 = tpu.memref_slice %arg2[%add3A_104, %dma_start3A_107] : memref<8192x1024xf32, #tpu.memory_space<hbm>> -> memref<32x1024xf32, #tpu.memory_space<hbm>>
    tpu.enqueue_dma source(%dma_start3A_108 : memref<32x1024xf32, #tpu.memory_space<hbm>>) target(%arg9 : memref<32x1024xf32, #tpu.memory_space<vmem>>) target_semaphore(%arg12 : memref<!tpu.dma_semaphore, #tpu.memory_space<semaphore_mem>>)
    %add3A_109 = arith.constant 160 : i32
    %add3A_110 = arith.addi %mul3A_2, %add3A_109 : i32
    %dma_wait3A_111 = arith.constant 0 : i32
    %dma_wait3A_112 = tpu.memref_slice %arg2[%add3A_68, %dma_wait3A_111] : memref<8192x1024xf32, #tpu.memory_space<hbm>> -> memref<32x1024xf32, #tpu.memory_space<hbm>>
    %dma_wait3A_113 = arith.constant 0 : i32
    %dma_wait3A_114 = tpu.memref_slice %arg2[%add3A_68, %dma_wait3A_113] : memref<8192x1024xf32, #tpu.memory_space<hbm>> -> memref<32x1024xf32, #tpu.memory_space<hbm>>
    tpu.wait_dma2 semaphore(%arg13 : memref<!tpu.dma_semaphore, #tpu.memory_space<semaphore_mem>>) src(%dma_wait3A_114 : memref<32x1024xf32, #tpu.memory_space<hbm>>) dst(%arg10 : memref<32x1024xf32, #tpu.memory_space<vmem>>)
    %dma_start3A_115 = arith.constant 0 : i32
    %dma_start3A_116 = arith.constant 0 : i32
    %dma_start3A_117 = tpu.memref_slice %arg4[%dma_start3A_115, %dma_start3A_116] : memref<11776x1024xf32, #tpu.memory_space<hbm>> -> memref<11776x1024xf32, #tpu.memory_space<hbm>>
    tpu.enqueue_indirect_dma source(%arg10 : memref<32x1024xf32, #tpu.memory_space<vmem>>) target(%dma_start3A_117 : memref<11776x1024xf32, #tpu.memory_space<hbm>>) offsets(%arg7 : memref<32xi32, #tpu.memory_space<vmem>>) semaphore(%arg16 : memref<!tpu.dma_semaphore, #tpu.memory_space<semaphore_mem>>)
    %add3A_118 = arith.constant 192 : i32
    %add3A_119 = arith.addi %mul3A_2, %add3A_118 : i32
    %dma_wait3A_120 = arith.constant 0 : i32
    %dma_wait3A_121 = tpu.memref_slice %arg2[%add3A_86, %dma_wait3A_120] : memref<8192x1024xf32, #tpu.memory_space<hbm>> -> memref<32x1024xf32, #tpu.memory_space<hbm>>
    %dma_wait3A_122 = arith.constant 0 : i32
    %dma_wait3A_123 = tpu.memref_slice %arg2[%add3A_86, %dma_wait3A_122] : memref<8192x1024xf32, #tpu.memory_space<hbm>> -> memref<32x1024xf32, #tpu.memory_space<hbm>>
    tpu.wait_dma2 semaphore(%arg11 : memref<!tpu.dma_semaphore, #tpu.memory_space<semaphore_mem>>) src(%dma_wait3A_123 : memref<32x1024xf32, #tpu.memory_space<hbm>>) dst(%arg8 : memref<32x1024xf32, #tpu.memory_space<vmem>>)
    %dma_start3A_124 = arith.constant 0 : i32
    %dma_start3A_125 = arith.constant 0 : i32
    %dma_start3A_126 = tpu.memref_slice %arg4[%dma_start3A_124, %dma_start3A_125] : memref<11776x1024xf32, #tpu.memory_space<hbm>> -> memref<11776x1024xf32, #tpu.memory_space<hbm>>
    tpu.enqueue_indirect_dma source(%arg8 : memref<32x1024xf32, #tpu.memory_space<vmem>>) target(%dma_start3A_126 : memref<11776x1024xf32, #tpu.memory_space<hbm>>) offsets(%arg5 : memref<32xi32, #tpu.memory_space<vmem>>) semaphore(%arg14 : memref<!tpu.dma_semaphore, #tpu.memory_space<semaphore_mem>>)
    %add3A_127 = arith.constant 224 : i32
    %add3A_128 = arith.addi %mul3A_2, %add3A_127 : i32
    %dma_wait3A_129 = arith.constant 0 : i32
    %dma_wait3A_130 = tpu.memref_slice %arg2[%add3A_104, %dma_wait3A_129] : memref<8192x1024xf32, #tpu.memory_space<hbm>> -> memref<32x1024xf32, #tpu.memory_space<hbm>>
    %dma_wait3A_131 = arith.constant 0 : i32
    %dma_wait3A_132 = tpu.memref_slice %arg2[%add3A_104, %dma_wait3A_131] : memref<8192x1024xf32, #tpu.memory_space<hbm>> -> memref<32x1024xf32, #tpu.memory_space<hbm>>
    tpu.wait_dma2 semaphore(%arg12 : memref<!tpu.dma_semaphore, #tpu.memory_space<semaphore_mem>>) src(%dma_wait3A_132 : memref<32x1024xf32, #tpu.memory_space<hbm>>) dst(%arg9 : memref<32x1024xf32, #tpu.memory_space<vmem>>)
    %dma_start3A_133 = arith.constant 0 : i32
    %dma_start3A_134 = arith.constant 0 : i32
    %dma_start3A_135 = tpu.memref_slice %arg4[%dma_start3A_133, %dma_start3A_134] : memref<11776x1024xf32, #tpu.memory_space<hbm>> -> memref<11776x1024xf32, #tpu.memory_space<hbm>>
    tpu.enqueue_indirect_dma source(%arg9 : memref<32x1024xf32, #tpu.memory_space<vmem>>) target(%dma_start3A_135 : memref<11776x1024xf32, #tpu.memory_space<hbm>>) offsets(%arg6 : memref<32xi32, #tpu.memory_space<vmem>>) semaphore(%arg15 : memref<!tpu.dma_semaphore, #tpu.memory_space<semaphore_mem>>)
    %dma_wait3A_136 = arith.constant 0 : i32
    %dma_wait3A_137 = arith.constant 0 : i32
    %dma_wait3A_138 = tpu.memref_slice %arg4[%dma_wait3A_136, %dma_wait3A_137] : memref<11776x1024xf32, #tpu.memory_space<hbm>> -> memref<11776x1024xf32, #tpu.memory_space<hbm>>
    tpu.wait_indirect_dma semaphore(%arg16 : memref<!tpu.dma_semaphore, #tpu.memory_space<semaphore_mem>>) src(%arg10 : memref<32x1024xf32, #tpu.memory_space<vmem>>) dst(%dma_wait3A_138 : memref<11776x1024xf32, #tpu.memory_space<hbm>>)
    %dma_wait3A_139 = arith.constant 0 : i32
    %dma_wait3A_140 = arith.constant 0 : i32
    %dma_wait3A_141 = tpu.memref_slice %arg4[%dma_wait3A_139, %dma_wait3A_140] : memref<11776x1024xf32, #tpu.memory_space<hbm>> -> memref<11776x1024xf32, #tpu.memory_space<hbm>>
    tpu.wait_indirect_dma semaphore(%arg14 : memref<!tpu.dma_semaphore, #tpu.memory_space<semaphore_mem>>) src(%arg8 : memref<32x1024xf32, #tpu.memory_space<vmem>>) dst(%dma_wait3A_141 : memref<11776x1024xf32, #tpu.memory_space<hbm>>)
    %dma_wait3A_142 = arith.constant 0 : i32
    %dma_wait3A_143 = arith.constant 0 : i32
    %dma_wait3A_144 = tpu.memref_slice %arg4[%dma_wait3A_142, %dma_wait3A_143] : memref<11776x1024xf32, #tpu.memory_space<hbm>> -> memref<11776x1024xf32, #tpu.memory_space<hbm>>
    tpu.wait_indirect_dma semaphore(%arg15 : memref<!tpu.dma_semaphore, #tpu.memory_space<semaphore_mem>>) src(%arg9 : memref<32x1024xf32, #tpu.memory_space<vmem>>) dst(%dma_wait3A_144 : memref<11776x1024xf32, #tpu.memory_space<hbm>>)
    return
  }
}

#map = affine_map<(d0, d1) -> (0, 0)>
#map1 = affine_map<(d0, d1) -> (0)>
module attributes {stable_mosaic.version = 14 : i64} {
  func.func @_permute_body(%arg0: i32, %arg1: i32, %arg2: memref<11776x1024xf32, #tpu.memory_space<hbm>>, %arg3: memref<8192xi32, #tpu.memory_space<hbm>>, %arg4: memref<8192x1024xf32, #tpu.memory_space<hbm>>, %arg5: memref<32xi32, #tpu.memory_space<vmem>>, %arg6: memref<32xi32, #tpu.memory_space<vmem>>, %arg7: memref<32xi32, #tpu.memory_space<vmem>>, %arg8: memref<32x1024xf32, #tpu.memory_space<vmem>>, %arg9: memref<32x1024xf32, #tpu.memory_space<vmem>>, %arg10: memref<32x1024xf32, #tpu.memory_space<vmem>>, %arg11: memref<!tpu.dma_semaphore, #tpu.memory_space<semaphore_mem>>, %arg12: memref<!tpu.dma_semaphore, #tpu.memory_space<semaphore_mem>>, %arg13: memref<!tpu.dma_semaphore, #tpu.memory_space<semaphore_mem>>, %arg14: memref<!tpu.dma_semaphore, #tpu.memory_space<semaphore_mem>>, %arg15: memref<!tpu.dma_semaphore, #tpu.memory_space<semaphore_mem>>, %arg16: memref<!tpu.dma_semaphore, #tpu.memory_space<semaphore_mem>>) attributes {dimension_semantics = [#tpu.dimension_semantics<core_parallel>, #tpu.dimension_semantics<subcore_parallel>], iteration_bounds = array<i64: 2, 16>, scalar_prefetch = 0 : i64, scratch_operands = 12 : i64, tpu.core_type = #tpu.core_type<sc_vector_subcore>, window_params = [{transform_indices = #map}, {transform_indices = #map1}, {transform_indices = #map}]} {
    %mul3A = arith.constant 2 : i32
    %mul3A_0 = arith.muli %arg1, %mul3A : i32
    %add3A = arith.addi %mul3A_0, %arg0 : i32
    %mul3A_1 = arith.constant 256 : i32
    %mul3A_2 = arith.muli %add3A, %mul3A_1 : i32
    %add3A_3 = arith.constant 0 : i32
    %add3A_4 = arith.addi %mul3A_2, %add3A_3 : i32
    "tpu.region"() ({
      %run_scoped3A = tpu.sem_alloc : memref<!tpu.dma_semaphore, #tpu.memory_space<semaphore_mem>>
      %dma_start3A_145 = tpu.memref_slice %arg3[%add3A_4] : memref<8192xi32, #tpu.memory_space<hbm>> -> memref<32xi32, #tpu.memory_space<hbm>>
      %dma_start3A_146 = tpu.memref_slice %arg3[%add3A_4] : memref<8192xi32, #tpu.memory_space<hbm>> -> memref<32xi32, #tpu.memory_space<hbm>>
      tpu.enqueue_dma source(%dma_start3A_146 : memref<32xi32, #tpu.memory_space<hbm>>) target(%arg5 : memref<32xi32, #tpu.memory_space<vmem>>) target_semaphore(%run_scoped3A : memref<!tpu.dma_semaphore, #tpu.memory_space<semaphore_mem>>)
      %dma_wait3A_147 = tpu.memref_slice %arg3[%add3A_4] : memref<8192xi32, #tpu.memory_space<hbm>> -> memref<32xi32, #tpu.memory_space<hbm>>
      %dma_wait3A_148 = tpu.memref_slice %arg3[%add3A_4] : memref<8192xi32, #tpu.memory_space<hbm>> -> memref<32xi32, #tpu.memory_space<hbm>>
      tpu.wait_dma2 semaphore(%run_scoped3A : memref<!tpu.dma_semaphore, #tpu.memory_space<semaphore_mem>>) src(%dma_wait3A_148 : memref<32xi32, #tpu.memory_space<hbm>>) dst(%arg5 : memref<32xi32, #tpu.memory_space<vmem>>)
      tpu.yield
    }) : () -> ()
    %dma_start3A = arith.constant 0 : i32
    %dma_start3A_5 = arith.constant 0 : i32
    %dma_start3A_6 = tpu.memref_slice %arg2[%dma_start3A, %dma_start3A_5] : memref<11776x1024xf32, #tpu.memory_space<hbm>> -> memref<11776x1024xf32, #tpu.memory_space<hbm>>
    tpu.enqueue_indirect_dma source(%dma_start3A_6 : memref<11776x1024xf32, #tpu.memory_space<hbm>>) target(%arg8 : memref<32x1024xf32, #tpu.memory_space<vmem>>) offsets(%arg5 : memref<32xi32, #tpu.memory_space<vmem>>) semaphore(%arg11 : memref<!tpu.dma_semaphore, #tpu.memory_space<semaphore_mem>>)
    %add3A_7 = arith.constant 32 : i32
    %add3A_8 = arith.addi %mul3A_2, %add3A_7 : i32
    "tpu.region"() ({
      %run_scoped3A = tpu.sem_alloc : memref<!tpu.dma_semaphore, #tpu.memory_space<semaphore_mem>>
      %dma_start3A_145 = tpu.memref_slice %arg3[%add3A_8] : memref<8192xi32, #tpu.memory_space<hbm>> -> memref<32xi32, #tpu.memory_space<hbm>>
      %dma_start3A_146 = tpu.memref_slice %arg3[%add3A_8] : memref<8192xi32, #tpu.memory_space<hbm>> -> memref<32xi32, #tpu.memory_space<hbm>>
      tpu.enqueue_dma source(%dma_start3A_146 : memref<32xi32, #tpu.memory_space<hbm>>) target(%arg6 : memref<32xi32, #tpu.memory_space<vmem>>) target_semaphore(%run_scoped3A : memref<!tpu.dma_semaphore, #tpu.memory_space<semaphore_mem>>)
      %dma_wait3A_147 = tpu.memref_slice %arg3[%add3A_8] : memref<8192xi32, #tpu.memory_space<hbm>> -> memref<32xi32, #tpu.memory_space<hbm>>
      %dma_wait3A_148 = tpu.memref_slice %arg3[%add3A_8] : memref<8192xi32, #tpu.memory_space<hbm>> -> memref<32xi32, #tpu.memory_space<hbm>>
      tpu.wait_dma2 semaphore(%run_scoped3A : memref<!tpu.dma_semaphore, #tpu.memory_space<semaphore_mem>>) src(%dma_wait3A_148 : memref<32xi32, #tpu.memory_space<hbm>>) dst(%arg6 : memref<32xi32, #tpu.memory_space<vmem>>)
      tpu.yield
    }) : () -> ()
    %dma_start3A_9 = arith.constant 0 : i32
    %dma_start3A_10 = arith.constant 0 : i32
    %dma_start3A_11 = tpu.memref_slice %arg2[%dma_start3A_9, %dma_start3A_10] : memref<11776x1024xf32, #tpu.memory_space<hbm>> -> memref<11776x1024xf32, #tpu.memory_space<hbm>>
    tpu.enqueue_indirect_dma source(%dma_start3A_11 : memref<11776x1024xf32, #tpu.memory_space<hbm>>) target(%arg9 : memref<32x1024xf32, #tpu.memory_space<vmem>>) offsets(%arg6 : memref<32xi32, #tpu.memory_space<vmem>>) semaphore(%arg12 : memref<!tpu.dma_semaphore, #tpu.memory_space<semaphore_mem>>)
    %add3A_12 = arith.constant 64 : i32
    %add3A_13 = arith.addi %mul3A_2, %add3A_12 : i32
    "tpu.region"() ({
      %run_scoped3A = tpu.sem_alloc : memref<!tpu.dma_semaphore, #tpu.memory_space<semaphore_mem>>
      %dma_start3A_145 = tpu.memref_slice %arg3[%add3A_13] : memref<8192xi32, #tpu.memory_space<hbm>> -> memref<32xi32, #tpu.memory_space<hbm>>
      %dma_start3A_146 = tpu.memref_slice %arg3[%add3A_13] : memref<8192xi32, #tpu.memory_space<hbm>> -> memref<32xi32, #tpu.memory_space<hbm>>
      tpu.enqueue_dma source(%dma_start3A_146 : memref<32xi32, #tpu.memory_space<hbm>>) target(%arg7 : memref<32xi32, #tpu.memory_space<vmem>>) target_semaphore(%run_scoped3A : memref<!tpu.dma_semaphore, #tpu.memory_space<semaphore_mem>>)
      %dma_wait3A_147 = tpu.memref_slice %arg3[%add3A_13] : memref<8192xi32, #tpu.memory_space<hbm>> -> memref<32xi32, #tpu.memory_space<hbm>>
      %dma_wait3A_148 = tpu.memref_slice %arg3[%add3A_13] : memref<8192xi32, #tpu.memory_space<hbm>> -> memref<32xi32, #tpu.memory_space<hbm>>
      tpu.wait_dma2 semaphore(%run_scoped3A : memref<!tpu.dma_semaphore, #tpu.memory_space<semaphore_mem>>) src(%dma_wait3A_148 : memref<32xi32, #tpu.memory_space<hbm>>) dst(%arg7 : memref<32xi32, #tpu.memory_space<vmem>>)
      tpu.yield
    }) : () -> ()
    %dma_start3A_14 = arith.constant 0 : i32
    %dma_start3A_15 = arith.constant 0 : i32
    %dma_start3A_16 = tpu.memref_slice %arg2[%dma_start3A_14, %dma_start3A_15] : memref<11776x1024xf32, #tpu.memory_space<hbm>> -> memref<11776x1024xf32, #tpu.memory_space<hbm>>
    tpu.enqueue_indirect_dma source(%dma_start3A_16 : memref<11776x1024xf32, #tpu.memory_space<hbm>>) target(%arg10 : memref<32x1024xf32, #tpu.memory_space<vmem>>) offsets(%arg7 : memref<32xi32, #tpu.memory_space<vmem>>) semaphore(%arg13 : memref<!tpu.dma_semaphore, #tpu.memory_space<semaphore_mem>>)
    %add3A_17 = arith.constant 0 : i32
    %add3A_18 = arith.addi %mul3A_2, %add3A_17 : i32
    %dma_wait3A = arith.constant 0 : i32
    %dma_wait3A_19 = arith.constant 0 : i32
    %dma_wait3A_20 = tpu.memref_slice %arg2[%dma_wait3A, %dma_wait3A_19] : memref<11776x1024xf32, #tpu.memory_space<hbm>> -> memref<11776x1024xf32, #tpu.memory_space<hbm>>
    tpu.wait_indirect_dma semaphore(%arg11 : memref<!tpu.dma_semaphore, #tpu.memory_space<semaphore_mem>>) src(%dma_wait3A_20 : memref<11776x1024xf32, #tpu.memory_space<hbm>>) dst(%arg8 : memref<32x1024xf32, #tpu.memory_space<vmem>>)
    %dma_start3A_21 = arith.constant 0 : i32
    %dma_start3A_22 = tpu.memref_slice %arg4[%add3A_18, %dma_start3A_21] : memref<8192x1024xf32, #tpu.memory_space<hbm>> -> memref<32x1024xf32, #tpu.memory_space<hbm>>
    %dma_start3A_23 = arith.constant 0 : i32
    %dma_start3A_24 = tpu.memref_slice %arg4[%add3A_18, %dma_start3A_23] : memref<8192x1024xf32, #tpu.memory_space<hbm>> -> memref<32x1024xf32, #tpu.memory_space<hbm>>
    tpu.enqueue_dma source(%arg8 : memref<32x1024xf32, #tpu.memory_space<vmem>>) target(%dma_start3A_24 : memref<32x1024xf32, #tpu.memory_space<hbm>>) target_semaphore(%arg14 : memref<!tpu.dma_semaphore, #tpu.memory_space<semaphore_mem>>)
    %dma_wait3A_25 = arith.constant 0 : i32
    %dma_wait3A_26 = tpu.memref_slice %arg4[%add3A_18, %dma_wait3A_25] : memref<8192x1024xf32, #tpu.memory_space<hbm>> -> memref<32x1024xf32, #tpu.memory_space<hbm>>
    %dma_wait3A_27 = arith.constant 0 : i32
    %dma_wait3A_28 = tpu.memref_slice %arg4[%add3A_18, %dma_wait3A_27] : memref<8192x1024xf32, #tpu.memory_space<hbm>> -> memref<32x1024xf32, #tpu.memory_space<hbm>>
    tpu.wait_dma2 semaphore(%arg14 : memref<!tpu.dma_semaphore, #tpu.memory_space<semaphore_mem>>) src(%arg8 : memref<32x1024xf32, #tpu.memory_space<vmem>>) dst(%dma_wait3A_28 : memref<32x1024xf32, #tpu.memory_space<hbm>>)
    %add3A_29 = arith.constant 96 : i32
    %add3A_30 = arith.addi %mul3A_2, %add3A_29 : i32
    "tpu.region"() ({
      %run_scoped3A = tpu.sem_alloc : memref<!tpu.dma_semaphore, #tpu.memory_space<semaphore_mem>>
      %dma_start3A_145 = tpu.memref_slice %arg3[%add3A_30] : memref<8192xi32, #tpu.memory_space<hbm>> -> memref<32xi32, #tpu.memory_space<hbm>>
      %dma_start3A_146 = tpu.memref_slice %arg3[%add3A_30] : memref<8192xi32, #tpu.memory_space<hbm>> -> memref<32xi32, #tpu.memory_space<hbm>>
      tpu.enqueue_dma source(%dma_start3A_146 : memref<32xi32, #tpu.memory_space<hbm>>) target(%arg5 : memref<32xi32, #tpu.memory_space<vmem>>) target_semaphore(%run_scoped3A : memref<!tpu.dma_semaphore, #tpu.memory_space<semaphore_mem>>)
      %dma_wait3A_147 = tpu.memref_slice %arg3[%add3A_30] : memref<8192xi32, #tpu.memory_space<hbm>> -> memref<32xi32, #tpu.memory_space<hbm>>
      %dma_wait3A_148 = tpu.memref_slice %arg3[%add3A_30] : memref<8192xi32, #tpu.memory_space<hbm>> -> memref<32xi32, #tpu.memory_space<hbm>>
      tpu.wait_dma2 semaphore(%run_scoped3A : memref<!tpu.dma_semaphore, #tpu.memory_space<semaphore_mem>>) src(%dma_wait3A_148 : memref<32xi32, #tpu.memory_space<hbm>>) dst(%arg5 : memref<32xi32, #tpu.memory_space<vmem>>)
      tpu.yield
    }) : () -> ()
    %dma_start3A_31 = arith.constant 0 : i32
    %dma_start3A_32 = arith.constant 0 : i32
    %dma_start3A_33 = tpu.memref_slice %arg2[%dma_start3A_31, %dma_start3A_32] : memref<11776x1024xf32, #tpu.memory_space<hbm>> -> memref<11776x1024xf32, #tpu.memory_space<hbm>>
    tpu.enqueue_indirect_dma source(%dma_start3A_33 : memref<11776x1024xf32, #tpu.memory_space<hbm>>) target(%arg8 : memref<32x1024xf32, #tpu.memory_space<vmem>>) offsets(%arg5 : memref<32xi32, #tpu.memory_space<vmem>>) semaphore(%arg11 : memref<!tpu.dma_semaphore, #tpu.memory_space<semaphore_mem>>)
    %add3A_34 = arith.constant 32 : i32
    %add3A_35 = arith.addi %mul3A_2, %add3A_34 : i32
    %dma_wait3A_36 = arith.constant 0 : i32
    %dma_wait3A_37 = arith.constant 0 : i32
    %dma_wait3A_38 = tpu.memref_slice %arg2[%dma_wait3A_36, %dma_wait3A_37] : memref<11776x1024xf32, #tpu.memory_space<hbm>> -> memref<11776x1024xf32, #tpu.memory_space<hbm>>
    tpu.wait_indirect_dma semaphore(%arg12 : memref<!tpu.dma_semaphore, #tpu.memory_space<semaphore_mem>>) src(%dma_wait3A_38 : memref<11776x1024xf32, #tpu.memory_space<hbm>>) dst(%arg9 : memref<32x1024xf32, #tpu.memory_space<vmem>>)
    %dma_start3A_39 = arith.constant 0 : i32
    %dma_start3A_40 = tpu.memref_slice %arg4[%add3A_35, %dma_start3A_39] : memref<8192x1024xf32, #tpu.memory_space<hbm>> -> memref<32x1024xf32, #tpu.memory_space<hbm>>
    %dma_start3A_41 = arith.constant 0 : i32
    %dma_start3A_42 = tpu.memref_slice %arg4[%add3A_35, %dma_start3A_41] : memref<8192x1024xf32, #tpu.memory_space<hbm>> -> memref<32x1024xf32, #tpu.memory_space<hbm>>
    tpu.enqueue_dma source(%arg9 : memref<32x1024xf32, #tpu.memory_space<vmem>>) target(%dma_start3A_42 : memref<32x1024xf32, #tpu.memory_space<hbm>>) target_semaphore(%arg15 : memref<!tpu.dma_semaphore, #tpu.memory_space<semaphore_mem>>)
    %dma_wait3A_43 = arith.constant 0 : i32
    %dma_wait3A_44 = tpu.memref_slice %arg4[%add3A_35, %dma_wait3A_43] : memref<8192x1024xf32, #tpu.memory_space<hbm>> -> memref<32x1024xf32, #tpu.memory_space<hbm>>
    %dma_wait3A_45 = arith.constant 0 : i32
    %dma_wait3A_46 = tpu.memref_slice %arg4[%add3A_35, %dma_wait3A_45] : memref<8192x1024xf32, #tpu.memory_space<hbm>> -> memref<32x1024xf32, #tpu.memory_space<hbm>>
    tpu.wait_dma2 semaphore(%arg15 : memref<!tpu.dma_semaphore, #tpu.memory_space<semaphore_mem>>) src(%arg9 : memref<32x1024xf32, #tpu.memory_space<vmem>>) dst(%dma_wait3A_46 : memref<32x1024xf32, #tpu.memory_space<hbm>>)
    %add3A_47 = arith.constant 128 : i32
    %add3A_48 = arith.addi %mul3A_2, %add3A_47 : i32
    "tpu.region"() ({
      %run_scoped3A = tpu.sem_alloc : memref<!tpu.dma_semaphore, #tpu.memory_space<semaphore_mem>>
      %dma_start3A_145 = tpu.memref_slice %arg3[%add3A_48] : memref<8192xi32, #tpu.memory_space<hbm>> -> memref<32xi32, #tpu.memory_space<hbm>>
      %dma_start3A_146 = tpu.memref_slice %arg3[%add3A_48] : memref<8192xi32, #tpu.memory_space<hbm>> -> memref<32xi32, #tpu.memory_space<hbm>>
      tpu.enqueue_dma source(%dma_start3A_146 : memref<32xi32, #tpu.memory_space<hbm>>) target(%arg6 : memref<32xi32, #tpu.memory_space<vmem>>) target_semaphore(%run_scoped3A : memref<!tpu.dma_semaphore, #tpu.memory_space<semaphore_mem>>)
      %dma_wait3A_147 = tpu.memref_slice %arg3[%add3A_48] : memref<8192xi32, #tpu.memory_space<hbm>> -> memref<32xi32, #tpu.memory_space<hbm>>
      %dma_wait3A_148 = tpu.memref_slice %arg3[%add3A_48] : memref<8192xi32, #tpu.memory_space<hbm>> -> memref<32xi32, #tpu.memory_space<hbm>>
      tpu.wait_dma2 semaphore(%run_scoped3A : memref<!tpu.dma_semaphore, #tpu.memory_space<semaphore_mem>>) src(%dma_wait3A_148 : memref<32xi32, #tpu.memory_space<hbm>>) dst(%arg6 : memref<32xi32, #tpu.memory_space<vmem>>)
      tpu.yield
    }) : () -> ()
    %dma_start3A_49 = arith.constant 0 : i32
    %dma_start3A_50 = arith.constant 0 : i32
    %dma_start3A_51 = tpu.memref_slice %arg2[%dma_start3A_49, %dma_start3A_50] : memref<11776x1024xf32, #tpu.memory_space<hbm>> -> memref<11776x1024xf32, #tpu.memory_space<hbm>>
    tpu.enqueue_indirect_dma source(%dma_start3A_51 : memref<11776x1024xf32, #tpu.memory_space<hbm>>) target(%arg9 : memref<32x1024xf32, #tpu.memory_space<vmem>>) offsets(%arg6 : memref<32xi32, #tpu.memory_space<vmem>>) semaphore(%arg12 : memref<!tpu.dma_semaphore, #tpu.memory_space<semaphore_mem>>)
    %add3A_52 = arith.constant 64 : i32
    %add3A_53 = arith.addi %mul3A_2, %add3A_52 : i32
    %dma_wait3A_54 = arith.constant 0 : i32
    %dma_wait3A_55 = arith.constant 0 : i32
    %dma_wait3A_56 = tpu.memref_slice %arg2[%dma_wait3A_54, %dma_wait3A_55] : memref<11776x1024xf32, #tpu.memory_space<hbm>> -> memref<11776x1024xf32, #tpu.memory_space<hbm>>
    tpu.wait_indirect_dma semaphore(%arg13 : memref<!tpu.dma_semaphore, #tpu.memory_space<semaphore_mem>>) src(%dma_wait3A_56 : memref<11776x1024xf32, #tpu.memory_space<hbm>>) dst(%arg10 : memref<32x1024xf32, #tpu.memory_space<vmem>>)
    %dma_start3A_57 = arith.constant 0 : i32
    %dma_start3A_58 = tpu.memref_slice %arg4[%add3A_53, %dma_start3A_57] : memref<8192x1024xf32, #tpu.memory_space<hbm>> -> memref<32x1024xf32, #tpu.memory_space<hbm>>
    %dma_start3A_59 = arith.constant 0 : i32
    %dma_start3A_60 = tpu.memref_slice %arg4[%add3A_53, %dma_start3A_59] : memref<8192x1024xf32, #tpu.memory_space<hbm>> -> memref<32x1024xf32, #tpu.memory_space<hbm>>
    tpu.enqueue_dma source(%arg10 : memref<32x1024xf32, #tpu.memory_space<vmem>>) target(%dma_start3A_60 : memref<32x1024xf32, #tpu.memory_space<hbm>>) target_semaphore(%arg16 : memref<!tpu.dma_semaphore, #tpu.memory_space<semaphore_mem>>)
    %dma_wait3A_61 = arith.constant 0 : i32
    %dma_wait3A_62 = tpu.memref_slice %arg4[%add3A_53, %dma_wait3A_61] : memref<8192x1024xf32, #tpu.memory_space<hbm>> -> memref<32x1024xf32, #tpu.memory_space<hbm>>
    %dma_wait3A_63 = arith.constant 0 : i32
    %dma_wait3A_64 = tpu.memref_slice %arg4[%add3A_53, %dma_wait3A_63] : memref<8192x1024xf32, #tpu.memory_space<hbm>> -> memref<32x1024xf32, #tpu.memory_space<hbm>>
    tpu.wait_dma2 semaphore(%arg16 : memref<!tpu.dma_semaphore, #tpu.memory_space<semaphore_mem>>) src(%arg10 : memref<32x1024xf32, #tpu.memory_space<vmem>>) dst(%dma_wait3A_64 : memref<32x1024xf32, #tpu.memory_space<hbm>>)
    %add3A_65 = arith.constant 160 : i32
    %add3A_66 = arith.addi %mul3A_2, %add3A_65 : i32
    "tpu.region"() ({
      %run_scoped3A = tpu.sem_alloc : memref<!tpu.dma_semaphore, #tpu.memory_space<semaphore_mem>>
      %dma_start3A_145 = tpu.memref_slice %arg3[%add3A_66] : memref<8192xi32, #tpu.memory_space<hbm>> -> memref<32xi32, #tpu.memory_space<hbm>>
      %dma_start3A_146 = tpu.memref_slice %arg3[%add3A_66] : memref<8192xi32, #tpu.memory_space<hbm>> -> memref<32xi32, #tpu.memory_space<hbm>>
      tpu.enqueue_dma source(%dma_start3A_146 : memref<32xi32, #tpu.memory_space<hbm>>) target(%arg7 : memref<32xi32, #tpu.memory_space<vmem>>) target_semaphore(%run_scoped3A : memref<!tpu.dma_semaphore, #tpu.memory_space<semaphore_mem>>)
      %dma_wait3A_147 = tpu.memref_slice %arg3[%add3A_66] : memref<8192xi32, #tpu.memory_space<hbm>> -> memref<32xi32, #tpu.memory_space<hbm>>
      %dma_wait3A_148 = tpu.memref_slice %arg3[%add3A_66] : memref<8192xi32, #tpu.memory_space<hbm>> -> memref<32xi32, #tpu.memory_space<hbm>>
      tpu.wait_dma2 semaphore(%run_scoped3A : memref<!tpu.dma_semaphore, #tpu.memory_space<semaphore_mem>>) src(%dma_wait3A_148 : memref<32xi32, #tpu.memory_space<hbm>>) dst(%arg7 : memref<32xi32, #tpu.memory_space<vmem>>)
      tpu.yield
    }) : () -> ()
    %dma_start3A_67 = arith.constant 0 : i32
    %dma_start3A_68 = arith.constant 0 : i32
    %dma_start3A_69 = tpu.memref_slice %arg2[%dma_start3A_67, %dma_start3A_68] : memref<11776x1024xf32, #tpu.memory_space<hbm>> -> memref<11776x1024xf32, #tpu.memory_space<hbm>>
    tpu.enqueue_indirect_dma source(%dma_start3A_69 : memref<11776x1024xf32, #tpu.memory_space<hbm>>) target(%arg10 : memref<32x1024xf32, #tpu.memory_space<vmem>>) offsets(%arg7 : memref<32xi32, #tpu.memory_space<vmem>>) semaphore(%arg13 : memref<!tpu.dma_semaphore, #tpu.memory_space<semaphore_mem>>)
    %add3A_70 = arith.constant 96 : i32
    %add3A_71 = arith.addi %mul3A_2, %add3A_70 : i32
    %dma_wait3A_72 = arith.constant 0 : i32
    %dma_wait3A_73 = arith.constant 0 : i32
    %dma_wait3A_74 = tpu.memref_slice %arg2[%dma_wait3A_72, %dma_wait3A_73] : memref<11776x1024xf32, #tpu.memory_space<hbm>> -> memref<11776x1024xf32, #tpu.memory_space<hbm>>
    tpu.wait_indirect_dma semaphore(%arg11 : memref<!tpu.dma_semaphore, #tpu.memory_space<semaphore_mem>>) src(%dma_wait3A_74 : memref<11776x1024xf32, #tpu.memory_space<hbm>>) dst(%arg8 : memref<32x1024xf32, #tpu.memory_space<vmem>>)
    %dma_start3A_75 = arith.constant 0 : i32
    %dma_start3A_76 = tpu.memref_slice %arg4[%add3A_71, %dma_start3A_75] : memref<8192x1024xf32, #tpu.memory_space<hbm>> -> memref<32x1024xf32, #tpu.memory_space<hbm>>
    %dma_start3A_77 = arith.constant 0 : i32
    %dma_start3A_78 = tpu.memref_slice %arg4[%add3A_71, %dma_start3A_77] : memref<8192x1024xf32, #tpu.memory_space<hbm>> -> memref<32x1024xf32, #tpu.memory_space<hbm>>
    tpu.enqueue_dma source(%arg8 : memref<32x1024xf32, #tpu.memory_space<vmem>>) target(%dma_start3A_78 : memref<32x1024xf32, #tpu.memory_space<hbm>>) target_semaphore(%arg14 : memref<!tpu.dma_semaphore, #tpu.memory_space<semaphore_mem>>)
    %dma_wait3A_79 = arith.constant 0 : i32
    %dma_wait3A_80 = tpu.memref_slice %arg4[%add3A_71, %dma_wait3A_79] : memref<8192x1024xf32, #tpu.memory_space<hbm>> -> memref<32x1024xf32, #tpu.memory_space<hbm>>
    %dma_wait3A_81 = arith.constant 0 : i32
    %dma_wait3A_82 = tpu.memref_slice %arg4[%add3A_71, %dma_wait3A_81] : memref<8192x1024xf32, #tpu.memory_space<hbm>> -> memref<32x1024xf32, #tpu.memory_space<hbm>>
    tpu.wait_dma2 semaphore(%arg14 : memref<!tpu.dma_semaphore, #tpu.memory_space<semaphore_mem>>) src(%arg8 : memref<32x1024xf32, #tpu.memory_space<vmem>>) dst(%dma_wait3A_82 : memref<32x1024xf32, #tpu.memory_space<hbm>>)
    %add3A_83 = arith.constant 192 : i32
    %add3A_84 = arith.addi %mul3A_2, %add3A_83 : i32
    "tpu.region"() ({
      %run_scoped3A = tpu.sem_alloc : memref<!tpu.dma_semaphore, #tpu.memory_space<semaphore_mem>>
      %dma_start3A_145 = tpu.memref_slice %arg3[%add3A_84] : memref<8192xi32, #tpu.memory_space<hbm>> -> memref<32xi32, #tpu.memory_space<hbm>>
      %dma_start3A_146 = tpu.memref_slice %arg3[%add3A_84] : memref<8192xi32, #tpu.memory_space<hbm>> -> memref<32xi32, #tpu.memory_space<hbm>>
      tpu.enqueue_dma source(%dma_start3A_146 : memref<32xi32, #tpu.memory_space<hbm>>) target(%arg5 : memref<32xi32, #tpu.memory_space<vmem>>) target_semaphore(%run_scoped3A : memref<!tpu.dma_semaphore, #tpu.memory_space<semaphore_mem>>)
      %dma_wait3A_147 = tpu.memref_slice %arg3[%add3A_84] : memref<8192xi32, #tpu.memory_space<hbm>> -> memref<32xi32, #tpu.memory_space<hbm>>
      %dma_wait3A_148 = tpu.memref_slice %arg3[%add3A_84] : memref<8192xi32, #tpu.memory_space<hbm>> -> memref<32xi32, #tpu.memory_space<hbm>>
      tpu.wait_dma2 semaphore(%run_scoped3A : memref<!tpu.dma_semaphore, #tpu.memory_space<semaphore_mem>>) src(%dma_wait3A_148 : memref<32xi32, #tpu.memory_space<hbm>>) dst(%arg5 : memref<32xi32, #tpu.memory_space<vmem>>)
      tpu.yield
    }) : () -> ()
    %dma_start3A_85 = arith.constant 0 : i32
    %dma_start3A_86 = arith.constant 0 : i32
    %dma_start3A_87 = tpu.memref_slice %arg2[%dma_start3A_85, %dma_start3A_86] : memref<11776x1024xf32, #tpu.memory_space<hbm>> -> memref<11776x1024xf32, #tpu.memory_space<hbm>>
    tpu.enqueue_indirect_dma source(%dma_start3A_87 : memref<11776x1024xf32, #tpu.memory_space<hbm>>) target(%arg8 : memref<32x1024xf32, #tpu.memory_space<vmem>>) offsets(%arg5 : memref<32xi32, #tpu.memory_space<vmem>>) semaphore(%arg11 : memref<!tpu.dma_semaphore, #tpu.memory_space<semaphore_mem>>)
    %add3A_88 = arith.constant 128 : i32
    %add3A_89 = arith.addi %mul3A_2, %add3A_88 : i32
    %dma_wait3A_90 = arith.constant 0 : i32
    %dma_wait3A_91 = arith.constant 0 : i32
    %dma_wait3A_92 = tpu.memref_slice %arg2[%dma_wait3A_90, %dma_wait3A_91] : memref<11776x1024xf32, #tpu.memory_space<hbm>> -> memref<11776x1024xf32, #tpu.memory_space<hbm>>
    tpu.wait_indirect_dma semaphore(%arg12 : memref<!tpu.dma_semaphore, #tpu.memory_space<semaphore_mem>>) src(%dma_wait3A_92 : memref<11776x1024xf32, #tpu.memory_space<hbm>>) dst(%arg9 : memref<32x1024xf32, #tpu.memory_space<vmem>>)
    %dma_start3A_93 = arith.constant 0 : i32
    %dma_start3A_94 = tpu.memref_slice %arg4[%add3A_89, %dma_start3A_93] : memref<8192x1024xf32, #tpu.memory_space<hbm>> -> memref<32x1024xf32, #tpu.memory_space<hbm>>
    %dma_start3A_95 = arith.constant 0 : i32
    %dma_start3A_96 = tpu.memref_slice %arg4[%add3A_89, %dma_start3A_95] : memref<8192x1024xf32, #tpu.memory_space<hbm>> -> memref<32x1024xf32, #tpu.memory_space<hbm>>
    tpu.enqueue_dma source(%arg9 : memref<32x1024xf32, #tpu.memory_space<vmem>>) target(%dma_start3A_96 : memref<32x1024xf32, #tpu.memory_space<hbm>>) target_semaphore(%arg15 : memref<!tpu.dma_semaphore, #tpu.memory_space<semaphore_mem>>)
    %dma_wait3A_97 = arith.constant 0 : i32
    %dma_wait3A_98 = tpu.memref_slice %arg4[%add3A_89, %dma_wait3A_97] : memref<8192x1024xf32, #tpu.memory_space<hbm>> -> memref<32x1024xf32, #tpu.memory_space<hbm>>
    %dma_wait3A_99 = arith.constant 0 : i32
    %dma_wait3A_100 = tpu.memref_slice %arg4[%add3A_89, %dma_wait3A_99] : memref<8192x1024xf32, #tpu.memory_space<hbm>> -> memref<32x1024xf32, #tpu.memory_space<hbm>>
    tpu.wait_dma2 semaphore(%arg15 : memref<!tpu.dma_semaphore, #tpu.memory_space<semaphore_mem>>) src(%arg9 : memref<32x1024xf32, #tpu.memory_space<vmem>>) dst(%dma_wait3A_100 : memref<32x1024xf32, #tpu.memory_space<hbm>>)
    %add3A_101 = arith.constant 224 : i32
    %add3A_102 = arith.addi %mul3A_2, %add3A_101 : i32
    "tpu.region"() ({
      %run_scoped3A = tpu.sem_alloc : memref<!tpu.dma_semaphore, #tpu.memory_space<semaphore_mem>>
      %dma_start3A_145 = tpu.memref_slice %arg3[%add3A_102] : memref<8192xi32, #tpu.memory_space<hbm>> -> memref<32xi32, #tpu.memory_space<hbm>>
      %dma_start3A_146 = tpu.memref_slice %arg3[%add3A_102] : memref<8192xi32, #tpu.memory_space<hbm>> -> memref<32xi32, #tpu.memory_space<hbm>>
      tpu.enqueue_dma source(%dma_start3A_146 : memref<32xi32, #tpu.memory_space<hbm>>) target(%arg6 : memref<32xi32, #tpu.memory_space<vmem>>) target_semaphore(%run_scoped3A : memref<!tpu.dma_semaphore, #tpu.memory_space<semaphore_mem>>)
      %dma_wait3A_147 = tpu.memref_slice %arg3[%add3A_102] : memref<8192xi32, #tpu.memory_space<hbm>> -> memref<32xi32, #tpu.memory_space<hbm>>
      %dma_wait3A_148 = tpu.memref_slice %arg3[%add3A_102] : memref<8192xi32, #tpu.memory_space<hbm>> -> memref<32xi32, #tpu.memory_space<hbm>>
      tpu.wait_dma2 semaphore(%run_scoped3A : memref<!tpu.dma_semaphore, #tpu.memory_space<semaphore_mem>>) src(%dma_wait3A_148 : memref<32xi32, #tpu.memory_space<hbm>>) dst(%arg6 : memref<32xi32, #tpu.memory_space<vmem>>)
      tpu.yield
    }) : () -> ()
    %dma_start3A_103 = arith.constant 0 : i32
    %dma_start3A_104 = arith.constant 0 : i32
    %dma_start3A_105 = tpu.memref_slice %arg2[%dma_start3A_103, %dma_start3A_104] : memref<11776x1024xf32, #tpu.memory_space<hbm>> -> memref<11776x1024xf32, #tpu.memory_space<hbm>>
    tpu.enqueue_indirect_dma source(%dma_start3A_105 : memref<11776x1024xf32, #tpu.memory_space<hbm>>) target(%arg9 : memref<32x1024xf32, #tpu.memory_space<vmem>>) offsets(%arg6 : memref<32xi32, #tpu.memory_space<vmem>>) semaphore(%arg12 : memref<!tpu.dma_semaphore, #tpu.memory_space<semaphore_mem>>)
    %add3A_106 = arith.constant 160 : i32
    %add3A_107 = arith.addi %mul3A_2, %add3A_106 : i32
    %dma_wait3A_108 = arith.constant 0 : i32
    %dma_wait3A_109 = arith.constant 0 : i32
    %dma_wait3A_110 = tpu.memref_slice %arg2[%dma_wait3A_108, %dma_wait3A_109] : memref<11776x1024xf32, #tpu.memory_space<hbm>> -> memref<11776x1024xf32, #tpu.memory_space<hbm>>
    tpu.wait_indirect_dma semaphore(%arg13 : memref<!tpu.dma_semaphore, #tpu.memory_space<semaphore_mem>>) src(%dma_wait3A_110 : memref<11776x1024xf32, #tpu.memory_space<hbm>>) dst(%arg10 : memref<32x1024xf32, #tpu.memory_space<vmem>>)
    %dma_start3A_111 = arith.constant 0 : i32
    %dma_start3A_112 = tpu.memref_slice %arg4[%add3A_107, %dma_start3A_111] : memref<8192x1024xf32, #tpu.memory_space<hbm>> -> memref<32x1024xf32, #tpu.memory_space<hbm>>
    %dma_start3A_113 = arith.constant 0 : i32
    %dma_start3A_114 = tpu.memref_slice %arg4[%add3A_107, %dma_start3A_113] : memref<8192x1024xf32, #tpu.memory_space<hbm>> -> memref<32x1024xf32, #tpu.memory_space<hbm>>
    tpu.enqueue_dma source(%arg10 : memref<32x1024xf32, #tpu.memory_space<vmem>>) target(%dma_start3A_114 : memref<32x1024xf32, #tpu.memory_space<hbm>>) target_semaphore(%arg16 : memref<!tpu.dma_semaphore, #tpu.memory_space<semaphore_mem>>)
    %add3A_115 = arith.constant 192 : i32
    %add3A_116 = arith.addi %mul3A_2, %add3A_115 : i32
    %dma_wait3A_117 = arith.constant 0 : i32
    %dma_wait3A_118 = arith.constant 0 : i32
    %dma_wait3A_119 = tpu.memref_slice %arg2[%dma_wait3A_117, %dma_wait3A_118] : memref<11776x1024xf32, #tpu.memory_space<hbm>> -> memref<11776x1024xf32, #tpu.memory_space<hbm>>
    tpu.wait_indirect_dma semaphore(%arg11 : memref<!tpu.dma_semaphore, #tpu.memory_space<semaphore_mem>>) src(%dma_wait3A_119 : memref<11776x1024xf32, #tpu.memory_space<hbm>>) dst(%arg8 : memref<32x1024xf32, #tpu.memory_space<vmem>>)
    %dma_start3A_120 = arith.constant 0 : i32
    %dma_start3A_121 = tpu.memref_slice %arg4[%add3A_116, %dma_start3A_120] : memref<8192x1024xf32, #tpu.memory_space<hbm>> -> memref<32x1024xf32, #tpu.memory_space<hbm>>
    %dma_start3A_122 = arith.constant 0 : i32
    %dma_start3A_123 = tpu.memref_slice %arg4[%add3A_116, %dma_start3A_122] : memref<8192x1024xf32, #tpu.memory_space<hbm>> -> memref<32x1024xf32, #tpu.memory_space<hbm>>
    tpu.enqueue_dma source(%arg8 : memref<32x1024xf32, #tpu.memory_space<vmem>>) target(%dma_start3A_123 : memref<32x1024xf32, #tpu.memory_space<hbm>>) target_semaphore(%arg14 : memref<!tpu.dma_semaphore, #tpu.memory_space<semaphore_mem>>)
    %add3A_124 = arith.constant 224 : i32
    %add3A_125 = arith.addi %mul3A_2, %add3A_124 : i32
    %dma_wait3A_126 = arith.constant 0 : i32
    %dma_wait3A_127 = arith.constant 0 : i32
    %dma_wait3A_128 = tpu.memref_slice %arg2[%dma_wait3A_126, %dma_wait3A_127] : memref<11776x1024xf32, #tpu.memory_space<hbm>> -> memref<11776x1024xf32, #tpu.memory_space<hbm>>
    tpu.wait_indirect_dma semaphore(%arg12 : memref<!tpu.dma_semaphore, #tpu.memory_space<semaphore_mem>>) src(%dma_wait3A_128 : memref<11776x1024xf32, #tpu.memory_space<hbm>>) dst(%arg9 : memref<32x1024xf32, #tpu.memory_space<vmem>>)
    %dma_start3A_129 = arith.constant 0 : i32
    %dma_start3A_130 = tpu.memref_slice %arg4[%add3A_125, %dma_start3A_129] : memref<8192x1024xf32, #tpu.memory_space<hbm>> -> memref<32x1024xf32, #tpu.memory_space<hbm>>
    %dma_start3A_131 = arith.constant 0 : i32
    %dma_start3A_132 = tpu.memref_slice %arg4[%add3A_125, %dma_start3A_131] : memref<8192x1024xf32, #tpu.memory_space<hbm>> -> memref<32x1024xf32, #tpu.memory_space<hbm>>
    tpu.enqueue_dma source(%arg9 : memref<32x1024xf32, #tpu.memory_space<vmem>>) target(%dma_start3A_132 : memref<32x1024xf32, #tpu.memory_space<hbm>>) target_semaphore(%arg15 : memref<!tpu.dma_semaphore, #tpu.memory_space<semaphore_mem>>)
    %dma_wait3A_133 = arith.constant 0 : i32
    %dma_wait3A_134 = tpu.memref_slice %arg4[%add3A_107, %dma_wait3A_133] : memref<8192x1024xf32, #tpu.memory_space<hbm>> -> memref<32x1024xf32, #tpu.memory_space<hbm>>
    %dma_wait3A_135 = arith.constant 0 : i32
    %dma_wait3A_136 = tpu.memref_slice %arg4[%add3A_107, %dma_wait3A_135] : memref<8192x1024xf32, #tpu.memory_space<hbm>> -> memref<32x1024xf32, #tpu.memory_space<hbm>>
    tpu.wait_dma2 semaphore(%arg16 : memref<!tpu.dma_semaphore, #tpu.memory_space<semaphore_mem>>) src(%arg10 : memref<32x1024xf32, #tpu.memory_space<vmem>>) dst(%dma_wait3A_136 : memref<32x1024xf32, #tpu.memory_space<hbm>>)
    %dma_wait3A_137 = arith.constant 0 : i32
    %dma_wait3A_138 = tpu.memref_slice %arg4[%add3A_116, %dma_wait3A_137] : memref<8192x1024xf32, #tpu.memory_space<hbm>> -> memref<32x1024xf32, #tpu.memory_space<hbm>>
    %dma_wait3A_139 = arith.constant 0 : i32
    %dma_wait3A_140 = tpu.memref_slice %arg4[%add3A_116, %dma_wait3A_139] : memref<8192x1024xf32, #tpu.memory_space<hbm>> -> memref<32x1024xf32, #tpu.memory_space<hbm>>
    tpu.wait_dma2 semaphore(%arg14 : memref<!tpu.dma_semaphore, #tpu.memory_space<semaphore_mem>>) src(%arg8 : memref<32x1024xf32, #tpu.memory_space<vmem>>) dst(%dma_wait3A_140 : memref<32x1024xf32, #tpu.memory_space<hbm>>)
    %dma_wait3A_141 = arith.constant 0 : i32
    %dma_wait3A_142 = tpu.memref_slice %arg4[%add3A_125, %dma_wait3A_141] : memref<8192x1024xf32, #tpu.memory_space<hbm>> -> memref<32x1024xf32, #tpu.memory_space<hbm>>
    %dma_wait3A_143 = arith.constant 0 : i32
    %dma_wait3A_144 = tpu.memref_slice %arg4[%add3A_125, %dma_wait3A_143] : memref<8192x1024xf32, #tpu.memory_space<hbm>> -> memref<32x1024xf32, #tpu.memory_space<hbm>>
    tpu.wait_dma2 semaphore(%arg15 : memref<!tpu.dma_semaphore, #tpu.memory_space<semaphore_mem>>) src(%arg9 : memref<32x1024xf32, #tpu.memory_space<vmem>>) dst(%dma_wait3A_144 : memref<32x1024xf32, #tpu.memory_space<hbm>>)
    return
  }
}

module attributes {stable_mosaic.version = 14 : i64} {
  func.func @_mm_body(%arg0: i32, %arg1: memref<128xi32, #tpu.memory_space<smem>>, %arg2: memref<512x1024xf32, #tpu.memory_space<vmem>>, %arg3: memref<1x1024x1024xf32, #tpu.memory_space<vmem>>, %arg4: memref<1x1x1024xf32, #tpu.memory_space<vmem>>, %arg5: memref<512x1024xf32, #tpu.memory_space<vmem>>) attributes {dimension_semantics = [#tpu.dimension_semantics<arbitrary>], iteration_bounds = array<i64: 23>, scalar_prefetch = 1 : i64, scratch_operands = 0 : i64, tpu.core_type = #tpu.core_type<tc>, window_params = [{transform_indices = @transform_0, window_bounds = array<i64: 512, 1024>}, {transform_indices = @transform_1, window_bounds = array<i64: 1, 1024, 1024>}, {transform_indices = @transform_2, window_bounds = array<i64: 1, 1, 1024>}, {transform_indices = @transform_3, window_bounds = array<i64: 512, 1024>}]} {
    %get3A = arith.constant 0 : index
    %get3A_0 = arith.constant 0 : index
    %get3A_1 = vector.load %arg2[%get3A, %get3A_0] : memref<512x1024xf32, #tpu.memory_space<vmem>>, vector<512x1024xf32>
    %get3A_2 = arith.constant 0 : index
    %get3A_3 = arith.constant 0 : index
    %get3A_4 = arith.constant 0 : index
    %get3A_5 = vector.load %arg3[%get3A_2, %get3A_3, %get3A_4] : memref<1x1024x1024xf32, #tpu.memory_space<vmem>>, vector<1x1024x1024xf32>
    %get3A_6 = vector.shape_cast %get3A_5 : vector<1x1024x1024xf32> to vector<1024x1024xf32>
    %dot_general3A = arith.constant dense<0.000000e+00> : vector<512x1024xf32>
    %dot_general3A_7 = tpu.matmul %get3A_1, %get3A_6, %dot_general3A {dimension_numbers = #tpu.dot_dimension_numbers<[1], [1], [0], [0], [0, 0, 1, 0], [], []>, transpose_lhs_hint = false} : vector<512x1024xf32>, vector<1024x1024xf32>, vector<512x1024xf32> -> vector<512x1024xf32>
    %get3A_8 = arith.constant 0 : index
    %get3A_9 = arith.constant 0 : index
    %get3A_10 = arith.constant 0 : index
    %get3A_11 = vector.load %arg4[%get3A_8, %get3A_9, %get3A_10] : memref<1x1x1024xf32, #tpu.memory_space<vmem>>, vector<1x1x1024xf32>
    %get3A_12 = vector.shape_cast %get3A_11 : vector<1x1x1024xf32> to vector<1x1024xf32>
    %add3A = vector.broadcast %get3A_12 : vector<1x1024xf32> to vector<512x1024xf32>
    %add3A_13 = arith.addf %dot_general3A_7, %add3A : vector<512x1024xf32>
    %swap3A = arith.constant 0 : index
    %swap3A_14 = arith.constant 0 : index
    %swap3A_15 = vector.load %arg5[%swap3A, %swap3A_14] : memref<512x1024xf32, #tpu.memory_space<vmem>>, vector<512x1024xf32>
    tpu.vector_store %arg5[%swap3A, %swap3A_14], %add3A_13 {strides = array<i32>} : memref<512x1024xf32, #tpu.memory_space<vmem>>, vector<512x1024xf32>,
    return
  }
  func.func @transform_0(%arg0: i32, %arg1: memref<128xi32, #tpu.memory_space<smem>>) -> (i32, i32) {
    %c0_i32 = arith.constant 0 : i32
    %c0_i32_0 = arith.constant 0 : i32
    return %arg0, %c0_i32 : i32, i32
  }
  func.func @transform_1(%arg0: i32, %arg1: memref<128xi32, #tpu.memory_space<smem>>) -> (i32, i32, i32) {
    %get3A = arith.index_cast %arg0 : i32 to index
    %get3A_0 = memref.load %arg1[%get3A] : memref<128xi32, #tpu.memory_space<smem>>
    %c0_i32 = arith.constant 0 : i32
    %c0_i32_1 = arith.constant 0 : i32
    %c0_i32_2 = arith.constant 0 : i32
    return %get3A_0, %c0_i32, %c0_i32_1 : i32, i32, i32
  }
  func.func @transform_2(%arg0: i32, %arg1: memref<128xi32, #tpu.memory_space<smem>>) -> (i32, i32, i32) {
    %get3A = arith.index_cast %arg0 : i32 to index
    %get3A_0 = memref.load %arg1[%get3A] : memref<128xi32, #tpu.memory_space<smem>>
    %c0_i32 = arith.constant 0 : i32
    %c0_i32_1 = arith.constant 0 : i32
    %c0_i32_2 = arith.constant 0 : i32
    return %get3A_0, %c0_i32, %c0_i32_1 : i32, i32, i32
  }
  func.func @transform_3(%arg0: i32, %arg1: memref<128xi32, #tpu.memory_space<smem>>) -> (i32, i32) {
    %c0_i32 = arith.constant 0 : i32
    %c0_i32_0 = arith.constant 0 : i32
    return %arg0, %c0_i32 : i32, i32
  }
}

module attributes {stable_mosaic.version = 14 : i64} {
  func.func @_meta_body(%arg0: memref<64x128xi32, #tpu.memory_space<vmem>>, %arg1: memref<64x128xi32, #tpu.memory_space<vmem>>, %arg2: memref<1x128xi32, #tpu.memory_space<vmem>>) attributes {dimension_semantics = [], scalar_prefetch = 0 : i64, scratch_operands = 0 : i64, tpu.core_type = #tpu.core_type<tc>} {
    %get3A = arith.constant 0 : index
    %get3A_0 = arith.constant 0 : index
    %get3A_1 = vector.load %arg0[%get3A, %get3A_0] : memref<64x128xi32, #tpu.memory_space<vmem>>, vector<64x128xi32>
    %broadcast_in_dim3A = arith.constant 0 : i32
    %broadcast_in_dim3A_2 = vector.broadcast %broadcast_in_dim3A : i32 to vector<64x128xi32>
    %iota3A = tpu.iota {dimensions = array<i32: 1>} : vector<1x128xi32>
    %mul3A = arith.constant 512 : i32
    %mul3A_3 = vector.broadcast %mul3A : i32 to vector<1x128xi32>
    %mul3A_4 = arith.muli %iota3A, %mul3A_3 : vector<1x128xi32>
    %broadcast_in_dim3A_5 = arith.constant 0 : i32
    %broadcast_in_dim3A_6 = vector.broadcast %broadcast_in_dim3A_5 : i32 to vector<1x128xi32>
    %iota3A_7 = tpu.iota {dimensions = array<i32: 0>} : vector<128x128xi32>
    %iota3A_8 = tpu.iota {dimensions = array<i32: 1>} : vector<128x128xi32>
    %le3A = arith.cmpi sle, %iota3A_7, %iota3A_8 : vector<128x128xi32>
    %convert_element_type3A = arith.extui %le3A : vector<128x128xi1> to vector<128x128xi32>
    %convert_element_type3A_9 = arith.sitofp %convert_element_type3A : vector<128x128xi32> to vector<128x128xf32>
    %iota3A_10 = tpu.iota {dimensions = array<i32: 1>} : vector<64x64xi32>
    %iota3A_11 = tpu.iota {dimensions = array<i32: 0>} : vector<64x64xi32>
    %lt3A = arith.cmpi slt, %iota3A_10, %iota3A_11 : vector<64x64xi32>
    %convert_element_type3A_12 = arith.extui %lt3A : vector<64x64xi1> to vector<64x64xi32>
    %convert_element_type3A_13 = arith.sitofp %convert_element_type3A_12 : vector<64x64xi32> to vector<64x64xf32>
    %eq3A = arith.constant 0 : i32
    %eq3A_14 = vector.broadcast %eq3A : i32 to vector<64x128xi32>
    %eq3A_15 = arith.cmpi eq, %get3A_1, %eq3A_14 : vector<64x128xi32>
    %convert_element_type3A_16 = arith.extui %eq3A_15 : vector<64x128xi1> to vector<64x128xi32>
    %convert_element_type3A_17 = arith.sitofp %convert_element_type3A_16 : vector<64x128xi32> to vector<64x128xf32>
    %dot_general3A = arith.constant dense<0.000000e+00> : vector<64x128xf32>
    %dot_general3A_18 = tpu.matmul %convert_element_type3A_17, %convert_element_type3A_9, %dot_general3A {dimension_numbers = #tpu.dot_dimension_numbers<[1], [0], [0], [1], [0, 0, 1, 1], [], []>, transpose_lhs_hint = false} : vector<64x128xf32>, vector<128x128xf32>, vector<64x128xf32> -> vector<64x128xf32>
    %slice3A = vector.extract_strided_slice %dot_general3A_18 {offsets = [0, 127], sizes = [64, 1], strides = [1, 1]} : vector<64x128xf32> to vector<64x1xf32>
    %dot_general3A_19 = arith.constant dense<0.000000e+00> : vector<64x1xf32>
    %dot_general3A_20 = tpu.matmul %convert_element_type3A_13, %slice3A, %dot_general3A_19 {dimension_numbers = #tpu.dot_dimension_numbers<[1], [0], [0], [1], [0, 0, 1, 1], [], []>, transpose_lhs_hint = false} : vector<64x64xf32>, vector<64x1xf32>, vector<64x1xf32> -> vector<64x1xf32>
    %add3A = vector.broadcast %dot_general3A_20 : vector<64x1xf32> to vector<64x128xf32>
    %add3A_21 = arith.addf %dot_general3A_18, %add3A : vector<64x128xf32>
    %convert_element_type3A_22 = arith.fptosi %add3A_21 : vector<64x128xf32> to vector<64x128xi32>
    %sub3A = arith.constant 1 : i32
    %sub3A_23 = vector.broadcast %sub3A : i32 to vector<64x128xi32>
    %sub3A_24 = arith.subi %convert_element_type3A_22, %sub3A_23 : vector<64x128xi32>
    %convert_element_type3A_25 = arith.extui %eq3A_15 : vector<64x128xi1> to vector<64x128xi32>
    %reduce_sum3A = vector.shape_cast %convert_element_type3A_25 : vector<64x128xi32> to vector<1x64x128xi32>
    %reduce_sum3A_26 = arith.constant dense<0> : vector<1xi32>
    %reduce_sum3A_27 = vector.multi_reduction <add>, %reduce_sum3A, %reduce_sum3A_26 [1, 2] : vector<1x64x128xi32> to vector<1xi32>
    %reduce_sum3A_28 = vector.shape_cast %reduce_sum3A_27 : vector<1xi32> to vector<1x1x1xi32>
    %reduce_sum3A_29 = vector.extract %reduce_sum3A_28[0, 0, 0] : i32 from vector<1x1x1xi32>
    %add3A_30 = arith.constant 0 : i32
    %add3A_31 = vector.broadcast %add3A_30 : i32 to vector<64x128xi32>
    %add3A_32 = arith.addi %add3A_31, %sub3A_24 : vector<64x128xi32>
    %jit3A = arith.constant 0 : i32
    %broadcast_in_dim3A_33 = vector.broadcast %jit3A : i32 to vector<64x128xi32>
    %select_n3A = arith.select %eq3A_15, %add3A_32, %broadcast_in_dim3A_33 : vector<64x128xi1>, vector<64x128xi32>
    %add3A_34 = arith.addi %broadcast_in_dim3A_2, %select_n3A : vector<64x128xi32>
    %add3A_35 = arith.constant 512 : i32
    %add3A_36 = arith.addi %reduce_sum3A_29, %add3A_35 : i32
    %sub3A_37 = arith.constant 1 : i32
    %sub3A_38 = arith.subi %add3A_36, %sub3A_37 : i32
    %jit3A_39 = arith.constant 512 : i32
    %div3A = arith.divsi %sub3A_38, %jit3A_39 : i32
    %sign3A = arith.constant 0 : i32
    %sign3A_40 = arith.cmpi sgt, %sub3A_38, %sign3A : i32
    %sign3A_41 = arith.extui %sign3A_40 : i1 to i32
    %sign3A_42 = arith.constant 0 : i32
    %sign3A_43 = arith.cmpi slt, %sub3A_38, %sign3A_42 : i32
    %sign3A_44 = arith.extui %sign3A_43 : i1 to i32
    %sign3A_45 = arith.subi %sign3A_41, %sign3A_44 : i32
    %sign3A_46 = arith.constant 0 : i32
    %sign3A_47 = arith.cmpi sgt, %jit3A_39, %sign3A_46 : i32
    %sign3A_48 = arith.extui %sign3A_47 : i1 to i32
    %sign3A_49 = arith.constant 0 : i32
    %sign3A_50 = arith.cmpi slt, %jit3A_39, %sign3A_49 : i32
    %sign3A_51 = arith.extui %sign3A_50 : i1 to i32
    %sign3A_52 = arith.subi %sign3A_48, %sign3A_51 : i32
    %ne3A = arith.cmpi ne, %sign3A_45, %sign3A_52 : i32
    %rem3A = arith.remsi %sub3A_38, %jit3A_39 : i32
    %ne3A_53 = arith.constant 0 : i32
    %ne3A_54 = arith.cmpi ne, %rem3A, %ne3A_53 : i32
    %and3A = arith.andi %ne3A, %ne3A_54 : i1
    %sub3A_55 = arith.constant 1 : i32
    %sub3A_56 = arith.subi %div3A, %sub3A_55 : i32
    %select_n3A_57 = arith.select %and3A, %sub3A_56, %div3A : i32
    %mul3A_58 = arith.constant 512 : i32
    %mul3A_59 = arith.muli %select_n3A_57, %mul3A_58 : i32
    %add3A_60 = arith.constant 0 : i32
    %add3A_61 = arith.addi %add3A_60, %mul3A_59 : i32
    %ge3A = vector.broadcast %add3A_61 : i32 to vector<1x128xi32>
    %ge3A_62 = arith.cmpi sge, %mul3A_4, %ge3A : vector<1x128xi32>
    %convert_element_type3A_63 = arith.extui %ge3A_62 : vector<1x128xi1> to vector<1x128xi32>
    %add3A_64 = arith.addi %broadcast_in_dim3A_6, %convert_element_type3A_63 : vector<1x128xi32>
    %eq3A_65 = arith.constant 1 : i32
    %eq3A_66 = vector.broadcast %eq3A_65 : i32 to vector<64x128xi32>
    %eq3A_67 = arith.cmpi eq, %get3A_1, %eq3A_66 : vector<64x128xi32>
    %convert_element_type3A_68 = arith.extui %eq3A_67 : vector<64x128xi1> to vector<64x128xi32>
    %convert_element_type3A_69 = arith.sitofp %convert_element_type3A_68 : vector<64x128xi32> to vector<64x128xf32>
    %dot_general3A_70 = arith.constant dense<0.000000e+00> : vector<64x128xf32>
    %dot_general3A_71 = tpu.matmul %convert_element_type3A_69, %convert_element_type3A_9, %dot_general3A_70 {dimension_numbers = #tpu.dot_dimension_numbers<[1], [0], [0], [1], [0, 0, 1, 1], [], []>, transpose_lhs_hint = false} : vector<64x128xf32>, vector<128x128xf32>, vector<64x128xf32> -> vector<64x128xf32>
    %slice3A_72 = vector.extract_strided_slice %dot_general3A_71 {offsets = [0, 127], sizes = [64, 1], strides = [1, 1]} : vector<64x128xf32> to vector<64x1xf32>
    %dot_general3A_73 = arith.constant dense<0.000000e+00> : vector<64x1xf32>
    %dot_general3A_74 = tpu.matmul %convert_element_type3A_13, %slice3A_72, %dot_general3A_73 {dimension_numbers = #tpu.dot_dimension_numbers<[1], [0], [0], [1], [0, 0, 1, 1], [], []>, transpose_lhs_hint = false} : vector<64x64xf32>, vector<64x1xf32>, vector<64x1xf32> -> vector<64x1xf32>
    %add3A_75 = vector.broadcast %dot_general3A_74 : vector<64x1xf32> to vector<64x128xf32>
    %add3A_76 = arith.addf %dot_general3A_71, %add3A_75 : vector<64x128xf32>
    %convert_element_type3A_77 = arith.fptosi %add3A_76 : vector<64x128xf32> to vector<64x128xi32>
    %sub3A_78 = arith.constant 1 : i32
    %sub3A_79 = vector.broadcast %sub3A_78 : i32 to vector<64x128xi32>
    %sub3A_80 = arith.subi %convert_element_type3A_77, %sub3A_79 : vector<64x128xi32>
    %convert_element_type3A_81 = arith.extui %eq3A_67 : vector<64x128xi1> to vector<64x128xi32>
    %reduce_sum3A_82 = vector.shape_cast %convert_element_type3A_81 : vector<64x128xi32> to vector<1x64x128xi32>
    %reduce_sum3A_83 = arith.constant dense<0> : vector<1xi32>
    %reduce_sum3A_84 = vector.multi_reduction <add>, %reduce_sum3A_82, %reduce_sum3A_83 [1, 2] : vector<1x64x128xi32> to vector<1xi32>
    %reduce_sum3A_85 = vector.shape_cast %reduce_sum3A_84 : vector<1xi32> to vector<1x1x1xi32>
    %reduce_sum3A_86 = vector.extract %reduce_sum3A_85[0, 0, 0] : i32 from vector<1x1x1xi32>
    %add3A_87 = vector.broadcast %add3A_61 : i32 to vector<64x128xi32>
    %add3A_88 = arith.addi %add3A_87, %sub3A_80 : vector<64x128xi32>
    %jit3A_89 = arith.constant 0 : i32
    %broadcast_in_dim3A_90 = vector.broadcast %jit3A_89 : i32 to vector<64x128xi32>
    %select_n3A_91 = arith.select %eq3A_67, %add3A_88, %broadcast_in_dim3A_90 : vector<64x128xi1>, vector<64x128xi32>
    %add3A_92 = arith.addi %add3A_34, %select_n3A_91 : vector<64x128xi32>
    %add3A_93 = arith.constant 512 : i32
    %add3A_94 = arith.addi %reduce_sum3A_86, %add3A_93 : i32
    %sub3A_95 = arith.constant 1 : i32
    %sub3A_96 = arith.subi %add3A_94, %sub3A_95 : i32
    %jit3A_97 = arith.constant 512 : i32
    %div3A_98 = arith.divsi %sub3A_96, %jit3A_97 : i32
    %sign3A_99 = arith.constant 0 : i32
    %sign3A_100 = arith.cmpi sgt, %sub3A_96, %sign3A_99 : i32
    %sign3A_101 = arith.extui %sign3A_100 : i1 to i32
    %sign3A_102 = arith.constant 0 : i32
    %sign3A_103 = arith.cmpi slt, %sub3A_96, %sign3A_102 : i32
    %sign3A_104 = arith.extui %sign3A_103 : i1 to i32
    %sign3A_105 = arith.subi %sign3A_101, %sign3A_104 : i32
    %sign3A_106 = arith.constant 0 : i32
    %sign3A_107 = arith.cmpi sgt, %jit3A_97, %sign3A_106 : i32
    %sign3A_108 = arith.extui %sign3A_107 : i1 to i32
    %sign3A_109 = arith.constant 0 : i32
    %sign3A_110 = arith.cmpi slt, %jit3A_97, %sign3A_109 : i32
    %sign3A_111 = arith.extui %sign3A_110 : i1 to i32
    %sign3A_112 = arith.subi %sign3A_108, %sign3A_111 : i32
    %ne3A_113 = arith.cmpi ne, %sign3A_105, %sign3A_112 : i32
    %rem3A_114 = arith.remsi %sub3A_96, %jit3A_97 : i32
    %ne3A_115 = arith.constant 0 : i32
    %ne3A_116 = arith.cmpi ne, %rem3A_114, %ne3A_115 : i32
    %and3A_117 = arith.andi %ne3A_113, %ne3A_116 : i1
    %sub3A_118 = arith.constant 1 : i32
    %sub3A_119 = arith.subi %div3A_98, %sub3A_118 : i32
    %select_n3A_120 = arith.select %and3A_117, %sub3A_119, %div3A_98 : i32
    %mul3A_121 = arith.constant 512 : i32
    %mul3A_122 = arith.muli %select_n3A_120, %mul3A_121 : i32
    %add3A_123 = arith.addi %add3A_61, %mul3A_122 : i32
    %ge3A_124 = vector.broadcast %add3A_123 : i32 to vector<1x128xi32>
    %ge3A_125 = arith.cmpi sge, %mul3A_4, %ge3A_124 : vector<1x128xi32>
    %convert_element_type3A_126 = arith.extui %ge3A_125 : vector<1x128xi1> to vector<1x128xi32>
    %add3A_127 = arith.addi %add3A_64, %convert_element_type3A_126 : vector<1x128xi32>
    %eq3A_128 = arith.constant 2 : i32
    %eq3A_129 = vector.broadcast %eq3A_128 : i32 to vector<64x128xi32>
    %eq3A_130 = arith.cmpi eq, %get3A_1, %eq3A_129 : vector<64x128xi32>
    %convert_element_type3A_131 = arith.extui %eq3A_130 : vector<64x128xi1> to vector<64x128xi32>
    %convert_element_type3A_132 = arith.sitofp %convert_element_type3A_131 : vector<64x128xi32> to vector<64x128xf32>
    %dot_general3A_133 = arith.constant dense<0.000000e+00> : vector<64x128xf32>
    %dot_general3A_134 = tpu.matmul %convert_element_type3A_132, %convert_element_type3A_9, %dot_general3A_133 {dimension_numbers = #tpu.dot_dimension_numbers<[1], [0], [0], [1], [0, 0, 1, 1], [], []>, transpose_lhs_hint = false} : vector<64x128xf32>, vector<128x128xf32>, vector<64x128xf32> -> vector<64x128xf32>
    %slice3A_135 = vector.extract_strided_slice %dot_general3A_134 {offsets = [0, 127], sizes = [64, 1], strides = [1, 1]} : vector<64x128xf32> to vector<64x1xf32>
    %dot_general3A_136 = arith.constant dense<0.000000e+00> : vector<64x1xf32>
    %dot_general3A_137 = tpu.matmul %convert_element_type3A_13, %slice3A_135, %dot_general3A_136 {dimension_numbers = #tpu.dot_dimension_numbers<[1], [0], [0], [1], [0, 0, 1, 1], [], []>, transpose_lhs_hint = false} : vector<64x64xf32>, vector<64x1xf32>, vector<64x1xf32> -> vector<64x1xf32>
    %add3A_138 = vector.broadcast %dot_general3A_137 : vector<64x1xf32> to vector<64x128xf32>
    %add3A_139 = arith.addf %dot_general3A_134, %add3A_138 : vector<64x128xf32>
    %convert_element_type3A_140 = arith.fptosi %add3A_139 : vector<64x128xf32> to vector<64x128xi32>
    %sub3A_141 = arith.constant 1 : i32
    %sub3A_142 = vector.broadcast %sub3A_141 : i32 to vector<64x128xi32>
    %sub3A_143 = arith.subi %convert_element_type3A_140, %sub3A_142 : vector<64x128xi32>
    %convert_element_type3A_144 = arith.extui %eq3A_130 : vector<64x128xi1> to vector<64x128xi32>
    %reduce_sum3A_145 = vector.shape_cast %convert_element_type3A_144 : vector<64x128xi32> to vector<1x64x128xi32>
    %reduce_sum3A_146 = arith.constant dense<0> : vector<1xi32>
    %reduce_sum3A_147 = vector.multi_reduction <add>, %reduce_sum3A_145, %reduce_sum3A_146 [1, 2] : vector<1x64x128xi32> to vector<1xi32>
    %reduce_sum3A_148 = vector.shape_cast %reduce_sum3A_147 : vector<1xi32> to vector<1x1x1xi32>
    %reduce_sum3A_149 = vector.extract %reduce_sum3A_148[0, 0, 0] : i32 from vector<1x1x1xi32>
    %add3A_150 = vector.broadcast %add3A_123 : i32 to vector<64x128xi32>
    %add3A_151 = arith.addi %add3A_150, %sub3A_143 : vector<64x128xi32>
    %jit3A_152 = arith.constant 0 : i32
    %broadcast_in_dim3A_153 = vector.broadcast %jit3A_152 : i32 to vector<64x128xi32>
    %select_n3A_154 = arith.select %eq3A_130, %add3A_151, %broadcast_in_dim3A_153 : vector<64x128xi1>, vector<64x128xi32>
    %add3A_155 = arith.addi %add3A_92, %select_n3A_154 : vector<64x128xi32>
    %add3A_156 = arith.constant 512 : i32
    %add3A_157 = arith.addi %reduce_sum3A_149, %add3A_156 : i32
    %sub3A_158 = arith.constant 1 : i32
    %sub3A_159 = arith.subi %add3A_157, %sub3A_158 : i32
    %jit3A_160 = arith.constant 512 : i32
    %div3A_161 = arith.divsi %sub3A_159, %jit3A_160 : i32
    %sign3A_162 = arith.constant 0 : i32
    %sign3A_163 = arith.cmpi sgt, %sub3A_159, %sign3A_162 : i32
    %sign3A_164 = arith.extui %sign3A_163 : i1 to i32
    %sign3A_165 = arith.constant 0 : i32
    %sign3A_166 = arith.cmpi slt, %sub3A_159, %sign3A_165 : i32
    %sign3A_167 = arith.extui %sign3A_166 : i1 to i32
    %sign3A_168 = arith.subi %sign3A_164, %sign3A_167 : i32
    %sign3A_169 = arith.constant 0 : i32
    %sign3A_170 = arith.cmpi sgt, %jit3A_160, %sign3A_169 : i32
    %sign3A_171 = arith.extui %sign3A_170 : i1 to i32
    %sign3A_172 = arith.constant 0 : i32
    %sign3A_173 = arith.cmpi slt, %jit3A_160, %sign3A_172 : i32
    %sign3A_174 = arith.extui %sign3A_173 : i1 to i32
    %sign3A_175 = arith.subi %sign3A_171, %sign3A_174 : i32
    %ne3A_176 = arith.cmpi ne, %sign3A_168, %sign3A_175 : i32
    %rem3A_177 = arith.remsi %sub3A_159, %jit3A_160 : i32
    %ne3A_178 = arith.constant 0 : i32
    %ne3A_179 = arith.cmpi ne, %rem3A_177, %ne3A_178 : i32
    %and3A_180 = arith.andi %ne3A_176, %ne3A_179 : i1
    %sub3A_181 = arith.constant 1 : i32
    %sub3A_182 = arith.subi %div3A_161, %sub3A_181 : i32
    %select_n3A_183 = arith.select %and3A_180, %sub3A_182, %div3A_161 : i32
    %mul3A_184 = arith.constant 512 : i32
    %mul3A_185 = arith.muli %select_n3A_183, %mul3A_184 : i32
    %add3A_186 = arith.addi %add3A_123, %mul3A_185 : i32
    %ge3A_187 = vector.broadcast %add3A_186 : i32 to vector<1x128xi32>
    %ge3A_188 = arith.cmpi sge, %mul3A_4, %ge3A_187 : vector<1x128xi32>
    %convert_element_type3A_189 = arith.extui %ge3A_188 : vector<1x128xi1> to vector<1x128xi32>
    %add3A_190 = arith.addi %add3A_127, %convert_element_type3A_189 : vector<1x128xi32>
    %eq3A_191 = arith.constant 3 : i32
    %eq3A_192 = vector.broadcast %eq3A_191 : i32 to vector<64x128xi32>
    %eq3A_193 = arith.cmpi eq, %get3A_1, %eq3A_192 : vector<64x128xi32>
    %convert_element_type3A_194 = arith.extui %eq3A_193 : vector<64x128xi1> to vector<64x128xi32>
    %convert_element_type3A_195 = arith.sitofp %convert_element_type3A_194 : vector<64x128xi32> to vector<64x128xf32>
    %dot_general3A_196 = arith.constant dense<0.000000e+00> : vector<64x128xf32>
    %dot_general3A_197 = tpu.matmul %convert_element_type3A_195, %convert_element_type3A_9, %dot_general3A_196 {dimension_numbers = #tpu.dot_dimension_numbers<[1], [0], [0], [1], [0, 0, 1, 1], [], []>, transpose_lhs_hint = false} : vector<64x128xf32>, vector<128x128xf32>, vector<64x128xf32> -> vector<64x128xf32>
    %slice3A_198 = vector.extract_strided_slice %dot_general3A_197 {offsets = [0, 127], sizes = [64, 1], strides = [1, 1]} : vector<64x128xf32> to vector<64x1xf32>
    %dot_general3A_199 = arith.constant dense<0.000000e+00> : vector<64x1xf32>
    %dot_general3A_200 = tpu.matmul %convert_element_type3A_13, %slice3A_198, %dot_general3A_199 {dimension_numbers = #tpu.dot_dimension_numbers<[1], [0], [0], [1], [0, 0, 1, 1], [], []>, transpose_lhs_hint = false} : vector<64x64xf32>, vector<64x1xf32>, vector<64x1xf32> -> vector<64x1xf32>
    %add3A_201 = vector.broadcast %dot_general3A_200 : vector<64x1xf32> to vector<64x128xf32>
    %add3A_202 = arith.addf %dot_general3A_197, %add3A_201 : vector<64x128xf32>
    %convert_element_type3A_203 = arith.fptosi %add3A_202 : vector<64x128xf32> to vector<64x128xi32>
    %sub3A_204 = arith.constant 1 : i32
    %sub3A_205 = vector.broadcast %sub3A_204 : i32 to vector<64x128xi32>
    %sub3A_206 = arith.subi %convert_element_type3A_203, %sub3A_205 : vector<64x128xi32>
    %convert_element_type3A_207 = arith.extui %eq3A_193 : vector<64x128xi1> to vector<64x128xi32>
    %reduce_sum3A_208 = vector.shape_cast %convert_element_type3A_207 : vector<64x128xi32> to vector<1x64x128xi32>
    %reduce_sum3A_209 = arith.constant dense<0> : vector<1xi32>
    %reduce_sum3A_210 = vector.multi_reduction <add>, %reduce_sum3A_208, %reduce_sum3A_209 [1, 2] : vector<1x64x128xi32> to vector<1xi32>
    %reduce_sum3A_211 = vector.shape_cast %reduce_sum3A_210 : vector<1xi32> to vector<1x1x1xi32>
    %reduce_sum3A_212 = vector.extract %reduce_sum3A_211[0, 0, 0] : i32 from vector<1x1x1xi32>
    %add3A_213 = vector.broadcast %add3A_186 : i32 to vector<64x128xi32>
    %add3A_214 = arith.addi %add3A_213, %sub3A_206 : vector<64x128xi32>
    %jit3A_215 = arith.constant 0 : i32
    %broadcast_in_dim3A_216 = vector.broadcast %jit3A_215 : i32 to vector<64x128xi32>
    %select_n3A_217 = arith.select %eq3A_193, %add3A_214, %broadcast_in_dim3A_216 : vector<64x128xi1>, vector<64x128xi32>
    %add3A_218 = arith.addi %add3A_155, %select_n3A_217 : vector<64x128xi32>
    %add3A_219 = arith.constant 512 : i32
    %add3A_220 = arith.addi %reduce_sum3A_212, %add3A_219 : i32
    %sub3A_221 = arith.constant 1 : i32
    %sub3A_222 = arith.subi %add3A_220, %sub3A_221 : i32
    %jit3A_223 = arith.constant 512 : i32
    %div3A_224 = arith.divsi %sub3A_222, %jit3A_223 : i32
    %sign3A_225 = arith.constant 0 : i32
    %sign3A_226 = arith.cmpi sgt, %sub3A_222, %sign3A_225 : i32
    %sign3A_227 = arith.extui %sign3A_226 : i1 to i32
    %sign3A_228 = arith.constant 0 : i32
    %sign3A_229 = arith.cmpi slt, %sub3A_222, %sign3A_228 : i32
    %sign3A_230 = arith.extui %sign3A_229 : i1 to i32
    %sign3A_231 = arith.subi %sign3A_227, %sign3A_230 : i32
    %sign3A_232 = arith.constant 0 : i32
    %sign3A_233 = arith.cmpi sgt, %jit3A_223, %sign3A_232 : i32
    %sign3A_234 = arith.extui %sign3A_233 : i1 to i32
    %sign3A_235 = arith.constant 0 : i32
    %sign3A_236 = arith.cmpi slt, %jit3A_223, %sign3A_235 : i32
    %sign3A_237 = arith.extui %sign3A_236 : i1 to i32
    %sign3A_238 = arith.subi %sign3A_234, %sign3A_237 : i32
    %ne3A_239 = arith.cmpi ne, %sign3A_231, %sign3A_238 : i32
    %rem3A_240 = arith.remsi %sub3A_222, %jit3A_223 : i32
    %ne3A_241 = arith.constant 0 : i32
    %ne3A_242 = arith.cmpi ne, %rem3A_240, %ne3A_241 : i32
    %and3A_243 = arith.andi %ne3A_239, %ne3A_242 : i1
    %sub3A_244 = arith.constant 1 : i32
    %sub3A_245 = arith.subi %div3A_224, %sub3A_244 : i32
    %select_n3A_246 = arith.select %and3A_243, %sub3A_245, %div3A_224 : i32
    %mul3A_247 = arith.constant 512 : i32
    %mul3A_248 = arith.muli %select_n3A_246, %mul3A_247 : i32
    %add3A_249 = arith.addi %add3A_186, %mul3A_248 : i32
    %ge3A_250 = vector.broadcast %add3A_249 : i32 to vector<1x128xi32>
    %ge3A_251 = arith.cmpi sge, %mul3A_4, %ge3A_250 : vector<1x128xi32>
    %convert_element_type3A_252 = arith.extui %ge3A_251 : vector<1x128xi1> to vector<1x128xi32>
    %add3A_253 = arith.addi %add3A_190, %convert_element_type3A_252 : vector<1x128xi32>
    %eq3A_254 = arith.constant 4 : i32
    %eq3A_255 = vector.broadcast %eq3A_254 : i32 to vector<64x128xi32>
    %eq3A_256 = arith.cmpi eq, %get3A_1, %eq3A_255 : vector<64x128xi32>
    %convert_element_type3A_257 = arith.extui %eq3A_256 : vector<64x128xi1> to vector<64x128xi32>
    %convert_element_type3A_258 = arith.sitofp %convert_element_type3A_257 : vector<64x128xi32> to vector<64x128xf32>
    %dot_general3A_259 = arith.constant dense<0.000000e+00> : vector<64x128xf32>
    %dot_general3A_260 = tpu.matmul %convert_element_type3A_258, %convert_element_type3A_9, %dot_general3A_259 {dimension_numbers = #tpu.dot_dimension_numbers<[1], [0], [0], [1], [0, 0, 1, 1], [], []>, transpose_lhs_hint = false} : vector<64x128xf32>, vector<128x128xf32>, vector<64x128xf32> -> vector<64x128xf32>
    %slice3A_261 = vector.extract_strided_slice %dot_general3A_260 {offsets = [0, 127], sizes = [64, 1], strides = [1, 1]} : vector<64x128xf32> to vector<64x1xf32>
    %dot_general3A_262 = arith.constant dense<0.000000e+00> : vector<64x1xf32>
    %dot_general3A_263 = tpu.matmul %convert_element_type3A_13, %slice3A_261, %dot_general3A_262 {dimension_numbers = #tpu.dot_dimension_numbers<[1], [0], [0], [1], [0, 0, 1, 1], [], []>, transpose_lhs_hint = false} : vector<64x64xf32>, vector<64x1xf32>, vector<64x1xf32> -> vector<64x1xf32>
    %add3A_264 = vector.broadcast %dot_general3A_263 : vector<64x1xf32> to vector<64x128xf32>
    %add3A_265 = arith.addf %dot_general3A_260, %add3A_264 : vector<64x128xf32>
    %convert_element_type3A_266 = arith.fptosi %add3A_265 : vector<64x128xf32> to vector<64x128xi32>
    %sub3A_267 = arith.constant 1 : i32
    %sub3A_268 = vector.broadcast %sub3A_267 : i32 to vector<64x128xi32>
    %sub3A_269 = arith.subi %convert_element_type3A_266, %sub3A_268 : vector<64x128xi32>
    %convert_element_type3A_270 = arith.extui %eq3A_256 : vector<64x128xi1> to vector<64x128xi32>
    %reduce_sum3A_271 = vector.shape_cast %convert_element_type3A_270 : vector<64x128xi32> to vector<1x64x128xi32>
    %reduce_sum3A_272 = arith.constant dense<0> : vector<1xi32>
    %reduce_sum3A_273 = vector.multi_reduction <add>, %reduce_sum3A_271, %reduce_sum3A_272 [1, 2] : vector<1x64x128xi32> to vector<1xi32>
    %reduce_sum3A_274 = vector.shape_cast %reduce_sum3A_273 : vector<1xi32> to vector<1x1x1xi32>
    %reduce_sum3A_275 = vector.extract %reduce_sum3A_274[0, 0, 0] : i32 from vector<1x1x1xi32>
    %add3A_276 = vector.broadcast %add3A_249 : i32 to vector<64x128xi32>
    %add3A_277 = arith.addi %add3A_276, %sub3A_269 : vector<64x128xi32>
    %jit3A_278 = arith.constant 0 : i32
    %broadcast_in_dim3A_279 = vector.broadcast %jit3A_278 : i32 to vector<64x128xi32>
    %select_n3A_280 = arith.select %eq3A_256, %add3A_277, %broadcast_in_dim3A_279 : vector<64x128xi1>, vector<64x128xi32>
    %add3A_281 = arith.addi %add3A_218, %select_n3A_280 : vector<64x128xi32>
    %add3A_282 = arith.constant 512 : i32
    %add3A_283 = arith.addi %reduce_sum3A_275, %add3A_282 : i32
    %sub3A_284 = arith.constant 1 : i32
    %sub3A_285 = arith.subi %add3A_283, %sub3A_284 : i32
    %jit3A_286 = arith.constant 512 : i32
    %div3A_287 = arith.divsi %sub3A_285, %jit3A_286 : i32
    %sign3A_288 = arith.constant 0 : i32
    %sign3A_289 = arith.cmpi sgt, %sub3A_285, %sign3A_288 : i32
    %sign3A_290 = arith.extui %sign3A_289 : i1 to i32
    %sign3A_291 = arith.constant 0 : i32
    %sign3A_292 = arith.cmpi slt, %sub3A_285, %sign3A_291 : i32
    %sign3A_293 = arith.extui %sign3A_292 : i1 to i32
    %sign3A_294 = arith.subi %sign3A_290, %sign3A_293 : i32
    %sign3A_295 = arith.constant 0 : i32
    %sign3A_296 = arith.cmpi sgt, %jit3A_286, %sign3A_295 : i32
    %sign3A_297 = arith.extui %sign3A_296 : i1 to i32
    %sign3A_298 = arith.constant 0 : i32
    %sign3A_299 = arith.cmpi slt, %jit3A_286, %sign3A_298 : i32
    %sign3A_300 = arith.extui %sign3A_299 : i1 to i32
    %sign3A_301 = arith.subi %sign3A_297, %sign3A_300 : i32
    %ne3A_302 = arith.cmpi ne, %sign3A_294, %sign3A_301 : i32
    %rem3A_303 = arith.remsi %sub3A_285, %jit3A_286 : i32
    %ne3A_304 = arith.constant 0 : i32
    %ne3A_305 = arith.cmpi ne, %rem3A_303, %ne3A_304 : i32
    %and3A_306 = arith.andi %ne3A_302, %ne3A_305 : i1
    %sub3A_307 = arith.constant 1 : i32
    %sub3A_308 = arith.subi %div3A_287, %sub3A_307 : i32
    %select_n3A_309 = arith.select %and3A_306, %sub3A_308, %div3A_287 : i32
    %mul3A_310 = arith.constant 512 : i32
    %mul3A_311 = arith.muli %select_n3A_309, %mul3A_310 : i32
    %add3A_312 = arith.addi %add3A_249, %mul3A_311 : i32
    %ge3A_313 = vector.broadcast %add3A_312 : i32 to vector<1x128xi32>
    %ge3A_314 = arith.cmpi sge, %mul3A_4, %ge3A_313 : vector<1x128xi32>
    %convert_element_type3A_315 = arith.extui %ge3A_314 : vector<1x128xi1> to vector<1x128xi32>
    %add3A_316 = arith.addi %add3A_253, %convert_element_type3A_315 : vector<1x128xi32>
    %eq3A_317 = arith.constant 5 : i32
    %eq3A_318 = vector.broadcast %eq3A_317 : i32 to vector<64x128xi32>
    %eq3A_319 = arith.cmpi eq, %get3A_1, %eq3A_318 : vector<64x128xi32>
    %convert_element_type3A_320 = arith.extui %eq3A_319 : vector<64x128xi1> to vector<64x128xi32>
    %convert_element_type3A_321 = arith.sitofp %convert_element_type3A_320 : vector<64x128xi32> to vector<64x128xf32>
    %dot_general3A_322 = arith.constant dense<0.000000e+00> : vector<64x128xf32>
    %dot_general3A_323 = tpu.matmul %convert_element_type3A_321, %convert_element_type3A_9, %dot_general3A_322 {dimension_numbers = #tpu.dot_dimension_numbers<[1], [0], [0], [1], [0, 0, 1, 1], [], []>, transpose_lhs_hint = false} : vector<64x128xf32>, vector<128x128xf32>, vector<64x128xf32> -> vector<64x128xf32>
    %slice3A_324 = vector.extract_strided_slice %dot_general3A_323 {offsets = [0, 127], sizes = [64, 1], strides = [1, 1]} : vector<64x128xf32> to vector<64x1xf32>
    %dot_general3A_325 = arith.constant dense<0.000000e+00> : vector<64x1xf32>
    %dot_general3A_326 = tpu.matmul %convert_element_type3A_13, %slice3A_324, %dot_general3A_325 {dimension_numbers = #tpu.dot_dimension_numbers<[1], [0], [0], [1], [0, 0, 1, 1], [], []>, transpose_lhs_hint = false} : vector<64x64xf32>, vector<64x1xf32>, vector<64x1xf32> -> vector<64x1xf32>
    %add3A_327 = vector.broadcast %dot_general3A_326 : vector<64x1xf32> to vector<64x128xf32>
    %add3A_328 = arith.addf %dot_general3A_323, %add3A_327 : vector<64x128xf32>
    %convert_element_type3A_329 = arith.fptosi %add3A_328 : vector<64x128xf32> to vector<64x128xi32>
    %sub3A_330 = arith.constant 1 : i32
    %sub3A_331 = vector.broadcast %sub3A_330 : i32 to vector<64x128xi32>
    %sub3A_332 = arith.subi %convert_element_type3A_329, %sub3A_331 : vector<64x128xi32>
    %convert_element_type3A_333 = arith.extui %eq3A_319 : vector<64x128xi1> to vector<64x128xi32>
    %reduce_sum3A_334 = vector.shape_cast %convert_element_type3A_333 : vector<64x128xi32> to vector<1x64x128xi32>
    %reduce_sum3A_335 = arith.constant dense<0> : vector<1xi32>
    %reduce_sum3A_336 = vector.multi_reduction <add>, %reduce_sum3A_334, %reduce_sum3A_335 [1, 2] : vector<1x64x128xi32> to vector<1xi32>
    %reduce_sum3A_337 = vector.shape_cast %reduce_sum3A_336 : vector<1xi32> to vector<1x1x1xi32>
    %reduce_sum3A_338 = vector.extract %reduce_sum3A_337[0, 0, 0] : i32 from vector<1x1x1xi32>
    %add3A_339 = vector.broadcast %add3A_312 : i32 to vector<64x128xi32>
    %add3A_340 = arith.addi %add3A_339, %sub3A_332 : vector<64x128xi32>
    %jit3A_341 = arith.constant 0 : i32
    %broadcast_in_dim3A_342 = vector.broadcast %jit3A_341 : i32 to vector<64x128xi32>
    %select_n3A_343 = arith.select %eq3A_319, %add3A_340, %broadcast_in_dim3A_342 : vector<64x128xi1>, vector<64x128xi32>
    %add3A_344 = arith.addi %add3A_281, %select_n3A_343 : vector<64x128xi32>
    %add3A_345 = arith.constant 512 : i32
    %add3A_346 = arith.addi %reduce_sum3A_338, %add3A_345 : i32
    %sub3A_347 = arith.constant 1 : i32
    %sub3A_348 = arith.subi %add3A_346, %sub3A_347 : i32
    %jit3A_349 = arith.constant 512 : i32
    %div3A_350 = arith.divsi %sub3A_348, %jit3A_349 : i32
    %sign3A_351 = arith.constant 0 : i32
    %sign3A_352 = arith.cmpi sgt, %sub3A_348, %sign3A_351 : i32
    %sign3A_353 = arith.extui %sign3A_352 : i1 to i32
    %sign3A_354 = arith.constant 0 : i32
    %sign3A_355 = arith.cmpi slt, %sub3A_348, %sign3A_354 : i32
    %sign3A_356 = arith.extui %sign3A_355 : i1 to i32
    %sign3A_357 = arith.subi %sign3A_353, %sign3A_356 : i32
    %sign3A_358 = arith.constant 0 : i32
    %sign3A_359 = arith.cmpi sgt, %jit3A_349, %sign3A_358 : i32
    %sign3A_360 = arith.extui %sign3A_359 : i1 to i32
    %sign3A_361 = arith.constant 0 : i32
    %sign3A_362 = arith.cmpi slt, %jit3A_349, %sign3A_361 : i32
    %sign3A_363 = arith.extui %sign3A_362 : i1 to i32
    %sign3A_364 = arith.subi %sign3A_360, %sign3A_363 : i32
    %ne3A_365 = arith.cmpi ne, %sign3A_357, %sign3A_364 : i32
    %rem3A_366 = arith.remsi %sub3A_348, %jit3A_349 : i32
    %ne3A_367 = arith.constant 0 : i32
    %ne3A_368 = arith.cmpi ne, %rem3A_366, %ne3A_367 : i32
    %and3A_369 = arith.andi %ne3A_365, %ne3A_368 : i1
    %sub3A_370 = arith.constant 1 : i32
    %sub3A_371 = arith.subi %div3A_350, %sub3A_370 : i32
    %select_n3A_372 = arith.select %and3A_369, %sub3A_371, %div3A_350 : i32
    %mul3A_373 = arith.constant 512 : i32
    %mul3A_374 = arith.muli %select_n3A_372, %mul3A_373 : i32
    %add3A_375 = arith.addi %add3A_312, %mul3A_374 : i32
    %ge3A_376 = vector.broadcast %add3A_375 : i32 to vector<1x128xi32>
    %ge3A_377 = arith.cmpi sge, %mul3A_4, %ge3A_376 : vector<1x128xi32>
    %convert_element_type3A_378 = arith.extui %ge3A_377 : vector<1x128xi1> to vector<1x128xi32>
    %add3A_379 = arith.addi %add3A_316, %convert_element_type3A_378 : vector<1x128xi32>
    %eq3A_380 = arith.constant 6 : i32
    %eq3A_381 = vector.broadcast %eq3A_380 : i32 to vector<64x128xi32>
    %eq3A_382 = arith.cmpi eq, %get3A_1, %eq3A_381 : vector<64x128xi32>
    %convert_element_type3A_383 = arith.extui %eq3A_382 : vector<64x128xi1> to vector<64x128xi32>
    %convert_element_type3A_384 = arith.sitofp %convert_element_type3A_383 : vector<64x128xi32> to vector<64x128xf32>
    %dot_general3A_385 = arith.constant dense<0.000000e+00> : vector<64x128xf32>
    %dot_general3A_386 = tpu.matmul %convert_element_type3A_384, %convert_element_type3A_9, %dot_general3A_385 {dimension_numbers = #tpu.dot_dimension_numbers<[1], [0], [0], [1], [0, 0, 1, 1], [], []>, transpose_lhs_hint = false} : vector<64x128xf32>, vector<128x128xf32>, vector<64x128xf32> -> vector<64x128xf32>
    %slice3A_387 = vector.extract_strided_slice %dot_general3A_386 {offsets = [0, 127], sizes = [64, 1], strides = [1, 1]} : vector<64x128xf32> to vector<64x1xf32>
    %dot_general3A_388 = arith.constant dense<0.000000e+00> : vector<64x1xf32>
    %dot_general3A_389 = tpu.matmul %convert_element_type3A_13, %slice3A_387, %dot_general3A_388 {dimension_numbers = #tpu.dot_dimension_numbers<[1], [0], [0], [1], [0, 0, 1, 1], [], []>, transpose_lhs_hint = false} : vector<64x64xf32>, vector<64x1xf32>, vector<64x1xf32> -> vector<64x1xf32>
    %add3A_390 = vector.broadcast %dot_general3A_389 : vector<64x1xf32> to vector<64x128xf32>
    %add3A_391 = arith.addf %dot_general3A_386, %add3A_390 : vector<64x128xf32>
    %convert_element_type3A_392 = arith.fptosi %add3A_391 : vector<64x128xf32> to vector<64x128xi32>
    %sub3A_393 = arith.constant 1 : i32
    %sub3A_394 = vector.broadcast %sub3A_393 : i32 to vector<64x128xi32>
    %sub3A_395 = arith.subi %convert_element_type3A_392, %sub3A_394 : vector<64x128xi32>
    %convert_element_type3A_396 = arith.extui %eq3A_382 : vector<64x128xi1> to vector<64x128xi32>
    %reduce_sum3A_397 = vector.shape_cast %convert_element_type3A_396 : vector<64x128xi32> to vector<1x64x128xi32>
    %reduce_sum3A_398 = arith.constant dense<0> : vector<1xi32>
    %reduce_sum3A_399 = vector.multi_reduction <add>, %reduce_sum3A_397, %reduce_sum3A_398 [1, 2] : vector<1x64x128xi32> to vector<1xi32>
    %reduce_sum3A_400 = vector.shape_cast %reduce_sum3A_399 : vector<1xi32> to vector<1x1x1xi32>
    %reduce_sum3A_401 = vector.extract %reduce_sum3A_400[0, 0, 0] : i32 from vector<1x1x1xi32>
    %add3A_402 = vector.broadcast %add3A_375 : i32 to vector<64x128xi32>
    %add3A_403 = arith.addi %add3A_402, %sub3A_395 : vector<64x128xi32>
    %jit3A_404 = arith.constant 0 : i32
    %broadcast_in_dim3A_405 = vector.broadcast %jit3A_404 : i32 to vector<64x128xi32>
    %select_n3A_406 = arith.select %eq3A_382, %add3A_403, %broadcast_in_dim3A_405 : vector<64x128xi1>, vector<64x128xi32>
    %add3A_407 = arith.addi %add3A_344, %select_n3A_406 : vector<64x128xi32>
    %add3A_408 = arith.constant 512 : i32
    %add3A_409 = arith.addi %reduce_sum3A_401, %add3A_408 : i32
    %sub3A_410 = arith.constant 1 : i32
    %sub3A_411 = arith.subi %add3A_409, %sub3A_410 : i32
    %jit3A_412 = arith.constant 512 : i32
    %div3A_413 = arith.divsi %sub3A_411, %jit3A_412 : i32
    %sign3A_414 = arith.constant 0 : i32
    %sign3A_415 = arith.cmpi sgt, %sub3A_411, %sign3A_414 : i32
    %sign3A_416 = arith.extui %sign3A_415 : i1 to i32
    %sign3A_417 = arith.constant 0 : i32
    %sign3A_418 = arith.cmpi slt, %sub3A_411, %sign3A_417 : i32
    %sign3A_419 = arith.extui %sign3A_418 : i1 to i32
    %sign3A_420 = arith.subi %sign3A_416, %sign3A_419 : i32
    %sign3A_421 = arith.constant 0 : i32
    %sign3A_422 = arith.cmpi sgt, %jit3A_412, %sign3A_421 : i32
    %sign3A_423 = arith.extui %sign3A_422 : i1 to i32
    %sign3A_424 = arith.constant 0 : i32
    %sign3A_425 = arith.cmpi slt, %jit3A_412, %sign3A_424 : i32
    %sign3A_426 = arith.extui %sign3A_425 : i1 to i32
    %sign3A_427 = arith.subi %sign3A_423, %sign3A_426 : i32
    %ne3A_428 = arith.cmpi ne, %sign3A_420, %sign3A_427 : i32
    %rem3A_429 = arith.remsi %sub3A_411, %jit3A_412 : i32
    %ne3A_430 = arith.constant 0 : i32
    %ne3A_431 = arith.cmpi ne, %rem3A_429, %ne3A_430 : i32
    %and3A_432 = arith.andi %ne3A_428, %ne3A_431 : i1
    %sub3A_433 = arith.constant 1 : i32
    %sub3A_434 = arith.subi %div3A_413, %sub3A_433 : i32
    %select_n3A_435 = arith.select %and3A_432, %sub3A_434, %div3A_413 : i32
    %mul3A_436 = arith.constant 512 : i32
    %mul3A_437 = arith.muli %select_n3A_435, %mul3A_436 : i32
    %add3A_438 = arith.addi %add3A_375, %mul3A_437 : i32
    %ge3A_439 = vector.broadcast %add3A_438 : i32 to vector<1x128xi32>
    %ge3A_440 = arith.cmpi sge, %mul3A_4, %ge3A_439 : vector<1x128xi32>
    %convert_element_type3A_441 = arith.extui %ge3A_440 : vector<1x128xi1> to vector<1x128xi32>
    %add3A_442 = arith.addi %add3A_379, %convert_element_type3A_441 : vector<1x128xi32>
    %eq3A_443 = arith.constant 7 : i32
    %eq3A_444 = vector.broadcast %eq3A_443 : i32 to vector<64x128xi32>
    %eq3A_445 = arith.cmpi eq, %get3A_1, %eq3A_444 : vector<64x128xi32>
    %convert_element_type3A_446 = arith.extui %eq3A_445 : vector<64x128xi1> to vector<64x128xi32>
    %convert_element_type3A_447 = arith.sitofp %convert_element_type3A_446 : vector<64x128xi32> to vector<64x128xf32>
    %dot_general3A_448 = arith.constant dense<0.000000e+00> : vector<64x128xf32>
    %dot_general3A_449 = tpu.matmul %convert_element_type3A_447, %convert_element_type3A_9, %dot_general3A_448 {dimension_numbers = #tpu.dot_dimension_numbers<[1], [0], [0], [1], [0, 0, 1, 1], [], []>, transpose_lhs_hint = false} : vector<64x128xf32>, vector<128x128xf32>, vector<64x128xf32> -> vector<64x128xf32>
    %slice3A_450 = vector.extract_strided_slice %dot_general3A_449 {offsets = [0, 127], sizes = [64, 1], strides = [1, 1]} : vector<64x128xf32> to vector<64x1xf32>
    %dot_general3A_451 = arith.constant dense<0.000000e+00> : vector<64x1xf32>
    %dot_general3A_452 = tpu.matmul %convert_element_type3A_13, %slice3A_450, %dot_general3A_451 {dimension_numbers = #tpu.dot_dimension_numbers<[1], [0], [0], [1], [0, 0, 1, 1], [], []>, transpose_lhs_hint = false} : vector<64x64xf32>, vector<64x1xf32>, vector<64x1xf32> -> vector<64x1xf32>
    %add3A_453 = vector.broadcast %dot_general3A_452 : vector<64x1xf32> to vector<64x128xf32>
    %add3A_454 = arith.addf %dot_general3A_449, %add3A_453 : vector<64x128xf32>
    %convert_element_type3A_455 = arith.fptosi %add3A_454 : vector<64x128xf32> to vector<64x128xi32>
    %sub3A_456 = arith.constant 1 : i32
    %sub3A_457 = vector.broadcast %sub3A_456 : i32 to vector<64x128xi32>
    %sub3A_458 = arith.subi %convert_element_type3A_455, %sub3A_457 : vector<64x128xi32>
    %convert_element_type3A_459 = arith.extui %eq3A_445 : vector<64x128xi1> to vector<64x128xi32>
    %reduce_sum3A_460 = vector.shape_cast %convert_element_type3A_459 : vector<64x128xi32> to vector<1x64x128xi32>
    %reduce_sum3A_461 = arith.constant dense<0> : vector<1xi32>
    %reduce_sum3A_462 = vector.multi_reduction <add>, %reduce_sum3A_460, %reduce_sum3A_461 [1, 2] : vector<1x64x128xi32> to vector<1xi32>
    %reduce_sum3A_463 = vector.shape_cast %reduce_sum3A_462 : vector<1xi32> to vector<1x1x1xi32>
    %reduce_sum3A_464 = vector.extract %reduce_sum3A_463[0, 0, 0] : i32 from vector<1x1x1xi32>
    %add3A_465 = vector.broadcast %add3A_438 : i32 to vector<64x128xi32>
    %add3A_466 = arith.addi %add3A_465, %sub3A_458 : vector<64x128xi32>
    %jit3A_467 = arith.constant 0 : i32
    %broadcast_in_dim3A_468 = vector.broadcast %jit3A_467 : i32 to vector<64x128xi32>
    %select_n3A_469 = arith.select %eq3A_445, %add3A_466, %broadcast_in_dim3A_468 : vector<64x128xi1>, vector<64x128xi32>
    %add3A_470 = arith.addi %add3A_407, %select_n3A_469 : vector<64x128xi32>
    %add3A_471 = arith.constant 512 : i32
    %add3A_472 = arith.addi %reduce_sum3A_464, %add3A_471 : i32
    %sub3A_473 = arith.constant 1 : i32
    %sub3A_474 = arith.subi %add3A_472, %sub3A_473 : i32
    %jit3A_475 = arith.constant 512 : i32
    %div3A_476 = arith.divsi %sub3A_474, %jit3A_475 : i32
    %sign3A_477 = arith.constant 0 : i32
    %sign3A_478 = arith.cmpi sgt, %sub3A_474, %sign3A_477 : i32
    %sign3A_479 = arith.extui %sign3A_478 : i1 to i32
    %sign3A_480 = arith.constant 0 : i32
    %sign3A_481 = arith.cmpi slt, %sub3A_474, %sign3A_480 : i32
    %sign3A_482 = arith.extui %sign3A_481 : i1 to i32
    %sign3A_483 = arith.subi %sign3A_479, %sign3A_482 : i32
    %sign3A_484 = arith.constant 0 : i32
    %sign3A_485 = arith.cmpi sgt, %jit3A_475, %sign3A_484 : i32
    %sign3A_486 = arith.extui %sign3A_485 : i1 to i32
    %sign3A_487 = arith.constant 0 : i32
    %sign3A_488 = arith.cmpi slt, %jit3A_475, %sign3A_487 : i32
    %sign3A_489 = arith.extui %sign3A_488 : i1 to i32
    %sign3A_490 = arith.subi %sign3A_486, %sign3A_489 : i32
    %ne3A_491 = arith.cmpi ne, %sign3A_483, %sign3A_490 : i32
    %rem3A_492 = arith.remsi %sub3A_474, %jit3A_475 : i32
    %ne3A_493 = arith.constant 0 : i32
    %ne3A_494 = arith.cmpi ne, %rem3A_492, %ne3A_493 : i32
    %and3A_495 = arith.andi %ne3A_491, %ne3A_494 : i1
    %sub3A_496 = arith.constant 1 : i32
    %sub3A_497 = arith.subi %div3A_476, %sub3A_496 : i32
    %select_n3A_498 = arith.select %and3A_495, %sub3A_497, %div3A_476 : i32
    %mul3A_499 = arith.constant 512 : i32
    %mul3A_500 = arith.muli %select_n3A_498, %mul3A_499 : i32
    %add3A_501 = arith.addi %add3A_438, %mul3A_500 : i32
    %ge3A_502 = vector.broadcast %add3A_501 : i32 to vector<1x128xi32>
    %ge3A_503 = arith.cmpi sge, %mul3A_4, %ge3A_502 : vector<1x128xi32>
    %convert_element_type3A_504 = arith.extui %ge3A_503 : vector<1x128xi1> to vector<1x128xi32>
    %add3A_505 = arith.addi %add3A_442, %convert_element_type3A_504 : vector<1x128xi32>
    %swap3A = arith.constant 0 : index
    %swap3A_506 = arith.constant 0 : index
    %swap3A_507 = vector.load %arg1[%swap3A, %swap3A_506] : memref<64x128xi32, #tpu.memory_space<vmem>>, vector<64x128xi32>
    tpu.vector_store %arg1[%swap3A, %swap3A_506], %add3A_470 {strides = array<i32>} : memref<64x128xi32, #tpu.memory_space<vmem>>, vector<64x128xi32>,
    %min3A = arith.constant 7 : i32
    %min3A_508 = vector.broadcast %min3A : i32 to vector<1x128xi32>
    %min3A_509 = arith.minsi %add3A_505, %min3A_508 : vector<1x128xi32>
    %swap3A_510 = arith.constant 0 : index
    %swap3A_511 = arith.constant 0 : index
    %swap3A_512 = vector.load %arg2[%swap3A_510, %swap3A_511] : memref<1x128xi32, #tpu.memory_space<vmem>>, vector<1x128xi32>
    tpu.vector_store %arg2[%swap3A_510, %swap3A_511], %min3A_509 {strides = array<i32>} : memref<1x128xi32, #tpu.memory_space<vmem>>, vector<1x128xi32>,
    return
  }
}

</mosaic_0001>

<sc_bundles>
// kernel: kernel.6.cloned.1.call-start
scs
__scs_entry_jumppad:
0x0: {  	(pc) =	sbr.rel $0x88, $3  }
0x1: {  	(tag) =	ssettag $0x0;
	lr =	simm.s32 $0x1  }
0x2: {  	[smem:$0x3F9D] =	sst lr;
	_ =	strace $0xD0000000  }
0x3: {  	_ = 	snop  }
0x4: {  	_ = 	snop  }
0x5: {  	_ = 	snop  }
0x6: {  	_ = 	snop  }
0x7: {  	_ = 	snop  }
__scs_overlays_trampoline_lowered:
0x8: {  	[smem:$0x3FAC] =	sst s0  }
0x9: {  	[smem:$0x3FAD] =	sst s1  }
0xa: {  	[smem:$0x3FAE] =	sst s2  }
0xb: {  	[smem:$0x3FAF] =	sst s3  }
0xc: {  	[smem:$0x3FB0] =	sst s4  }
0xd: {  	[smem:$0x3FB1] =	sst s5  }
0xe: {  	[smem:$0x3FB2] =	sst s6  }
0xf: {  	[smem:$0x3FB3] =	sst s7  }
0x10: {  	[smem:$0x3FB4] =	sst s8  }
0x11: {  	[smem:$0x3FB5] =	sst s9;
	s0 =	simm.s32 @!p0 $0x0  }
0x12: {  	s1 =	sld [smem:$0x3F9B];
	s0 =	simm.s32 @p0 $0x1  }
0x13: {  	[smem:$0x3FB6] =	sst s0;
	s0 =	simm.s32 @!p1 $0x0  }
0x14: {  	s2 =	sld [smem:$0x3F9A];
	s0 =	simm.s32 @p1 $0x1  }
0x15: {  	[smem:$0x3FB7] =	sst s0;
	s0 =	simm.s32 @!p2 $0x0  }
0x16: {  	s3 =	sld [smem:$0x3FDB];
	s0 =	simm.s32 @p2 $0x1  }
0x17: {  	s4 =	simm.s32 $0x1BF5;
	[smem:$0x3FB9] =	sst s0  }
0x18: {  	s0 =	sld [smem:$0x3F9C];
	_ =	swait.ge [sflag:s4], $0x0  }
0x19: {  	s7 =	sld [smem:$0x3F9D]  }
0x1a: {  	s8 =	sadd.s32 $0xFFFFE003, lr  }
0x1b: {  	s9 =	sadd.s32 $0xFFFFFEF7, lr;
	s5 =	simm.s32 $0xFFFFFFFF;
	p2 =	slt.u32 s8, $0xFFFFF086  }
0x1c: {  	p1 =	slt.u32 s9, $0xF7A;
	s5 =	simm.s32 @!p2 $0x0  }
0x1d: {  	s5 =	simm.s32 @p1 $0x1;
	p0 =	seq.s32 s7, s2  }
0x1e: {  	s7 =	smul.u32 @!p0 $0xF7A, s2;
	p2 =	seq.s32 @!p0 s5, $0x0  }
0x1f: {  	s9 =	smul.u32 $0xF7A, s1;
	s8 =	simm.s32 @!p0 $0x1BF5;
	p2 =	por !p2, p0  }
0x20: {  	[sflag:s8] =	ssyncset.s32 @!p0 $0xFFFFF086;
	s6 =	sadd.s32 @!p0 s3, s7;
	s7 =	simm.s32 @!p0 $0x108  }
0x21: {  	s3 =	sadd.s32 s3, s9;
	s6 =	sadd.s32 @!p0 $0x88, s6;
	s7 =	simm.s32 @p2 $0x1082  }
0x22: {  	[simem:s7], [sflag:s8] =	dma.local @!p0 [hbm:s6], $0xF7A  }
0x23: {  	s9 =	sor.u32 $0xD0000000, s2;
	s6 =	simm.s32 $0x108;
	_ =	swait.ge @!p0 [sflag:s8], $0x0  }
0x24: {  	s3 =	sadd.s32 $0x88, s3;
	s6 =	simm.s32 @!p1 $0x1082;
	[sflag:s4] =	ssyncset.s32 $0xFFFFF086  }
0x25: {  	[simem:s6], [sflag:s4] =	dma.local [hbm:s3], $0xF7A  }
0x26: {  	[smem:$0x3F9D] =	sst s1;
	(tag) =	ssettag s2;
	_ =	strace s9  }
0x27: {  	s1 =	sld [smem:$0x3FAD]  }
0x28: {  	s2 =	sld [smem:$0x3FAE]  }
0x29: {  	s4 =	sld [smem:$0x3FB0]  }
0x2a: {  	p0 =	seq.s32 s5, $0x0;
	s5 =	sld [smem:$0x3FB1]  }
0x2b: {  	s6 =	sld [smem:$0x3FB2]  }
0x2c: {  	s7 =	sld [smem:$0x3FB3]  }
0x2d: {  	s3 =	simm.s32 $0x108;
	s8 =	sld [smem:$0x3FB4]  }
0x2e: {  	s3 =	simm.s32 @!p0 $0x1082;
	s9 =	sld [smem:$0x3FB5]  }
0x2f: {  	lr =	sadd.s32 s0, s3;
	s0 =	sld [smem:$0x3FAC]  }
0x30: {  	s3 =	sld [smem:$0x3FAF]  }
0x31: {  	[smem:$0x3FB8] =	sst s10  }
0x32: {  	s10 =	sld [smem:$0x3FB6];
	_ =	sdelay $0x3  }
0x33: {  	p0 =	seq.s32 s10, $0x1;
	s10 =	sld [smem:$0x3FB8];
	_ =	sdelay $0x3  }
0x34: {  	[smem:$0x3FB8] =	sst s10  }
0x35: {  	s10 =	sld [smem:$0x3FB7];
	_ =	sdelay $0x3  }
0x36: {  	p1 =	seq.s32 s10, $0x1;
	s10 =	sld [smem:$0x3FB8];
	_ =	sdelay $0x3  }
0x37: {  	[smem:$0x3FB8] =	sst s10  }
0x38: {  	s10 =	sld [smem:$0x3FB9]  }
0x39: {  	_ = 	snop;
	(pc) =	sbr.ind lr, $3  }
0x3a: {  	_ = 	snop  }
0x3b: {  	_ = 	snop  }
0x3c: {  	p2 =	seq.s32 s10, $0x1;
	s10 =	sld [smem:$0x3FB8]  }
0x3d: {  	_ =	shalt  }
0x3e: {  	_ =	shalt  }
0x3f: {  	_ =	shalt  }
0x40: {  	_ =	shalt  }
0x41: {  	_ =	shalt  }
0x42: {  	_ =	shalt  }
0x43: {  	_ =	shalt  }
0x44: {  	_ =	shalt  }
0x45: {  	_ =	shalt  }
0x46: {  	_ =	shalt  }
0x47: {  	_ =	shalt  }
0x48: {  	_ =	shalt  }
0x49: {  	_ =	shalt  }
0x4a: {  	_ =	shalt  }
0x4b: {  	_ =	shalt  }
0x4c: {  	_ =	shalt  }
0x4d: {  	_ =	shalt  }
0x4e: {  	_ =	shalt  }
0x4f: {  	_ =	shalt  }
0x50: {  	_ =	shalt  }
0x51: {  	_ =	shalt  }
0x52: {  	_ =	shalt  }
0x53: {  	_ =	shalt  }
0x54: {  	_ =	shalt  }
0x55: {  	_ =	shalt  }
0x56: {  	_ =	shalt  }
0x57: {  	_ =	shalt  }
0x58: {  	_ =	shalt  }
0x59: {  	_ =	shalt  }
0x5a: {  	_ =	shalt  }
0x5b: {  	_ =	shalt  }
0x5c: {  	_ =	shalt  }
0x5d: {  	_ =	shalt  }
0x5e: {  	_ =	shalt  }
0x5f: {  	_ =	shalt  }
0x60: {  	_ =	shalt  }
0x61: {  	_ =	shalt  }
0x62: {  	_ =	shalt  }
0x63: {  	_ =	shalt  }
0x64: {  	_ =	shalt  }
0x65: {  	_ =	shalt  }
0x66: {  	_ =	shalt  }
0x67: {  	_ =	shalt  }
0x68: {  	_ =	shalt  }
0x69: {  	_ =	shalt  }
0x6a: {  	_ =	shalt  }
0x6b: {  	_ =	shalt  }
0x6c: {  	_ =	shalt  }
0x6d: {  	_ =	shalt  }
0x6e: {  	_ =	shalt  }
0x6f: {  	_ =	shalt  }
0x70: {  	_ =	shalt  }
0x71: {  	_ =	shalt  }
0x72: {  	_ =	shalt  }
0x73: {  	_ =	shalt  }
0x74: {  	_ =	shalt  }
0x75: {  	_ =	shalt  }
0x76: {  	_ =	shalt  }
0x77: {  	_ =	shalt  }
0x78: {  	_ =	shalt  }
0x79: {  	_ =	shalt  }
0x7a: {  	_ =	shalt  }
0x7b: {  	_ =	shalt  }
0x7c: {  	_ =	shalt  }
0x7d: {  	_ =	shalt  }
0x7e: {  	_ =	shalt  }
0x7f: {  	_ =	shalt  }
0x80: {  	_ =	shalt  }
0x81: {  	_ =	shalt  }
0x82: {  	_ =	shalt  }
0x83: {  	_ =	shalt  }
0x84: {  	_ =	shalt  }
0x85: {  	_ =	shalt  }
0x86: {  	_ =	shalt  }
0x87: {  	_ =	shalt  }
.Lfunc_end0:
.L_simem_size_0:
called_computation_lowered:
.L_overlay_start_0:
0x88: {  	s2 =	sld [smem:$0x3FD9]  }
0x89: {  	s3 =	sld [smem:$0x3FFE];
	_ =	sdelay $0x1  }
0x8a: {  	s1 =	srdreg.scid  }
0x8b: {  	s0 =	sand.u32 $0x1, s1  }
0x8c: {  	s17 =	sshll.u32 s0, $0xA;
	s2 =	sadd.s32 s3, s2  }
0x8d: {  	s2 =	sadd.s32 s2, s17  }
0x8e: {  	[smem:$0x3FC4] =	sst s2  }
0x8f: {  	_ = 	snop  }
0x90: {  	s2 =	sld [smem:$0x3FC9];
	(tm) =	ssettm $0x1  }
0x91: {  	s18 =	sld [smem:$0x3FFB];
	_ =	sdelay $0x3  }
0x92: {  	_ =	strace s18  }
0x93: {  	s3 =	sld [smem:$0x3FFC];
	_ =	sdelay $0x3  }
0x94: {  	_ =	strace s3  }
0x95: {  	s3 =	sld [smem:$0x3FFD];
	_ =	sdelay $0x3  }
0x96: {  	_ =	strace s3  }
0x97: {  	_ =	strace $0x8FFFFFFF  }
0x98: {  	s19 =	sld [smem:$0x3FDB];
	_ =	sdelay $0x1  }
0x99: {  	s4 =	simm.s32 $_scs_section_size  }
0x9a: {  	s5 =	simm.s32 $_size__tile_overlayer_lowered;
	s6 =	simm.s32 $_tile_overlayer_lowered  }
0x9b: {  	s22 =	simm.s32 $0x1BFF;
	s21 =	sshll.u32 s6, $0x1;
	s3 =	sadd.s32 s4, s19  }
0x9c: {  	s7 =	simm.s32 $0x0;
	s20 =	sshll.u32 s5, $0x1;
	s5 =	sadd.s32 s21, s3  }
0x9d: {  	[timem:s7], [sflag:s22] =	dma.local [hbm:s5], s20  }
0x9e: {  	_ =	swait.ge [sflag:s22], s20  }
0x9f: {  	s4 =	ssub.s32 $0x0, s20;
	[sflag:s22] =	ssyncset.done $0x0  }
0xa0: {  	[sflag:s22] =	ssyncadd.s32 s4;
	_ =	sdelay $0x1  }
0xa1: {  	s23 =	simm.s32 $0x1B8B  }
0xa2: {  	_ =	swait.ge [sflag:s23], $0x1  }
0xa3: {  	[sflag:s23] =	ssyncset.done $0x0  }
0xa4: {  	s25 =	simm.s32 $0x1B8E;
	s24 =	sld [smem:$0x3FFE];
	[sflag:s23] =	ssyncadd.s32 $0xFFFFFFFF  }
0xa5: {  	s26 =	simm.s32 $execute0_lowered;
	[smem:$0x3FD2] =	sst s25  }
0xa6: {  	s5 =	sshll.u32 s26, $0x1;
	_ =	strace $0x80000046;
	[dreg:$0x1] =	wrdreg $0xFFFFFFFF  }
0xa7: {  	s28 =	simm.s32 $_size_execute0_lowered;
	s3 =	sadd.s32 s3, s5;
	[dreg:$0x0] =	wrdreg $0x0  }
0xa8: {  	s5 =	sshll.u32 s28, $0x1;
	[dreg:$0x2] =	wrdreg s3  }
0xa9: {  	[dreg:$0x3] =	wrdreg s5  }
0xaa: {  	[dreg:$0x4] =	wrdreg $0xC0  }
0xab: {  	_ =	task [dreg:s7], $0x5FFFF  }
0xac: {  	[dreg:$0x1] =	wrdreg $0xFFFFFFFF  }
0xad: {  	[dreg:$0x0] =	wrdreg $0x60  }
0xae: {  	[dreg:$0x2] =	wrdreg s2  }
0xaf: {  	[dreg:$0x3] =	wrdreg s24  }
0xb0: {  	[dreg:$0x4] =	wrdreg $0x9  }
0xb1: {  	_ =	task.clear_ibuf [dreg:s7], $0x5FFFF;
	_ =	strace $0x90000046  }
0xb2: {  	s29 =	simm.s32 $0x9;
	_ =	strace $0x80000048  }
0xb3: {  	_ =	swait.ge [sflag:s29], $0x1  }
0xb4: {  	[sflag:s29] =	ssyncadd.s32 $0xFFFFFFFF  }
0xb5: {  	_ =	strace $0x90000048  }
0xb6: {  	_ =	sfence  }
0xb7: {  	s30 =	sld [smem:$0x0];
	_ =	sdelay $0x2  }
0xb8: {  	s31 =	sshll.u32 s1, $0xD;
	s1 =	sshrl.u32 s1, $0x2  }
0xb9: {  	s3 =	sand.u32 $0x4000, s31;
	s1 =	sadd.s32 s1, s30  }
0xba: {  	s0 =	sor.u32 s3, s0;
	s1 =	sshll.u32 s1, $0x11  }
0xbb: {  	s0 =	sor.u32 s1, s0  }
0xbc: {  	s0 =	sadd.s32 $0x8F2B, s0  }
0xbd: {  	[sflag:s0] =	ssyncadd.remote.s32 $0x1  }
0xbe: {  	_ =	sfence.sel $0xFFFF  }
0xbf: {  	[dreg:$0x0] =	wrdreg $0xFFFFFFFF;
	(pc) =	sbr.abs _section_cstart, $3  }
0xc0: {  	[dreg:$0x1] =	wrdreg $0xFFFFFFFF  }
0xc1: {  	_ =	task.clear_ibuf [dreg:s7], $0x2FFFF;
	_ =	strace $0x9FFFFFFF  }
0xc2: {  	(tm) =	ssettm $0x7FFFFFFF  }
0xc3: {  	_ =	shalt  }
tec
execute0_lowered:
.L_overlay_start_1:
0x0: {  	(tag) =	ssettag $0x1  }
0x1: {  	s0 =	rddreg [dreg:$0x0]  }
0x2: {  	s1 =	rddreg [dreg:$0x1];
	s3 =	srdreg.scid  }
0x3: {  	s2 =	simm.s32 $0x0;
	s5 =	stileid.u32;
	s31 =	simm.s32 $0x4  }
0x4: {  	s28 =	simm.s32 $0x5;
	s29 =	simm.s32 $0x8180;
	s30 =	simm.s32 $0x3  }
0x5: {  	s4 =	sand.u32 $0x1, s3;
	[smem:$0x7FF] =	sst s2;
	s15 =	sshll.u32 s5, $0x9  }
0x6: {  	s6 =	sadd.s32 $0x1000, s1;
	s3 =	sadd.s32 $0x1400, s1;
	s16 =	sshll.u32 s4, $0x8  }
0x7: {  	_ =	strace $0x80000047;
	s4 =	ssub.s32 $0x2, s4;
	s5 =	sor.u32 s16, s15  }
0x8: {  	s23 =	sshrl.u32 s4, $0x1;
	s7 =	sshrl.u32 s5, $0x3;
	s8 =	sshll.u32 s5, $0x7  }
0x9: {  	s9 =	sor.u32 $0x20, s5;
	s22 =	sor.u32 $0x40, s5;
	s10 =	sor.u32 $0x60, s5  }
0xa: {  	s14 =	sor.u32 $0x80, s5;
	s7 =	sadd.s32 s6, s7;
	s17 =	sadd.s32 s0, s8  }
0xb: {  	s18 =	sshrl.u32 s9, $0x3;
	s20 =	sshll.u32 s9, $0x7;
	s24 =	sshrl.u32 s22, $0x3  }
0xc: {  	s8 =	sshll.u32 s22, $0x7;
	s26 =	sshrl.u32 s10, $0x3;
	s12 =	sshll.u32 s10, $0x7  }
0xd: {  	s9 =	ssub.s32 s4, s23;
	s15 =	sshrl.u32 s14, $0x3;
	s16 =	sshll.u32 s14, $0x7  }
0xe: {  	s22 =	sor.u32 $0xC0, s5;
	s10 =	simm.s32 $0x1;
	[dreg:$0x3] =	wrdreg s7  }
0xf: {  	s14 =	simm.s32 $0x6;
	[dreg:$0x4] =	wrdreg s17;
	s19 =	sadd.s32 s6, s18  }
0x10: {  	s21 =	sadd.s32 s0, s20;
	s7 =	sadd.s32 s6, s24;
	[dreg:$0x5] =	wrdreg s19  }
0x11: {  	s25 =	sadd.s32 s0, s8;
	s11 =	sadd.s32 s6, s26;
	[dreg:$0x6] =	wrdreg s21  }
0x12: {  	s13 =	sadd.s32 s0, s12;
	s4 =	sadd.s32 s6, s15;
	[dreg:$0x7] =	wrdreg s7  }
0x13: {  	s17 =	sor.u32 $0xA0, s5;
	s18 =	sadd.s32 s0, s16;
	[dreg:$0x8] =	wrdreg s25  }
0x14: {  	s23 =	sshrl.u32 s22, $0x3;
	s8 =	sshll.u32 s22, $0x7;
	[dreg:$0x9] =	wrdreg s11  }
0x15: {  	s5 =	sor.u32 $0xE0, s5;
	s16 =	simm.s32 $0x11180;
	[dreg:$0xa] =	wrdreg s13  }
0x16: {  	s22 =	simm.s32 $0x14180;
	[dreg:$0xb] =	wrdreg s4;
	s19 =	sshrl.u32 s17, $0x3  }
0x17: {  	[dreg:$0xc] =	wrdreg s18;
	s21 =	sshll.u32 s17, $0x7;
	s4 =	sadd.s32 $0x1500, s1  }
0x18: {  	s24 =	sadd.s32 s0, s8;
	s25 =	sshrl.u32 s5, $0x3;
	s26 =	sshll.u32 s5, $0x7  }
0x19: {  	s5 =	sadd.s32 $0x1600, s1;
	s8 =	simm.s32 $0x7;
	s11 =	simm.s32 $0x180  }
0x1a: {  	s17 =	simm.s32 $0x11980;
	s18 =	simm.s32 $0x12180;
	s20 =	sadd.s32 s6, s19  }
0x1b: {  	s7 =	sadd.s32 s0, s21;
	[dreg:$0x10] =	wrdreg s24;
	s0 =	sadd.s32 s0, s26  }
0x1c: {  	s19 =	simm.s32 $0x12980;
	s21 =	simm.s32 $0x13980;
	[dreg:$0xd] =	wrdreg s20  }
0x1d: {  	s24 =	simm.s32 $0x15180;
	s26 =	simm.s32 $0x16180;
	[dreg:$0xe] =	wrdreg s7  }
0x1e: {  	s7 =	sadd.s32 s6, s23;
	s6 =	sadd.s32 s6, s25;
	[dreg:$0x12] =	wrdreg s0  }
0x1f: {  	v2 =	vlaneseq.u32;
	s0 =	simm.s32 $0x2;
	s20 =	simm.s32 $0x13180;
	[dreg:$0xf] =	wrdreg s7  }
0x20: {  	vm0 =	vmmov $0xffff;
	v1 =	vshrl.u32 v2, $0x3;
	s23 =	simm.s32 $0x14980;
	s25 =	simm.s32 $0x15980;
	[dreg:$0x11] =	wrdreg s6  }
0x21: {  	v0 =	vand.u32 $0x7, v2;
	v2 =	vor.u32 $0x8, v2;
	v1 =	vmul.u32 $0x8, v1;
	s6 =	sadd.s32 $0x1700, s1;
	s7 =	smax.u32 s9, $0x1;
	s9 =	simm.s32 $0x10180  }
.LBB2_1:
0x22: {  	s1 =	rddreg [dreg:$0x3]  }
0x23: {  	[tilespmem:s2], [sflag:$0x7] =	stream.linear.gather [hbm4b:s1+s2], $0x20, $0x38;
	[tilespmem:$0x18180] =	vst v63  }
0x24: {  	_ =	swait.ge [sflag:s8], $0x20  }
0x25: {  	[sflag:s8] =	ssyncset.done $0x0  }
0x26: {  	s15 =	rddreg [dreg:$0x4];
	[sflag:s8] =	ssyncadd.s32 $0xFFFFFFE0  }
0x27: {  	[tilespmem:s11], [sflag:$0x1] =	stream.linear.gather [hbm4b:s15+s2], $0x8000, $0x38;
	[tilespmem:$0x18180] =	vst v63  }
0x28: {  	s13 =	simm.s32 $0x80;
	s12 =	rddreg [dreg:$0x5]  }
0x29: {  	[tilespmem:s13], [sflag:$0x7] =	stream.linear.gather [hbm4b:s12+s2], $0x20, $0x38;
	[tilespmem:$0x18180] =	vst v63  }
0x2a: {  	_ =	swait.ge [sflag:s8], $0x20  }
0x2b: {  	[sflag:s8] =	ssyncset.done $0x0  }
0x2c: {  	s15 =	rddreg [dreg:$0x6];
	[sflag:s8] =	ssyncadd.s32 $0xFFFFFFE0  }
0x2d: {  	[tilespmem:s29], [sflag:$0x2] =	stream.linear.gather [hbm4b:s15+s2], $0x8000, $0x38;
	[tilespmem:$0x18180] =	vst v63  }
0x2e: {  	s12 =	rddreg [dreg:$0x7];
	s15 =	simm.s32 $0x100  }
0x2f: {  	[tilespmem:s15], [sflag:$0x7] =	stream.linear.gather [hbm4b:s12+s2], $0x20, $0x38;
	[tilespmem:$0x18180] =	vst v63  }
0x30: {  	_ =	swait.ge [sflag:s8], $0x20  }
0x31: {  	[sflag:s8] =	ssyncset.done $0x0  }
0x32: {  	s12 =	rddreg [dreg:$0x8];
	[sflag:s8] =	ssyncadd.s32 $0xFFFFFFE0  }
0x33: {  	[tilespmem:s9], [sflag:$0x3] =	stream.linear.gather [hbm4b:s12+s2], $0x8000, $0x38;
	[tilespmem:$0x18180] =	vst v63  }
0x34: {  	_ =	swait.ge [sflag:s10], $0x8000  }
0x35: {  	[sflag:s10] =	ssyncset.done $0x0  }
0x36: {  	[sflag:s10] =	ssyncadd.s32 $0xFFFF8000  }
0x37: {  	v3 =	vld [tilespmem:$0x0];
	_ =	sdelay $0x4  }
0x38: {  	v4 =	vshll.u32 v3, $0x3  }
0x39: {  	v3 =	vand.u32 $0x7, v3;
	v4 =	vand.u32 $0xFFFFFFC0, v4  }
0x3a: {  	v3 =	vor.u32 v3, v4  }
0x3b: {  	v4 =	vperm.xlane v3, v0;
	_ =	sdelay $0x1  }
0x3c: {  	v4 =	vadd.s32 v1, v4;
	_ =	sdelay $0x4  }
0x3d: {  	[hbm4b:s3+s2] =	stream.indirect_vreg.scatter [tilespmem:s11], [sflag:$0x4], $0x80, v4, vm0, $0xb8;
	[tilespmem:$0x18180] =	vst v63  }
0x3e: {  	s12 =	simm.s32 $0x980;
	v3 =	vperm.xlane v3, v2  }
0x3f: {  	[hbm4b:s4+s2] =	stream.indirect_vreg.scatter [tilespmem:s12], [sflag:$0x4], $0x80, v4, vm0, $0xb8;
	[tilespmem:$0x18180] =	vst v63  }
0x40: {  	v3 =	vadd.s32 v1, v3;
	s12 =	simm.s32 $0x1180  }
0x41: {  	[hbm4b:s5+s2] =	stream.indirect_vreg.scatter [tilespmem:s12], [sflag:$0x4], $0x80, v4, vm0, $0xb8;
	[tilespmem:$0x18180] =	vst v63  }
0x42: {  	s12 =	simm.s32 $0x1980  }
0x43: {  	[hbm4b:s6+s2] =	stream.indirect_vreg.scatter [tilespmem:s12], [sflag:$0x4], $0x80, v4, vm0, $0xb8;
	[tilespmem:$0x18180] =	vst v63  }
0x44: {  	s12 =	simm.s32 $0x2180  }
0x45: {  	[hbm4b:s3+s2] =	stream.indirect_vreg.scatter [tilespmem:s12], [sflag:$0x4], $0x80, v3, vm0, $0xb8;
	[tilespmem:$0x18180] =	vst v63  }
0x46: {  	s12 =	simm.s32 $0x2980  }
0x47: {  	[hbm4b:s4+s2] =	stream.indirect_vreg.scatter [tilespmem:s12], [sflag:$0x4], $0x80, v3, vm0, $0xb8;
	[tilespmem:$0x18180] =	vst v63  }
0x48: {  	s12 =	simm.s32 $0x3180  }
0x49: {  	[hbm4b:s5+s2] =	stream.indirect_vreg.scatter [tilespmem:s12], [sflag:$0x4], $0x80, v3, vm0, $0xb8;
	[tilespmem:$0x18180] =	vst v63  }
0x4a: {  	s12 =	simm.s32 $0x3980  }
0x4b: {  	[hbm4b:s6+s2] =	stream.indirect_vreg.scatter [tilespmem:s12], [sflag:$0x4], $0x80, v3, vm0, $0xb8;
	[tilespmem:$0x18180] =	vst v63  }
0x4c: {  	v3 =	vld [tilespmem:$0x10];
	_ =	sdelay $0x4  }
0x4d: {  	v49 =	vshll.u32 v3, $0x3  }
0x4e: {  	v3 =	vand.u32 $0x7, v3;
	v4 =	vand.u32 $0xFFFFFFC0, v49  }
0x4f: {  	v3 =	vor.u32 v3, v4  }
0x50: {  	v4 =	vperm.xlane v3, v0;
	_ =	sdelay $0x1  }
0x51: {  	v4 =	vadd.s32 v1, v4;
	_ =	sdelay $0x3  }
0x52: {  	s12 =	simm.s32 $0x4180  }
0x53: {  	[hbm4b:s3+s2] =	stream.indirect_vreg.scatter [tilespmem:s12], [sflag:$0x4], $0x80, v4, vm0, $0xb8;
	[tilespmem:$0x18180] =	vst v63  }
0x54: {  	v3 =	vperm.xlane v3, v2;
	s12 =	simm.s32 $0x4980  }
0x55: {  	[hbm4b:s4+s2] =	stream.indirect_vreg.scatter [tilespmem:s12], [sflag:$0x4], $0x80, v4, vm0, $0xb8;
	[tilespmem:$0x18180] =	vst v63  }
0x56: {  	v3 =	vadd.s32 v1, v3;
	s12 =	simm.s32 $0x5180  }
0x57: {  	[hbm4b:s5+s2] =	stream.indirect_vreg.scatter [tilespmem:s12], [sflag:$0x4], $0x80, v4, vm0, $0xb8;
	[tilespmem:$0x18180] =	vst v63  }
0x58: {  	s12 =	simm.s32 $0x5980  }
0x59: {  	[hbm4b:s6+s2] =	stream.indirect_vreg.scatter [tilespmem:s12], [sflag:$0x4], $0x80, v4, vm0, $0xb8;
	[tilespmem:$0x18180] =	vst v63  }
0x5a: {  	s12 =	simm.s32 $0x6180  }
0x5b: {  	[hbm4b:s3+s2] =	stream.indirect_vreg.scatter [tilespmem:s12], [sflag:$0x4], $0x80, v3, vm0, $0xb8;
	[tilespmem:$0x18180] =	vst v63  }
0x5c: {  	s12 =	simm.s32 $0x6980  }
0x5d: {  	[hbm4b:s4+s2] =	stream.indirect_vreg.scatter [tilespmem:s12], [sflag:$0x4], $0x80, v3, vm0, $0xb8;
	[tilespmem:$0x18180] =	vst v63  }
0x5e: {  	s12 =	simm.s32 $0x7180  }
0x5f: {  	[hbm4b:s5+s2] =	stream.indirect_vreg.scatter [tilespmem:s12], [sflag:$0x4], $0x80, v3, vm0, $0xb8;
	[tilespmem:$0x18180] =	vst v63  }
0x60: {  	s12 =	simm.s32 $0x7980  }
0x61: {  	[hbm4b:s6+s2] =	stream.indirect_vreg.scatter [tilespmem:s12], [sflag:$0x4], $0x80, v3, vm0, $0xb8;
	[tilespmem:$0x18180] =	vst v63  }
0x62: {  	_ =	swait.ge [sflag:s31], $0x8000  }
0x63: {  	[sflag:s31] =	ssyncset.done $0x0  }
0x64: {  	s12 =	rddreg [dreg:$0x9];
	[sflag:s31] =	ssyncadd.s32 $0xFFFF8000  }
0x65: {  	[tilespmem:s2], [sflag:$0x7] =	stream.linear.gather [hbm4b:s12+s2], $0x20, $0x38;
	[tilespmem:$0x18180] =	vst v63  }
0x66: {  	_ =	swait.ge [sflag:s8], $0x20  }
0x67: {  	[sflag:s8] =	ssyncset.done $0x0  }
0x68: {  	s12 =	rddreg [dreg:$0xa];
	[sflag:s8] =	ssyncadd.s32 $0xFFFFFFE0  }
0x69: {  	[tilespmem:s11], [sflag:$0x1] =	stream.linear.gather [hbm4b:s12+s2], $0x8000, $0x38;
	[tilespmem:$0x18180] =	vst v63  }
0x6a: {  	_ =	swait.ge [sflag:s0], $0x8000  }
0x6b: {  	[sflag:s0] =	ssyncset.done $0x0  }
0x6c: {  	[sflag:s0] =	ssyncadd.s32 $0xFFFF8000  }
0x6d: {  	v3 =	vld [tilespmem:$0x80];
	_ =	sdelay $0x4  }
0x6e: {  	v50 =	vshll.u32 v3, $0x3  }
0x6f: {  	v3 =	vand.u32 $0x7, v3;
	v4 =	vand.u32 $0xFFFFFFC0, v50  }
0x70: {  	v3 =	vor.u32 v3, v4  }
0x71: {  	v4 =	vperm.xlane v3, v0;
	_ =	sdelay $0x1  }
0x72: {  	v4 =	vadd.s32 v1, v4;
	_ =	sdelay $0x4  }
0x73: {  	[hbm4b:s3+s2] =	stream.indirect_vreg.scatter [tilespmem:s29], [sflag:$0x5], $0x80, v4, vm0, $0xb8;
	[tilespmem:$0x18180] =	vst v63  }
0x74: {  	s12 =	simm.s32 $0x8980;
	v3 =	vperm.xlane v3, v2  }
0x75: {  	[hbm4b:s4+s2] =	stream.indirect_vreg.scatter [tilespmem:s12], [sflag:$0x5], $0x80, v4, vm0, $0xb8;
	[tilespmem:$0x18180] =	vst v63  }
0x76: {  	v3 =	vadd.s32 v1, v3;
	s12 =	simm.s32 $0x9180  }
0x77: {  	[hbm4b:s5+s2] =	stream.indirect_vreg.scatter [tilespmem:s12], [sflag:$0x5], $0x80, v4, vm0, $0xb8;
	[tilespmem:$0x18180] =	vst v63  }
0x78: {  	s12 =	simm.s32 $0x9980  }
0x79: {  	[hbm4b:s6+s2] =	stream.indirect_vreg.scatter [tilespmem:s12], [sflag:$0x5], $0x80, v4, vm0, $0xb8;
	[tilespmem:$0x18180] =	vst v63  }
0x7a: {  	s12 =	simm.s32 $0xA180  }
0x7b: {  	[hbm4b:s3+s2] =	stream.indirect_vreg.scatter [tilespmem:s12], [sflag:$0x5], $0x80, v3, vm0, $0xb8;
	[tilespmem:$0x18180] =	vst v63  }
0x7c: {  	s12 =	simm.s32 $0xA980  }
0x7d: {  	[hbm4b:s4+s2] =	stream.indirect_vreg.scatter [tilespmem:s12], [sflag:$0x5], $0x80, v3, vm0, $0xb8;
	[tilespmem:$0x18180] =	vst v63  }
0x7e: {  	s12 =	simm.s32 $0xB180  }
0x7f: {  	[hbm4b:s5+s2] =	stream.indirect_vreg.scatter [tilespmem:s12], [sflag:$0x5], $0x80, v3, vm0, $0xb8;
	[tilespmem:$0x18180] =	vst v63  }
0x80: {  	s12 =	simm.s32 $0xB980  }
0x81: {  	[hbm4b:s6+s2] =	stream.indirect_vreg.scatter [tilespmem:s12], [sflag:$0x5], $0x80, v3, vm0, $0xb8;
	[tilespmem:$0x18180] =	vst v63  }
0x82: {  	v3 =	vld [tilespmem:$0x90];
	_ =	sdelay $0x4  }
0x83: {  	v51 =	vshll.u32 v3, $0x3  }
0x84: {  	v3 =	vand.u32 $0x7, v3;
	v4 =	vand.u32 $0xFFFFFFC0, v51  }
0x85: {  	v3 =	vor.u32 v3, v4  }
0x86: {  	v4 =	vperm.xlane v3, v0;
	_ =	sdelay $0x1  }
0x87: {  	v4 =	vadd.s32 v1, v4;
	_ =	sdelay $0x3  }
0x88: {  	s12 =	simm.s32 $0xC180  }
0x89: {  	[hbm4b:s3+s2] =	stream.indirect_vreg.scatter [tilespmem:s12], [sflag:$0x5], $0x80, v4, vm0, $0xb8;
	[tilespmem:$0x18180] =	vst v63  }
0x8a: {  	v3 =	vperm.xlane v3, v2;
	s12 =	simm.s32 $0xC980  }
0x8b: {  	[hbm4b:s4+s2] =	stream.indirect_vreg.scatter [tilespmem:s12], [sflag:$0x5], $0x80, v4, vm0, $0xb8;
	[tilespmem:$0x18180] =	vst v63  }
0x8c: {  	v3 =	vadd.s32 v1, v3;
	s12 =	simm.s32 $0xD180  }
0x8d: {  	[hbm4b:s5+s2] =	stream.indirect_vreg.scatter [tilespmem:s12], [sflag:$0x5], $0x80, v4, vm0, $0xb8;
	[tilespmem:$0x18180] =	vst v63  }
0x8e: {  	s12 =	simm.s32 $0xD980  }
0x8f: {  	[hbm4b:s6+s2] =	stream.indirect_vreg.scatter [tilespmem:s12], [sflag:$0x5], $0x80, v4, vm0, $0xb8;
	[tilespmem:$0x18180] =	vst v63  }
0x90: {  	s12 =	simm.s32 $0xE180  }
0x91: {  	[hbm4b:s3+s2] =	stream.indirect_vreg.scatter [tilespmem:s12], [sflag:$0x5], $0x80, v3, vm0, $0xb8;
	[tilespmem:$0x18180] =	vst v63  }
0x92: {  	s12 =	simm.s32 $0xE980  }
0x93: {  	[hbm4b:s4+s2] =	stream.indirect_vreg.scatter [tilespmem:s12], [sflag:$0x5], $0x80, v3, vm0, $0xb8;
	[tilespmem:$0x18180] =	vst v63  }
0x94: {  	s12 =	simm.s32 $0xF180  }
0x95: {  	[hbm4b:s5+s2] =	stream.indirect_vreg.scatter [tilespmem:s12], [sflag:$0x5], $0x80, v3, vm0, $0xb8;
	[tilespmem:$0x18180] =	vst v63  }
0x96: {  	s12 =	simm.s32 $0xF980  }
0x97: {  	[hbm4b:s6+s2] =	stream.indirect_vreg.scatter [tilespmem:s12], [sflag:$0x5], $0x80, v3, vm0, $0xb8;
	[tilespmem:$0x18180] =	vst v63  }
0x98: {  	_ =	swait.ge [sflag:s28], $0x8000  }
0x99: {  	[sflag:s28] =	ssyncset.done $0x0  }
0x9a: {  	s13 =	simm.s32 $0x80;
	s12 =	rddreg [dreg:$0xb];
	[sflag:s28] =	ssyncadd.s32 $0xFFFF8000  }
0x9b: {  	[tilespmem:s13], [sflag:$0x7] =	stream.linear.gather [hbm4b:s12+s2], $0x20, $0x38;
	[tilespmem:$0x18180] =	vst v63  }
0x9c: {  	_ =	swait.ge [sflag:s8], $0x20  }
0x9d: {  	[sflag:s8] =	ssyncset.done $0x0  }
0x9e: {  	s13 =	rddreg [dreg:$0xc];
	[sflag:s8] =	ssyncadd.s32 $0xFFFFFFE0  }
0x9f: {  	[tilespmem:s29], [sflag:$0x2] =	stream.linear.gather [hbm4b:s13+s2], $0x8000, $0x38;
	[tilespmem:$0x18180] =	vst v63  }
0xa0: {  	_ =	swait.ge [sflag:s30], $0x8000  }
0xa1: {  	[sflag:s30] =	ssyncset.done $0x0  }
0xa2: {  	[sflag:s30] =	ssyncadd.s32 $0xFFFF8000  }
0xa3: {  	v3 =	vld [tilespmem:$0x100];
	_ =	sdelay $0x4  }
0xa4: {  	v52 =	vshll.u32 v3, $0x3  }
0xa5: {  	v3 =	vand.u32 $0x7, v3;
	v4 =	vand.u32 $0xFFFFFFC0, v52  }
0xa6: {  	v3 =	vor.u32 v3, v4  }
0xa7: {  	v4 =	vperm.xlane v3, v0;
	_ =	sdelay $0x1  }
0xa8: {  	v4 =	vadd.s32 v1, v4;
	_ =	sdelay $0x4  }
0xa9: {  	[hbm4b:s3+s2] =	stream.indirect_vreg.scatter [tilespmem:s9], [sflag:$0x6], $0x80, v4, vm0, $0xb8;
	[tilespmem:$0x18180] =	vst v63  }
0xaa: {  	s13 =	simm.s32 $0x10980;
	v3 =	vperm.xlane v3, v2  }
0xab: {  	[hbm4b:s4+s2] =	stream.indirect_vreg.scatter [tilespmem:s13], [sflag:$0x6], $0x80, v4, vm0, $0xb8;
	[tilespmem:$0x18180] =	vst v63  }
0xac: {  	v3 =	vadd.s32 v1, v3  }
0xad: {  	[hbm4b:s5+s2] =	stream.indirect_vreg.scatter [tilespmem:s16], [sflag:$0x6], $0x80, v4, vm0, $0xb8;
	[tilespmem:$0x18180] =	vst v63  }
0xae: {  	_ = 	snop  }
0xaf: {  	[hbm4b:s6+s2] =	stream.indirect_vreg.scatter [tilespmem:s17], [sflag:$0x6], $0x80, v4, vm0, $0xb8;
	[tilespmem:$0x18180] =	vst v63  }
0xb0: {  	_ = 	snop  }
0xb1: {  	[hbm4b:s3+s2] =	stream.indirect_vreg.scatter [tilespmem:s18], [sflag:$0x6], $0x80, v3, vm0, $0xb8;
	[tilespmem:$0x18180] =	vst v63  }
0xb2: {  	_ = 	snop  }
0xb3: {  	[hbm4b:s4+s2] =	stream.indirect_vreg.scatter [tilespmem:s19], [sflag:$0x6], $0x80, v3, vm0, $0xb8;
	[tilespmem:$0x18180] =	vst v63  }
0xb4: {  	_ = 	snop  }
0xb5: {  	[hbm4b:s5+s2] =	stream.indirect_vreg.scatter [tilespmem:s20], [sflag:$0x6], $0x80, v3, vm0, $0xb8;
	[tilespmem:$0x18180] =	vst v63  }
0xb6: {  	_ = 	snop  }
0xb7: {  	[hbm4b:s6+s2] =	stream.indirect_vreg.scatter [tilespmem:s21], [sflag:$0x6], $0x80, v3, vm0, $0xb8;
	[tilespmem:$0x18180] =	vst v63  }
0xb8: {  	v3 =	vld [tilespmem:$0x110];
	_ =	sdelay $0x4  }
0xb9: {  	v53 =	vshll.u32 v3, $0x3  }
0xba: {  	v3 =	vand.u32 $0x7, v3;
	v4 =	vand.u32 $0xFFFFFFC0, v53  }
0xbb: {  	v3 =	vor.u32 v3, v4  }
0xbc: {  	v4 =	vperm.xlane v3, v0;
	_ =	sdelay $0x1  }
0xbd: {  	v4 =	vadd.s32 v1, v4;
	_ =	sdelay $0x4  }
0xbe: {  	[hbm4b:s3+s2] =	stream.indirect_vreg.scatter [tilespmem:s22], [sflag:$0x6], $0x80, v4, vm0, $0xb8;
	[tilespmem:$0x18180] =	vst v63  }
0xbf: {  	v3 =	vperm.xlane v3, v2  }
0xc0: {  	[hbm4b:s4+s2] =	stream.indirect_vreg.scatter [tilespmem:s23], [sflag:$0x6], $0x80, v4, vm0, $0xb8;
	[tilespmem:$0x18180] =	vst v63  }
0xc1: {  	v3 =	vadd.s32 v1, v3  }
0xc2: {  	[hbm4b:s5+s2] =	stream.indirect_vreg.scatter [tilespmem:s24], [sflag:$0x6], $0x80, v4, vm0, $0xb8;
	[tilespmem:$0x18180] =	vst v63  }
0xc3: {  	_ = 	snop  }
0xc4: {  	[hbm4b:s6+s2] =	stream.indirect_vreg.scatter [tilespmem:s25], [sflag:$0x6], $0x80, v4, vm0, $0xb8;
	[tilespmem:$0x18180] =	vst v63  }
0xc5: {  	_ = 	snop  }
0xc6: {  	[hbm4b:s3+s2] =	stream.indirect_vreg.scatter [tilespmem:s26], [sflag:$0x6], $0x80, v3, vm0, $0xb8;
	[tilespmem:$0x18180] =	vst v63  }
0xc7: {  	s12 =	simm.s32 $0x16980  }
0xc8: {  	[hbm4b:s4+s2] =	stream.indirect_vreg.scatter [tilespmem:s12], [sflag:$0x6], $0x80, v3, vm0, $0xb8;
	[tilespmem:$0x18180] =	vst v63  }
0xc9: {  	s12 =	simm.s32 $0x17180  }
0xca: {  	[hbm4b:s5+s2] =	stream.indirect_vreg.scatter [tilespmem:s12], [sflag:$0x6], $0x80, v3, vm0, $0xb8;
	[tilespmem:$0x18180] =	vst v63  }
0xcb: {  	s1 =	simm.s32 $0x17980  }
0xcc: {  	[hbm4b:s6+s2] =	stream.indirect_vreg.scatter [tilespmem:s1], [sflag:$0x6], $0x80, v3, vm0, $0xb8;
	[tilespmem:$0x18180] =	vst v63  }
0xcd: {  	_ =	swait.ge [sflag:s14], $0x8000  }
0xce: {  	[sflag:s14] =	ssyncset.done $0x0  }
0xcf: {  	s1 =	rddreg [dreg:$0xd];
	[sflag:s14] =	ssyncadd.s32 $0xFFFF8000  }
0xd0: {  	[tilespmem:s15], [sflag:$0x7] =	stream.linear.gather [hbm4b:s1+s2], $0x20, $0x38;
	[tilespmem:$0x18180] =	vst v63  }
0xd1: {  	_ =	swait.ge [sflag:s8], $0x20  }
0xd2: {  	[sflag:s8] =	ssyncset.done $0x0  }
0xd3: {  	s15 =	rddreg [dreg:$0xe];
	[sflag:s8] =	ssyncadd.s32 $0xFFFFFFE0  }
0xd4: {  	[tilespmem:s9], [sflag:$0x3] =	stream.linear.gather [hbm4b:s15+s2], $0x8000, $0x38;
	[tilespmem:$0x18180] =	vst v63  }
0xd5: {  	_ =	swait.ge [sflag:s10], $0x8000  }
0xd6: {  	[sflag:s10] =	ssyncset.done $0x0  }
0xd7: {  	[sflag:s10] =	ssyncadd.s32 $0xFFFF8000  }
0xd8: {  	v3 =	vld [tilespmem:$0x0];
	_ =	sdelay $0x4  }
0xd9: {  	v54 =	vshll.u32 v3, $0x3  }
0xda: {  	v3 =	vand.u32 $0x7, v3;
	v4 =	vand.u32 $0xFFFFFFC0, v54  }
0xdb: {  	v3 =	vor.u32 v3, v4  }
0xdc: {  	v4 =	vperm.xlane v3, v0;
	_ =	sdelay $0x1  }
0xdd: {  	v4 =	vadd.s32 v1, v4;
	_ =	sdelay $0x4  }
0xde: {  	[hbm4b:s3+s2] =	stream.indirect_vreg.scatter [tilespmem:s11], [sflag:$0x4], $0x80, v4, vm0, $0xb8;
	[tilespmem:$0x18180] =	vst v63  }
0xdf: {  	s15 =	simm.s32 $0x980;
	v3 =	vperm.xlane v3, v2  }
0xe0: {  	[hbm4b:s4+s2] =	stream.indirect_vreg.scatter [tilespmem:s15], [sflag:$0x4], $0x80, v4, vm0, $0xb8;
	[tilespmem:$0x18180] =	vst v63  }
0xe1: {  	v3 =	vadd.s32 v1, v3;
	s15 =	simm.s32 $0x1180  }
0xe2: {  	[hbm4b:s5+s2] =	stream.indirect_vreg.scatter [tilespmem:s15], [sflag:$0x4], $0x80, v4, vm0, $0xb8;
	[tilespmem:$0x18180] =	vst v63  }
0xe3: {  	s15 =	simm.s32 $0x1980  }
0xe4: {  	[hbm4b:s6+s2] =	stream.indirect_vreg.scatter [tilespmem:s15], [sflag:$0x4], $0x80, v4, vm0, $0xb8;
	[tilespmem:$0x18180] =	vst v63  }
0xe5: {  	s15 =	simm.s32 $0x2180  }
0xe6: {  	[hbm4b:s3+s2] =	stream.indirect_vreg.scatter [tilespmem:s15], [sflag:$0x4], $0x80, v3, vm0, $0xb8;
	[tilespmem:$0x18180] =	vst v63  }
0xe7: {  	s15 =	simm.s32 $0x2980  }
0xe8: {  	[hbm4b:s4+s2] =	stream.indirect_vreg.scatter [tilespmem:s15], [sflag:$0x4], $0x80, v3, vm0, $0xb8;
	[tilespmem:$0x18180] =	vst v63  }
0xe9: {  	s15 =	simm.s32 $0x3180  }
0xea: {  	[hbm4b:s5+s2] =	stream.indirect_vreg.scatter [tilespmem:s15], [sflag:$0x4], $0x80, v3, vm0, $0xb8;
	[tilespmem:$0x18180] =	vst v63  }
0xeb: {  	s15 =	simm.s32 $0x3980  }
0xec: {  	[hbm4b:s6+s2] =	stream.indirect_vreg.scatter [tilespmem:s15], [sflag:$0x4], $0x80, v3, vm0, $0xb8;
	[tilespmem:$0x18180] =	vst v63  }
0xed: {  	v3 =	vld [tilespmem:$0x10];
	_ =	sdelay $0x4  }
0xee: {  	v55 =	vshll.u32 v3, $0x3  }
0xef: {  	v3 =	vand.u32 $0x7, v3;
	v4 =	vand.u32 $0xFFFFFFC0, v55  }
0xf0: {  	v3 =	vor.u32 v3, v4  }
0xf1: {  	v4 =	vperm.xlane v3, v0;
	_ =	sdelay $0x1  }
0xf2: {  	v4 =	vadd.s32 v1, v4;
	_ =	sdelay $0x3  }
0xf3: {  	s15 =	simm.s32 $0x4180  }
0xf4: {  	[hbm4b:s3+s2] =	stream.indirect_vreg.scatter [tilespmem:s15], [sflag:$0x4], $0x80, v4, vm0, $0xb8;
	[tilespmem:$0x18180] =	vst v63  }
0xf5: {  	v3 =	vperm.xlane v3, v2;
	s15 =	simm.s32 $0x4980  }
0xf6: {  	[hbm4b:s4+s2] =	stream.indirect_vreg.scatter [tilespmem:s15], [sflag:$0x4], $0x80, v4, vm0, $0xb8;
	[tilespmem:$0x18180] =	vst v63  }
0xf7: {  	v3 =	vadd.s32 v1, v3;
	s15 =	simm.s32 $0x5180  }
0xf8: {  	[hbm4b:s5+s2] =	stream.indirect_vreg.scatter [tilespmem:s15], [sflag:$0x4], $0x80, v4, vm0, $0xb8;
	[tilespmem:$0x18180] =	vst v63  }
0xf9: {  	s15 =	simm.s32 $0x5980  }
0xfa: {  	[hbm4b:s6+s2] =	stream.indirect_vreg.scatter [tilespmem:s15], [sflag:$0x4], $0x80, v4, vm0, $0xb8;
	[tilespmem:$0x18180] =	vst v63  }
0xfb: {  	s15 =	simm.s32 $0x6180  }
0xfc: {  	[hbm4b:s3+s2] =	stream.indirect_vreg.scatter [tilespmem:s15], [sflag:$0x4], $0x80, v3, vm0, $0xb8;
	[tilespmem:$0x18180] =	vst v63  }
0xfd: {  	s15 =	simm.s32 $0x6980  }
0xfe: {  	[hbm4b:s4+s2] =	stream.indirect_vreg.scatter [tilespmem:s15], [sflag:$0x4], $0x80, v3, vm0, $0xb8;
	[tilespmem:$0x18180] =	vst v63  }
0xff: {  	s15 =	simm.s32 $0x7180  }
0x100: {  	[hbm4b:s5+s2] =	stream.indirect_vreg.scatter [tilespmem:s15], [sflag:$0x4], $0x80, v3, vm0, $0xb8;
	[tilespmem:$0x18180] =	vst v63  }
0x101: {  	s15 =	simm.s32 $0x7980  }
0x102: {  	[hbm4b:s6+s2] =	stream.indirect_vreg.scatter [tilespmem:s15], [sflag:$0x4], $0x80, v3, vm0, $0xb8;
	[tilespmem:$0x18180] =	vst v63  }
0x103: {  	_ =	swait.ge [sflag:s31], $0x8000  }
0x104: {  	[sflag:s31] =	ssyncset.done $0x0  }
0x105: {  	s15 =	rddreg [dreg:$0xf];
	[sflag:s31] =	ssyncadd.s32 $0xFFFF8000  }
0x106: {  	[tilespmem:s2], [sflag:$0x7] =	stream.linear.gather [hbm4b:s15+s2], $0x20, $0x38;
	[tilespmem:$0x18180] =	vst v63  }
0x107: {  	_ =	swait.ge [sflag:s8], $0x20  }
0x108: {  	[sflag:s8] =	ssyncset.done $0x0  }
0x109: {  	s15 =	rddreg [dreg:$0x10];
	[sflag:s8] =	ssyncadd.s32 $0xFFFFFFE0  }
0x10a: {  	[tilespmem:s11], [sflag:$0x1] =	stream.linear.gather [hbm4b:s15+s2], $0x8000, $0x38;
	[tilespmem:$0x18180] =	vst v63  }
0x10b: {  	_ =	swait.ge [sflag:s0], $0x8000  }
0x10c: {  	[sflag:s0] =	ssyncset.done $0x0  }
0x10d: {  	[sflag:s0] =	ssyncadd.s32 $0xFFFF8000  }
0x10e: {  	v3 =	vld [tilespmem:$0x80];
	_ =	sdelay $0x4  }
0x10f: {  	v56 =	vshll.u32 v3, $0x3  }
0x110: {  	v3 =	vand.u32 $0x7, v3;
	v4 =	vand.u32 $0xFFFFFFC0, v56  }
0x111: {  	v3 =	vor.u32 v3, v4  }
0x112: {  	v4 =	vperm.xlane v3, v0;
	_ =	sdelay $0x1  }
0x113: {  	v4 =	vadd.s32 v1, v4;
	_ =	sdelay $0x4  }
0x114: {  	[hbm4b:s3+s2] =	stream.indirect_vreg.scatter [tilespmem:s29], [sflag:$0x5], $0x80, v4, vm0, $0xb8;
	[tilespmem:$0x18180] =	vst v63  }
0x115: {  	s15 =	simm.s32 $0x8980;
	v3 =	vperm.xlane v3, v2  }
0x116: {  	[hbm4b:s4+s2] =	stream.indirect_vreg.scatter [tilespmem:s15], [sflag:$0x5], $0x80, v4, vm0, $0xb8;
	[tilespmem:$0x18180] =	vst v63  }
0x117: {  	v3 =	vadd.s32 v1, v3;
	s15 =	simm.s32 $0x9180  }
0x118: {  	[hbm4b:s5+s2] =	stream.indirect_vreg.scatter [tilespmem:s15], [sflag:$0x5], $0x80, v4, vm0, $0xb8;
	[tilespmem:$0x18180] =	vst v63  }
0x119: {  	s15 =	simm.s32 $0x9980  }
0x11a: {  	[hbm4b:s6+s2] =	stream.indirect_vreg.scatter [tilespmem:s15], [sflag:$0x5], $0x80, v4, vm0, $0xb8;
	[tilespmem:$0x18180] =	vst v63  }
0x11b: {  	s15 =	simm.s32 $0xA180  }
0x11c: {  	[hbm4b:s3+s2] =	stream.indirect_vreg.scatter [tilespmem:s15], [sflag:$0x5], $0x80, v3, vm0, $0xb8;
	[tilespmem:$0x18180] =	vst v63  }
0x11d: {  	s15 =	simm.s32 $0xA980  }
0x11e: {  	[hbm4b:s4+s2] =	stream.indirect_vreg.scatter [tilespmem:s15], [sflag:$0x5], $0x80, v3, vm0, $0xb8;
	[tilespmem:$0x18180] =	vst v63  }
0x11f: {  	s15 =	simm.s32 $0xB180  }
0x120: {  	[hbm4b:s5+s2] =	stream.indirect_vreg.scatter [tilespmem:s15], [sflag:$0x5], $0x80, v3, vm0, $0xb8;
	[tilespmem:$0x18180] =	vst v63  }
0x121: {  	s15 =	simm.s32 $0xB980  }
0x122: {  	[hbm4b:s6+s2] =	stream.indirect_vreg.scatter [tilespmem:s15], [sflag:$0x5], $0x80, v3, vm0, $0xb8;
	[tilespmem:$0x18180] =	vst v63  }
0x123: {  	v3 =	vld [tilespmem:$0x90];
	_ =	sdelay $0x4  }
0x124: {  	v57 =	vshll.u32 v3, $0x3  }
0x125: {  	v3 =	vand.u32 $0x7, v3;
	v4 =	vand.u32 $0xFFFFFFC0, v57  }
0x126: {  	v3 =	vor.u32 v3, v4  }
0x127: {  	v4 =	vperm.xlane v3, v0;
	_ =	sdelay $0x1  }
0x128: {  	v4 =	vadd.s32 v1, v4;
	_ =	sdelay $0x3  }
0x129: {  	s15 =	simm.s32 $0xC180  }
0x12a: {  	[hbm4b:s3+s2] =	stream.indirect_vreg.scatter [tilespmem:s15], [sflag:$0x5], $0x80, v4, vm0, $0xb8;
	[tilespmem:$0x18180] =	vst v63  }
0x12b: {  	v3 =	vperm.xlane v3, v2;
	s15 =	simm.s32 $0xC980  }
0x12c: {  	[hbm4b:s4+s2] =	stream.indirect_vreg.scatter [tilespmem:s15], [sflag:$0x5], $0x80, v4, vm0, $0xb8;
	[tilespmem:$0x18180] =	vst v63  }
0x12d: {  	v3 =	vadd.s32 v1, v3;
	s15 =	simm.s32 $0xD180  }
0x12e: {  	[hbm4b:s5+s2] =	stream.indirect_vreg.scatter [tilespmem:s15], [sflag:$0x5], $0x80, v4, vm0, $0xb8;
	[tilespmem:$0x18180] =	vst v63  }
0x12f: {  	s15 =	simm.s32 $0xD980  }
0x130: {  	[hbm4b:s6+s2] =	stream.indirect_vreg.scatter [tilespmem:s15], [sflag:$0x5], $0x80, v4, vm0, $0xb8;
	[tilespmem:$0x18180] =	vst v63  }
0x131: {  	s15 =	simm.s32 $0xE180  }
0x132: {  	[hbm4b:s3+s2] =	stream.indirect_vreg.scatter [tilespmem:s15], [sflag:$0x5], $0x80, v3, vm0, $0xb8;
	[tilespmem:$0x18180] =	vst v63  }
0x133: {  	s15 =	simm.s32 $0xE980  }
0x134: {  	[hbm4b:s4+s2] =	stream.indirect_vreg.scatter [tilespmem:s15], [sflag:$0x5], $0x80, v3, vm0, $0xb8;
	[tilespmem:$0x18180] =	vst v63  }
0x135: {  	s15 =	simm.s32 $0xF180  }
0x136: {  	[hbm4b:s5+s2] =	stream.indirect_vreg.scatter [tilespmem:s15], [sflag:$0x5], $0x80, v3, vm0, $0xb8;
	[tilespmem:$0x18180] =	vst v63  }
0x137: {  	s15 =	simm.s32 $0xF980  }
0x138: {  	[hbm4b:s6+s2] =	stream.indirect_vreg.scatter [tilespmem:s15], [sflag:$0x5], $0x80, v3, vm0, $0xb8;
	[tilespmem:$0x18180] =	vst v63  }
0x139: {  	_ =	swait.ge [sflag:s28], $0x8000  }
0x13a: {  	[sflag:s28] =	ssyncset.done $0x0  }
0x13b: {  	s15 =	simm.s32 $0x80;
	s1 =	rddreg [dreg:$0x11];
	[sflag:s28] =	ssyncadd.s32 $0xFFFF8000  }
0x13c: {  	[tilespmem:s15], [sflag:$0x7] =	stream.linear.gather [hbm4b:s1+s2], $0x20, $0x38;
	[tilespmem:$0x18180] =	vst v63  }
0x13d: {  	_ =	swait.ge [sflag:s8], $0x20  }
0x13e: {  	[sflag:s8] =	ssyncset.done $0x0  }
0x13f: {  	s15 =	rddreg [dreg:$0x12];
	[sflag:s8] =	ssyncadd.s32 $0xFFFFFFE0  }
0x140: {  	[tilespmem:s29], [sflag:$0x2] =	stream.linear.gather [hbm4b:s15+s2], $0x8000, $0x38;
	[tilespmem:$0x18180] =	vst v63  }
0x141: {  	_ =	swait.ge [sflag:s30], $0x8000  }
0x142: {  	[sflag:s30] =	ssyncset.done $0x0  }
0x143: {  	[sflag:s30] =	ssyncadd.s32 $0xFFFF8000  }
0x144: {  	v3 =	vld [tilespmem:$0x100];
	_ =	sdelay $0x4  }
0x145: {  	v58 =	vshll.u32 v3, $0x3  }
0x146: {  	v3 =	vand.u32 $0x7, v3;
	v4 =	vand.u32 $0xFFFFFFC0, v58  }
0x147: {  	v3 =	vor.u32 v3, v4  }
0x148: {  	v4 =	vperm.xlane v3, v0;
	_ =	sdelay $0x1  }
0x149: {  	v4 =	vadd.s32 v1, v4;
	_ =	sdelay $0x4  }
0x14a: {  	[hbm4b:s3+s2] =	stream.indirect_vreg.scatter [tilespmem:s9], [sflag:$0x6], $0x80, v4, vm0, $0xb8;
	[tilespmem:$0x18180] =	vst v63  }
0x14b: {  	v3 =	vperm.xlane v3, v2  }
0x14c: {  	[hbm4b:s4+s2] =	stream.indirect_vreg.scatter [tilespmem:s13], [sflag:$0x6], $0x80, v4, vm0, $0xb8;
	[tilespmem:$0x18180] =	vst v63  }
0x14d: {  	v3 =	vadd.s32 v1, v3  }
0x14e: {  	[hbm4b:s5+s2] =	stream.indirect_vreg.scatter [tilespmem:s16], [sflag:$0x6], $0x80, v4, vm0, $0xb8;
	[tilespmem:$0x18180] =	vst v63  }
0x14f: {  	_ = 	snop  }
0x150: {  	[hbm4b:s6+s2] =	stream.indirect_vreg.scatter [tilespmem:s17], [sflag:$0x6], $0x80, v4, vm0, $0xb8;
	[tilespmem:$0x18180] =	vst v63  }
0x151: {  	_ = 	snop  }
0x152: {  	[hbm4b:s3+s2] =	stream.indirect_vreg.scatter [tilespmem:s18], [sflag:$0x6], $0x80, v3, vm0, $0xb8;
	[tilespmem:$0x18180] =	vst v63  }
0x153: {  	_ = 	snop  }
0x154: {  	[hbm4b:s4+s2] =	stream.indirect_vreg.scatter [tilespmem:s19], [sflag:$0x6], $0x80, v3, vm0, $0xb8;
	[tilespmem:$0x18180] =	vst v63  }
0x155: {  	_ = 	snop  }
0x156: {  	[hbm4b:s5+s2] =	stream.indirect_vreg.scatter [tilespmem:s20], [sflag:$0x6], $0x80, v3, vm0, $0xb8;
	[tilespmem:$0x18180] =	vst v63  }
0x157: {  	_ = 	snop  }
0x158: {  	[hbm4b:s6+s2] =	stream.indirect_vreg.scatter [tilespmem:s21], [sflag:$0x6], $0x80, v3, vm0, $0xb8;
	[tilespmem:$0x18180] =	vst v63  }
0x159: {  	v3 =	vld [tilespmem:$0x110];
	_ =	sdelay $0x4  }
0x15a: {  	v59 =	vshll.u32 v3, $0x3  }
0x15b: {  	v3 =	vand.u32 $0x7, v3;
	v4 =	vand.u32 $0xFFFFFFC0, v59  }
0x15c: {  	v3 =	vor.u32 v3, v4  }
0x15d: {  	v4 =	vperm.xlane v3, v0;
	_ =	sdelay $0x1  }
0x15e: {  	v4 =	vadd.s32 v1, v4;
	_ =	sdelay $0x4  }
0x15f: {  	[hbm4b:s3+s2] =	stream.indirect_vreg.scatter [tilespmem:s22], [sflag:$0x6], $0x80, v4, vm0, $0xb8;
	[tilespmem:$0x18180] =	vst v63  }
0x160: {  	v3 =	vperm.xlane v3, v2  }
0x161: {  	[hbm4b:s4+s2] =	stream.indirect_vreg.scatter [tilespmem:s23], [sflag:$0x6], $0x80, v4, vm0, $0xb8;
	[tilespmem:$0x18180] =	vst v63  }
0x162: {  	v3 =	vadd.s32 v1, v3  }
0x163: {  	[hbm4b:s5+s2] =	stream.indirect_vreg.scatter [tilespmem:s24], [sflag:$0x6], $0x80, v4, vm0, $0xb8;
	[tilespmem:$0x18180] =	vst v63  }
0x164: {  	_ = 	snop  }
0x165: {  	[hbm4b:s6+s2] =	stream.indirect_vreg.scatter [tilespmem:s25], [sflag:$0x6], $0x80, v4, vm0, $0xb8;
	[tilespmem:$0x18180] =	vst v63  }
0x166: {  	_ = 	snop  }
0x167: {  	[hbm4b:s3+s2] =	stream.indirect_vreg.scatter [tilespmem:s26], [sflag:$0x6], $0x80, v3, vm0, $0xb8;
	[tilespmem:$0x18180] =	vst v63  }
0x168: {  	s13 =	simm.s32 $0x16980  }
0x169: {  	[hbm4b:s4+s2] =	stream.indirect_vreg.scatter [tilespmem:s13], [sflag:$0x6], $0x80, v3, vm0, $0xb8;
	[tilespmem:$0x18180] =	vst v63  }
0x16a: {  	_ = 	snop  }
0x16b: {  	[hbm4b:s5+s2] =	stream.indirect_vreg.scatter [tilespmem:s12], [sflag:$0x6], $0x80, v3, vm0, $0xb8;
	[tilespmem:$0x18180] =	vst v63  }
0x16c: {  	s15 =	simm.s32 $0x17980  }
0x16d: {  	[hbm4b:s6+s2] =	stream.indirect_vreg.scatter [tilespmem:s15], [sflag:$0x6], $0x80, v3, vm0, $0xb8;
	[tilespmem:$0x18180] =	vst v63  }
0x16e: {  	_ =	swait.ge [sflag:s10], $0x8000  }
0x16f: {  	[sflag:s10] =	ssyncset.done $0x0  }
0x170: {  	[sflag:s10] =	ssyncadd.s32 $0xFFFF8000  }
0x171: {  	v3 =	vld [tilespmem:$0x0];
	_ =	sdelay $0x4  }
0x172: {  	v60 =	vshll.u32 v3, $0x3  }
0x173: {  	v3 =	vand.u32 $0x7, v3;
	v4 =	vand.u32 $0xFFFFFFC0, v60  }
0x174: {  	v3 =	vor.u32 v3, v4  }
0x175: {  	v4 =	vperm.xlane v3, v0;
	_ =	sdelay $0x1  }
0x176: {  	v4 =	vadd.s32 v1, v4;
	_ =	sdelay $0x4  }
0x177: {  	[hbm4b:s3+s2] =	stream.indirect_vreg.scatter [tilespmem:s11], [sflag:$0x4], $0x80, v4, vm0, $0xb8;
	[tilespmem:$0x18180] =	vst v63  }
0x178: {  	s12 =	simm.s32 $0x980;
	v3 =	vperm.xlane v3, v2  }
0x179: {  	[hbm4b:s4+s2] =	stream.indirect_vreg.scatter [tilespmem:s12], [sflag:$0x4], $0x80, v4, vm0, $0xb8;
	[tilespmem:$0x18180] =	vst v63  }
0x17a: {  	s13 =	simm.s32 $0x1180;
	v3 =	vadd.s32 v1, v3  }
0x17b: {  	[hbm4b:s5+s2] =	stream.indirect_vreg.scatter [tilespmem:s13], [sflag:$0x4], $0x80, v4, vm0, $0xb8;
	[tilespmem:$0x18180] =	vst v63  }
0x17c: {  	s15 =	simm.s32 $0x1980  }
0x17d: {  	[hbm4b:s6+s2] =	stream.indirect_vreg.scatter [tilespmem:s15], [sflag:$0x4], $0x80, v4, vm0, $0xb8;
	[tilespmem:$0x18180] =	vst v63  }
0x17e: {  	s12 =	simm.s32 $0x2180  }
0x17f: {  	[hbm4b:s3+s2] =	stream.indirect_vreg.scatter [tilespmem:s12], [sflag:$0x4], $0x80, v3, vm0, $0xb8;
	[tilespmem:$0x18180] =	vst v63  }
0x180: {  	s13 =	simm.s32 $0x2980  }
0x181: {  	[hbm4b:s4+s2] =	stream.indirect_vreg.scatter [tilespmem:s13], [sflag:$0x4], $0x80, v3, vm0, $0xb8;
	[tilespmem:$0x18180] =	vst v63  }
0x182: {  	s15 =	simm.s32 $0x3180  }
0x183: {  	[hbm4b:s5+s2] =	stream.indirect_vreg.scatter [tilespmem:s15], [sflag:$0x4], $0x80, v3, vm0, $0xb8;
	[tilespmem:$0x18180] =	vst v63  }
0x184: {  	s12 =	simm.s32 $0x3980  }
0x185: {  	[hbm4b:s6+s2] =	stream.indirect_vreg.scatter [tilespmem:s12], [sflag:$0x4], $0x80, v3, vm0, $0xb8;
	[tilespmem:$0x18180] =	vst v63  }
0x186: {  	v3 =	vld [tilespmem:$0x10];
	_ =	sdelay $0x4  }
0x187: {  	v61 =	vshll.u32 v3, $0x3  }
0x188: {  	v3 =	vand.u32 $0x7, v3;
	v4 =	vand.u32 $0xFFFFFFC0, v61  }
0x189: {  	v3 =	vor.u32 v3, v4  }
0x18a: {  	v4 =	vperm.xlane v3, v0;
	_ =	sdelay $0x1  }
0x18b: {  	v4 =	vadd.s32 v1, v4;
	_ =	sdelay $0x3  }
0x18c: {  	s13 =	simm.s32 $0x4180  }
0x18d: {  	[hbm4b:s3+s2] =	stream.indirect_vreg.scatter [tilespmem:s13], [sflag:$0x4], $0x80, v4, vm0, $0xb8;
	[tilespmem:$0x18180] =	vst v63  }
0x18e: {  	s15 =	simm.s32 $0x4980;
	v3 =	vperm.xlane v3, v2  }
0x18f: {  	[hbm4b:s4+s2] =	stream.indirect_vreg.scatter [tilespmem:s15], [sflag:$0x4], $0x80, v4, vm0, $0xb8;
	[tilespmem:$0x18180] =	vst v63  }
0x190: {  	s12 =	simm.s32 $0x5180;
	v3 =	vadd.s32 v1, v3  }
0x191: {  	[hbm4b:s5+s2] =	stream.indirect_vreg.scatter [tilespmem:s12], [sflag:$0x4], $0x80, v4, vm0, $0xb8;
	[tilespmem:$0x18180] =	vst v63  }
0x192: {  	s13 =	simm.s32 $0x5980  }
0x193: {  	[hbm4b:s6+s2] =	stream.indirect_vreg.scatter [tilespmem:s13], [sflag:$0x4], $0x80, v4, vm0, $0xb8;
	[tilespmem:$0x18180] =	vst v63  }
0x194: {  	s15 =	simm.s32 $0x6180  }
0x195: {  	[hbm4b:s3+s2] =	stream.indirect_vreg.scatter [tilespmem:s15], [sflag:$0x4], $0x80, v3, vm0, $0xb8;
	[tilespmem:$0x18180] =	vst v63  }
0x196: {  	s12 =	simm.s32 $0x6980  }
0x197: {  	[hbm4b:s4+s2] =	stream.indirect_vreg.scatter [tilespmem:s12], [sflag:$0x4], $0x80, v3, vm0, $0xb8;
	[tilespmem:$0x18180] =	vst v63  }
0x198: {  	s13 =	simm.s32 $0x7180  }
0x199: {  	[hbm4b:s5+s2] =	stream.indirect_vreg.scatter [tilespmem:s13], [sflag:$0x4], $0x80, v3, vm0, $0xb8;
	[tilespmem:$0x18180] =	vst v63  }
0x19a: {  	s15 =	simm.s32 $0x7980  }
0x19b: {  	[hbm4b:s6+s2] =	stream.indirect_vreg.scatter [tilespmem:s15], [sflag:$0x4], $0x80, v3, vm0, $0xb8;
	[tilespmem:$0x18180] =	vst v63  }
0x19c: {  	_ =	swait.ge [sflag:s0], $0x8000  }
0x19d: {  	[sflag:s0] =	ssyncset.done $0x0  }
0x19e: {  	[sflag:s0] =	ssyncadd.s32 $0xFFFF8000  }
0x19f: {  	v3 =	vld [tilespmem:$0x80];
	_ =	sdelay $0x4  }
0x1a0: {  	v62 =	vshll.u32 v3, $0x3  }
0x1a1: {  	v3 =	vand.u32 $0x7, v3;
	v4 =	vand.u32 $0xFFFFFFC0, v62  }
0x1a2: {  	v3 =	vor.u32 v3, v4  }
0x1a3: {  	v4 =	vperm.xlane v3, v0;
	_ =	sdelay $0x1  }
0x1a4: {  	v4 =	vadd.s32 v1, v4;
	_ =	sdelay $0x4  }
0x1a5: {  	[hbm4b:s3+s2] =	stream.indirect_vreg.scatter [tilespmem:s29], [sflag:$0x5], $0x80, v4, vm0, $0xb8;
	[tilespmem:$0x18180] =	vst v63  }
0x1a6: {  	s12 =	simm.s32 $0x8980;
	v3 =	vperm.xlane v3, v2  }
0x1a7: {  	[hbm4b:s4+s2] =	stream.indirect_vreg.scatter [tilespmem:s12], [sflag:$0x5], $0x80, v4, vm0, $0xb8;
	[tilespmem:$0x18180] =	vst v63  }
0x1a8: {  	s13 =	simm.s32 $0x9180;
	v3 =	vadd.s32 v1, v3  }
0x1a9: {  	[hbm4b:s5+s2] =	stream.indirect_vreg.scatter [tilespmem:s13], [sflag:$0x5], $0x80, v4, vm0, $0xb8;
	[tilespmem:$0x18180] =	vst v63  }
0x1aa: {  	s15 =	simm.s32 $0x9980  }
0x1ab: {  	[hbm4b:s6+s2] =	stream.indirect_vreg.scatter [tilespmem:s15], [sflag:$0x5], $0x80, v4, vm0, $0xb8;
	[tilespmem:$0x18180] =	vst v63  }
0x1ac: {  	s12 =	simm.s32 $0xA180  }
0x1ad: {  	[hbm4b:s3+s2] =	stream.indirect_vreg.scatter [tilespmem:s12], [sflag:$0x5], $0x80, v3, vm0, $0xb8;
	[tilespmem:$0x18180] =	vst v63  }
0x1ae: {  	s13 =	simm.s32 $0xA980  }
0x1af: {  	[hbm4b:s4+s2] =	stream.indirect_vreg.scatter [tilespmem:s13], [sflag:$0x5], $0x80, v3, vm0, $0xb8;
	[tilespmem:$0x18180] =	vst v63  }
0x1b0: {  	s15 =	simm.s32 $0xB180  }
0x1b1: {  	[hbm4b:s5+s2] =	stream.indirect_vreg.scatter [tilespmem:s15], [sflag:$0x5], $0x80, v3, vm0, $0xb8;
	[tilespmem:$0x18180] =	vst v63  }
0x1b2: {  	s12 =	simm.s32 $0xB980  }
0x1b3: {  	[hbm4b:s6+s2] =	stream.indirect_vreg.scatter [tilespmem:s12], [sflag:$0x5], $0x80, v3, vm0, $0xb8;
	[tilespmem:$0x18180] =	vst v63  }
0x1b4: {  	v3 =	vld [tilespmem:$0x90];
	_ =	sdelay $0x4  }
0x1b5: {  	v63 =	vshll.u32 v3, $0x3  }
0x1b6: {  	v3 =	vand.u32 $0x7, v3;
	v4 =	vand.u32 $0xFFFFFFC0, v63  }
0x1b7: {  	v3 =	vor.u32 v3, v4  }
0x1b8: {  	v4 =	vperm.xlane v3, v0;
	_ =	sdelay $0x1  }
0x1b9: {  	v4 =	vadd.s32 v1, v4;
	_ =	sdelay $0x3  }
0x1ba: {  	s13 =	simm.s32 $0xC180  }
0x1bb: {  	[hbm4b:s3+s2] =	stream.indirect_vreg.scatter [tilespmem:s13], [sflag:$0x5], $0x80, v4, vm0, $0xb8;
	[tilespmem:$0x18180] =	vst v63  }
0x1bc: {  	s15 =	simm.s32 $0xC980;
	v3 =	vperm.xlane v3, v2  }
0x1bd: {  	[hbm4b:s4+s2] =	stream.indirect_vreg.scatter [tilespmem:s15], [sflag:$0x5], $0x80, v4, vm0, $0xb8;
	[tilespmem:$0x18180] =	vst v63  }
0x1be: {  	s12 =	simm.s32 $0xD180;
	v3 =	vadd.s32 v1, v3  }
0x1bf: {  	[hbm4b:s5+s2] =	stream.indirect_vreg.scatter [tilespmem:s12], [sflag:$0x5], $0x80, v4, vm0, $0xb8;
	[tilespmem:$0x18180] =	vst v63  }
0x1c0: {  	s13 =	simm.s32 $0xD980  }
0x1c1: {  	[hbm4b:s6+s2] =	stream.indirect_vreg.scatter [tilespmem:s13], [sflag:$0x5], $0x80, v4, vm0, $0xb8;
	[tilespmem:$0x18180] =	vst v63  }
0x1c2: {  	s15 =	simm.s32 $0xE180  }
0x1c3: {  	[hbm4b:s3+s2] =	stream.indirect_vreg.scatter [tilespmem:s15], [sflag:$0x5], $0x80, v3, vm0, $0xb8;
	[tilespmem:$0x18180] =	vst v63  }
0x1c4: {  	s12 =	simm.s32 $0xE980  }
0x1c5: {  	[hbm4b:s4+s2] =	stream.indirect_vreg.scatter [tilespmem:s12], [sflag:$0x5], $0x80, v3, vm0, $0xb8;
	[tilespmem:$0x18180] =	vst v63  }
0x1c6: {  	s13 =	simm.s32 $0xF180  }
0x1c7: {  	[hbm4b:s5+s2] =	stream.indirect_vreg.scatter [tilespmem:s13], [sflag:$0x5], $0x80, v3, vm0, $0xb8;
	[tilespmem:$0x18180] =	vst v63  }
0x1c8: {  	s15 =	simm.s32 $0xF980  }
0x1c9: {  	[hbm4b:s6+s2] =	stream.indirect_vreg.scatter [tilespmem:s15], [sflag:$0x5], $0x80, v3, vm0, $0xb8;
	[tilespmem:$0x18180] =	vst v63  }
0x1ca: {  	_ =	swait.ge [sflag:s14], $0x8000  }
0x1cb: {  	[sflag:s14] =	ssyncset.done $0x0  }
0x1cc: {  	[sflag:s14] =	ssyncadd.s32 $0xFFFF8000  }
0x1cd: {  	p0 =	sne.s32 s7, $0x1;
	_ =	swait.ge [sflag:s31], $0x8000  }
.Ltmp0:
0x1ce: {  	[sflag:s31] =	ssyncset.done $0x0;
	(pc) =	sbr.rel @p0 .LBB2_1-.Ltmp0, $4  }
0x1cf: {  	[sflag:s31] =	ssyncadd.s32 $0xFFFF8000  }
0x1d0: {  	_ =	swait.ge [sflag:s28], $0x8000  }
0x1d1: {  	[sflag:s28] =	ssyncset.done $0x0  }
0x1d2: {  	s7 =	sadd.s32 $0xFFFFFFFF, s7;
	[sflag:s28] =	ssyncadd.s32 $0xFFFF8000  }
0x1d3: {  	_ =	sfence.sel $0x180000  }
0x1d4: {  	[bflag:$0x0] =	sbarrier.arrive $0xFFFF  }
0x1d5: {  	_ =	strace $0x90000047  }
0x1d6: {  	s0 =	stileid.u32;
	[bflag:$0x2] =	sbarrier.arrive $0xFFFF  }
0x1d7: {  	p0 =	sne.s32 s0, $0x0;
	s0 =	rddreg [dreg:$0x2]  }
0x1d8: {  	s0 =	sadd.s32 @!p0 $0x100000, s0  }
0x1d9: {  	[sflag:s0] =	ssyncadd.tile.s32 @!p0 $0x1;
	_ =	shalt  }
.Lfunc_end2:
_tile_overlayer_lowered:
.L_overlay_start_2:
0x1da: {  	(tag) =	ssettag $0x2  }
0x1db: {  	s0 =	rddreg [dreg:$0x0];
	s2 =	stileid.u32  }
0x1dc: {  	s1 =	rddreg [dreg:$0x1];
	p0 =	sne.s32 s2, $0x0  }
0x1dd: {  	s3 =	rddreg [dreg:$0x2];
	[bflag:$0x3] =	sbarrier.arrive $0xFFFF;
	s2 =	simm.s32 @!p0 $0x1C07  }
0x1de: {  	[timem:s3], [sflag:s2] =	dma.local @!p0 [hbm:s0], s1  }
0x1df: {  	s0 =	simm.s32 @!p0 $0x7  }
0x1e0: {  	_ =	swait.ge @!p0 [sflag:s0], s1  }
0x1e1: {  	s1 =	ssub.s32 @!p0 $0x0, s1;
	[sflag:s0] =	ssyncset.done @!p0 $0x0  }
0x1e2: {  	[sflag:s0] =	ssyncadd.s32 @!p0 s1  }
0x1e3: {  	[bflag:$0x3] =	sbarrier.arrive $0xFFFF  }
0x1e4: {  	_ =	shalt  }

// kernel: kernel.9.cloned.1.call-start
scs
__scs_entry_jumppad:
0x0: {  	(pc) =	sbr.rel $0x88, $3  }
0x1: {  	(tag) =	ssettag $0x0;
	lr =	simm.s32 $0x1  }
0x2: {  	[smem:$0x3F9D] =	sst lr;
	_ =	strace $0xD0000000  }
0x3: {  	_ = 	snop  }
0x4: {  	_ = 	snop  }
0x5: {  	_ = 	snop  }
0x6: {  	_ = 	snop  }
0x7: {  	_ = 	snop  }
__scs_overlays_trampoline_lowered:
0x8: {  	[smem:$0x3FAC] =	sst s0  }
0x9: {  	[smem:$0x3FAD] =	sst s1  }
0xa: {  	[smem:$0x3FAE] =	sst s2  }
0xb: {  	[smem:$0x3FAF] =	sst s3  }
0xc: {  	[smem:$0x3FB0] =	sst s4  }
0xd: {  	[smem:$0x3FB1] =	sst s5  }
0xe: {  	[smem:$0x3FB2] =	sst s6  }
0xf: {  	[smem:$0x3FB3] =	sst s7  }
0x10: {  	[smem:$0x3FB4] =	sst s8  }
0x11: {  	[smem:$0x3FB5] =	sst s9;
	s0 =	simm.s32 @!p0 $0x0  }
0x12: {  	s1 =	sld [smem:$0x3F9B];
	s0 =	simm.s32 @p0 $0x1  }
0x13: {  	[smem:$0x3FB6] =	sst s0;
	s0 =	simm.s32 @!p1 $0x0  }
0x14: {  	s2 =	sld [smem:$0x3F9A];
	s0 =	simm.s32 @p1 $0x1  }
0x15: {  	[smem:$0x3FB7] =	sst s0;
	s0 =	simm.s32 @!p2 $0x0  }
0x16: {  	s3 =	sld [smem:$0x3FDB];
	s0 =	simm.s32 @p2 $0x1  }
0x17: {  	s4 =	simm.s32 $0x1BF5;
	[smem:$0x3FB9] =	sst s0  }
0x18: {  	s0 =	sld [smem:$0x3F9C];
	_ =	swait.ge [sflag:s4], $0x0  }
0x19: {  	s7 =	sld [smem:$0x3F9D]  }
0x1a: {  	s8 =	sadd.s32 $0xFFFFE003, lr  }
0x1b: {  	s9 =	sadd.s32 $0xFFFFFEF7, lr;
	s5 =	simm.s32 $0xFFFFFFFF;
	p2 =	slt.u32 s8, $0xFFFFF086  }
0x1c: {  	p1 =	slt.u32 s9, $0xF7A;
	s5 =	simm.s32 @!p2 $0x0  }
0x1d: {  	s5 =	simm.s32 @p1 $0x1;
	p0 =	seq.s32 s7, s2  }
0x1e: {  	s7 =	smul.u32 @!p0 $0xF7A, s2;
	p2 =	seq.s32 @!p0 s5, $0x0  }
0x1f: {  	s9 =	smul.u32 $0xF7A, s1;
	s8 =	simm.s32 @!p0 $0x1BF5;
	p2 =	por !p2, p0  }
0x20: {  	[sflag:s8] =	ssyncset.s32 @!p0 $0xFFFFF086;
	s6 =	sadd.s32 @!p0 s3, s7;
	s7 =	simm.s32 @!p0 $0x108  }
0x21: {  	s3 =	sadd.s32 s3, s9;
	s6 =	sadd.s32 @!p0 $0x88, s6;
	s7 =	simm.s32 @p2 $0x1082  }
0x22: {  	[simem:s7], [sflag:s8] =	dma.local @!p0 [hbm:s6], $0xF7A  }
0x23: {  	s9 =	sor.u32 $0xD0000000, s2;
	s6 =	simm.s32 $0x108;
	_ =	swait.ge @!p0 [sflag:s8], $0x0  }
0x24: {  	s3 =	sadd.s32 $0x88, s3;
	s6 =	simm.s32 @!p1 $0x1082;
	[sflag:s4] =	ssyncset.s32 $0xFFFFF086  }
0x25: {  	[simem:s6], [sflag:s4] =	dma.local [hbm:s3], $0xF7A  }
0x26: {  	[smem:$0x3F9D] =	sst s1;
	(tag) =	ssettag s2;
	_ =	strace s9  }
0x27: {  	s1 =	sld [smem:$0x3FAD]  }
0x28: {  	s2 =	sld [smem:$0x3FAE]  }
0x29: {  	s4 =	sld [smem:$0x3FB0]  }
0x2a: {  	p0 =	seq.s32 s5, $0x0;
	s5 =	sld [smem:$0x3FB1]  }
0x2b: {  	s6 =	sld [smem:$0x3FB2]  }
0x2c: {  	s7 =	sld [smem:$0x3FB3]  }
0x2d: {  	s3 =	simm.s32 $0x108;
	s8 =	sld [smem:$0x3FB4]  }
0x2e: {  	s3 =	simm.s32 @!p0 $0x1082;
	s9 =	sld [smem:$0x3FB5]  }
0x2f: {  	lr =	sadd.s32 s0, s3;
	s0 =	sld [smem:$0x3FAC]  }
0x30: {  	s3 =	sld [smem:$0x3FAF]  }
0x31: {  	[smem:$0x3FB8] =	sst s10  }
0x32: {  	s10 =	sld [smem:$0x3FB6];
	_ =	sdelay $0x3  }
0x33: {  	p0 =	seq.s32 s10, $0x1;
	s10 =	sld [smem:$0x3FB8];
	_ =	sdelay $0x3  }
0x34: {  	[smem:$0x3FB8] =	sst s10  }
0x35: {  	s10 =	sld [smem:$0x3FB7];
	_ =	sdelay $0x3  }
0x36: {  	p1 =	seq.s32 s10, $0x1;
	s10 =	sld [smem:$0x3FB8];
	_ =	sdelay $0x3  }
0x37: {  	[smem:$0x3FB8] =	sst s10  }
0x38: {  	s10 =	sld [smem:$0x3FB9]  }
0x39: {  	_ = 	snop;
	(pc) =	sbr.ind lr, $3  }
0x3a: {  	_ = 	snop  }
0x3b: {  	_ = 	snop  }
0x3c: {  	p2 =	seq.s32 s10, $0x1;
	s10 =	sld [smem:$0x3FB8]  }
0x3d: {  	_ =	shalt  }
0x3e: {  	_ =	shalt  }
0x3f: {  	_ =	shalt  }
0x40: {  	_ =	shalt  }
0x41: {  	_ =	shalt  }
0x42: {  	_ =	shalt  }
0x43: {  	_ =	shalt  }
0x44: {  	_ =	shalt  }
0x45: {  	_ =	shalt  }
0x46: {  	_ =	shalt  }
0x47: {  	_ =	shalt  }
0x48: {  	_ =	shalt  }
0x49: {  	_ =	shalt  }
0x4a: {  	_ =	shalt  }
0x4b: {  	_ =	shalt  }
0x4c: {  	_ =	shalt  }
0x4d: {  	_ =	shalt  }
0x4e: {  	_ =	shalt  }
0x4f: {  	_ =	shalt  }
0x50: {  	_ =	shalt  }
0x51: {  	_ =	shalt  }
0x52: {  	_ =	shalt  }
0x53: {  	_ =	shalt  }
0x54: {  	_ =	shalt  }
0x55: {  	_ =	shalt  }
0x56: {  	_ =	shalt  }
0x57: {  	_ =	shalt  }
0x58: {  	_ =	shalt  }
0x59: {  	_ =	shalt  }
0x5a: {  	_ =	shalt  }
0x5b: {  	_ =	shalt  }
0x5c: {  	_ =	shalt  }
0x5d: {  	_ =	shalt  }
0x5e: {  	_ =	shalt  }
0x5f: {  	_ =	shalt  }
0x60: {  	_ =	shalt  }
0x61: {  	_ =	shalt  }
0x62: {  	_ =	shalt  }
0x63: {  	_ =	shalt  }
0x64: {  	_ =	shalt  }
0x65: {  	_ =	shalt  }
0x66: {  	_ =	shalt  }
0x67: {  	_ =	shalt  }
0x68: {  	_ =	shalt  }
0x69: {  	_ =	shalt  }
0x6a: {  	_ =	shalt  }
0x6b: {  	_ =	shalt  }
0x6c: {  	_ =	shalt  }
0x6d: {  	_ =	shalt  }
0x6e: {  	_ =	shalt  }
0x6f: {  	_ =	shalt  }
0x70: {  	_ =	shalt  }
0x71: {  	_ =	shalt  }
0x72: {  	_ =	shalt  }
0x73: {  	_ =	shalt  }
0x74: {  	_ =	shalt  }
0x75: {  	_ =	shalt  }
0x76: {  	_ =	shalt  }
0x77: {  	_ =	shalt  }
0x78: {  	_ =	shalt  }
0x79: {  	_ =	shalt  }
0x7a: {  	_ =	shalt  }
0x7b: {  	_ =	shalt  }
0x7c: {  	_ =	shalt  }
0x7d: {  	_ =	shalt  }
0x7e: {  	_ =	shalt  }
0x7f: {  	_ =	shalt  }
0x80: {  	_ =	shalt  }
0x81: {  	_ =	shalt  }
0x82: {  	_ =	shalt  }
0x83: {  	_ =	shalt  }
0x84: {  	_ =	shalt  }
0x85: {  	_ =	shalt  }
0x86: {  	_ =	shalt  }
0x87: {  	_ =	shalt  }
.Lfunc_end0:
.L_simem_size_0:
called_computation.1_lowered:
.L_overlay_start_0:
0x88: {  	s2 =	sld [smem:$0x3FD9]  }
0x89: {  	s3 =	sld [smem:$0x3FFE];
	_ =	sdelay $0x1  }
0x8a: {  	s1 =	srdreg.scid  }
0x8b: {  	s0 =	sand.u32 $0x1, s1  }
0x8c: {  	s17 =	sshll.u32 s0, $0xA;
	s2 =	sadd.s32 s3, s2  }
0x8d: {  	s2 =	sadd.s32 s2, s17  }
0x8e: {  	[smem:$0x3FC4] =	sst s2  }
0x8f: {  	_ = 	snop  }
0x90: {  	s2 =	sld [smem:$0x3FD0];
	(tm) =	ssettm $0x1  }
0x91: {  	s18 =	sld [smem:$0x3FFB];
	_ =	sdelay $0x3  }
0x92: {  	_ =	strace s18  }
0x93: {  	s3 =	sld [smem:$0x3FFC];
	_ =	sdelay $0x3  }
0x94: {  	_ =	strace s3  }
0x95: {  	s3 =	sld [smem:$0x3FFD];
	_ =	sdelay $0x3  }
0x96: {  	_ =	strace s3  }
0x97: {  	_ =	strace $0x8FFFFFFF  }
0x98: {  	s19 =	sld [smem:$0x3FDB];
	_ =	sdelay $0x1  }
0x99: {  	s4 =	simm.s32 $_scs_section_size  }
0x9a: {  	s5 =	simm.s32 $_size__tile_overlayer_lowered;
	s6 =	simm.s32 $_tile_overlayer_lowered  }
0x9b: {  	s22 =	simm.s32 $0x1BFF;
	s21 =	sshll.u32 s6, $0x1;
	s3 =	sadd.s32 s4, s19  }
0x9c: {  	s7 =	simm.s32 $0x0;
	s20 =	sshll.u32 s5, $0x1;
	s5 =	sadd.s32 s21, s3  }
0x9d: {  	[timem:s7], [sflag:s22] =	dma.local [hbm:s5], s20  }
0x9e: {  	_ =	swait.ge [sflag:s22], s20  }
0x9f: {  	s4 =	ssub.s32 $0x0, s20;
	[sflag:s22] =	ssyncset.done $0x0  }
0xa0: {  	[sflag:s22] =	ssyncadd.s32 s4;
	_ =	sdelay $0x1  }
0xa1: {  	s23 =	simm.s32 $0x1B8B  }
0xa2: {  	_ =	swait.ge [sflag:s23], $0x1  }
0xa3: {  	[sflag:s23] =	ssyncset.done $0x0  }
0xa4: {  	s25 =	simm.s32 $0x1B8E;
	s24 =	sld [smem:$0x3FFE];
	[sflag:s23] =	ssyncadd.s32 $0xFFFFFFFF  }
0xa5: {  	s26 =	simm.s32 $execute0_lowered;
	[smem:$0x3FD2] =	sst s25  }
0xa6: {  	s5 =	sshll.u32 s26, $0x1;
	_ =	strace $0x80000049;
	[dreg:$0x1] =	wrdreg $0xFFFFFFFF  }
0xa7: {  	s28 =	simm.s32 $_size_execute0_lowered;
	s3 =	sadd.s32 s3, s5;
	[dreg:$0x0] =	wrdreg $0x0  }
0xa8: {  	s5 =	sshll.u32 s28, $0x1;
	[dreg:$0x2] =	wrdreg s3  }
0xa9: {  	[dreg:$0x3] =	wrdreg s5  }
0xaa: {  	[dreg:$0x4] =	wrdreg $0xC0  }
0xab: {  	_ =	task [dreg:s7], $0x5FFFF  }
0xac: {  	[dreg:$0x1] =	wrdreg $0xFFFFFFFF  }
0xad: {  	[dreg:$0x0] =	wrdreg $0x60  }
0xae: {  	[dreg:$0x2] =	wrdreg s24  }
0xaf: {  	[dreg:$0x3] =	wrdreg s2  }
0xb0: {  	[dreg:$0x4] =	wrdreg $0x9  }
0xb1: {  	_ =	task.clear_ibuf [dreg:s7], $0x5FFFF;
	_ =	strace $0x90000049  }
0xb2: {  	s29 =	simm.s32 $0x9;
	_ =	strace $0x8000004B  }
0xb3: {  	_ =	swait.ge [sflag:s29], $0x1  }
0xb4: {  	[sflag:s29] =	ssyncadd.s32 $0xFFFFFFFF  }
0xb5: {  	_ =	strace $0x9000004B  }
0xb6: {  	_ =	sfence  }
0xb7: {  	s30 =	sld [smem:$0x0];
	_ =	sdelay $0x2  }
0xb8: {  	s31 =	sshll.u32 s1, $0xD;
	s1 =	sshrl.u32 s1, $0x2  }
0xb9: {  	s3 =	sand.u32 $0x4000, s31;
	s1 =	sadd.s32 s1, s30  }
0xba: {  	s0 =	sor.u32 s3, s0;
	s1 =	sshll.u32 s1, $0x11  }
0xbb: {  	s0 =	sor.u32 s1, s0  }
0xbc: {  	s0 =	sadd.s32 $0x8F2B, s0  }
0xbd: {  	[sflag:s0] =	ssyncadd.remote.s32 $0x1  }
0xbe: {  	_ =	sfence.sel $0xFFFF  }
0xbf: {  	[dreg:$0x0] =	wrdreg $0xFFFFFFFF;
	(pc) =	sbr.abs _section_cstart, $3  }
0xc0: {  	[dreg:$0x1] =	wrdreg $0xFFFFFFFF  }
0xc1: {  	_ =	task.clear_ibuf [dreg:s7], $0x2FFFF;
	_ =	strace $0x9FFFFFFF  }
0xc2: {  	(tm) =	ssettm $0x7FFFFFFF  }
0xc3: {  	_ =	shalt  }
tec
execute0_lowered:
.L_overlay_start_1:
0x0: {  	(tag) =	ssettag $0x1  }
0x1: {  	s0 =	rddreg [dreg:$0x0]  }
0x2: {  	s1 =	rddreg [dreg:$0x1]  }
0x3: {  	s3 =	srdreg.scid;
	s2 =	simm.s32 $0x0;
	s5 =	stileid.u32  }
0x4: {  	s29 =	simm.s32 $0x15980;
	s30 =	simm.s32 $0x16180;
	s31 =	simm.s32 $0x16980  }
0x5: {  	s4 =	sand.u32 $0x1, s3;
	[smem:$0x7FF] =	sst s2;
	s5 =	sshll.u32 s5, $0x9  }
0x6: {  	s3 =	sadd.s32 $0x171400, s0;
	s6 =	sshll.u32 s4, $0x8;
	_ =	strace $0x8000004A  }
0x7: {  	s4 =	ssub.s32 $0x2, s4;
	s5 =	sor.u32 s6, s5;
	s6 =	sadd.s32 $0x1000, s0  }
0x8: {  	s10 =	sshrl.u32 s4, $0x1;
	s7 =	sshrl.u32 s5, $0x3;
	s8 =	sor.u32 $0x20, s5  }
0x9: {  	s21 =	sor.u32 $0x40, s5;
	s11 =	sshll.u32 s5, $0x7;
	s12 =	sor.u32 $0x60, s5  }
0xa: {  	s28 =	sor.u32 $0x80, s5;
	s10 =	ssub.s32 s4, s10;
	s14 =	sor.u32 $0xA0, s5  }
0xb: {  	s19 =	sor.u32 $0xC0, s5;
	s5 =	sor.u32 $0xE0, s5;
	s7 =	sadd.s32 s6, s7  }
0xc: {  	s9 =	sshrl.u32 s8, $0x3;
	s22 =	sshrl.u32 s21, $0x3;
	s23 =	sadd.s32 s1, s11  }
0xd: {  	s24 =	sshrl.u32 s12, $0x3;
	s8 =	sshll.u32 s8, $0x7;
	s11 =	sshrl.u32 s28, $0x3  }
0xe: {  	s13 =	sshll.u32 s21, $0x7;
	s16 =	sshrl.u32 s14, $0x3;
	s18 =	sshll.u32 s12, $0x7  }
0xf: {  	s12 =	simm.s32 $0x12180;
	[dreg:$0x3] =	wrdreg s7;
	s20 =	sadd.s32 s6, s9  }
0x10: {  	s7 =	sadd.s32 s6, s22;
	[dreg:$0x6] =	wrdreg s23;
	s25 =	sadd.s32 s6, s24  }
0x11: {  	s26 =	sadd.s32 s1, s8;
	s4 =	sadd.s32 s6, s11;
	[dreg:$0x4] =	wrdreg s20  }
0x12: {  	s15 =	sadd.s32 s1, s13;
	s17 =	sadd.s32 s6, s16;
	[dreg:$0x5] =	wrdreg s7  }
0x13: {  	s8 =	sshll.u32 s28, $0x7;
	s22 =	sshrl.u32 s5, $0x3;
	[dreg:$0x7] =	wrdreg s25  }
0x14: {  	s23 =	sshll.u32 s14, $0x7;
	s28 =	sshll.u32 s5, $0x7;
	[dreg:$0x8] =	wrdreg s26  }
0x15: {  	s5 =	sadd.s32 $0x171600, s0;
	s9 =	simm.s32 $0x8180;
	[dreg:$0x9] =	wrdreg s4  }
0x16: {  	s13 =	simm.s32 $0x12980;
	s14 =	simm.s32 $0x13180;
	[dreg:$0xa] =	wrdreg s15  }
0x17: {  	s16 =	simm.s32 $0x14180;
	[dreg:$0xb] =	wrdreg s17;
	s7 =	sadd.s32 s1, s18  }
0x18: {  	s4 =	sadd.s32 $0x171500, s0;
	s20 =	sshrl.u32 s19, $0x3;
	s21 =	sadd.s32 s1, s8  }
0x19: {  	s24 =	sadd.s32 s1, s23;
	s25 =	sshll.u32 s19, $0x7;
	s8 =	simm.s32 $0x7  }
0x1a: {  	s23 =	simm.s32 $0x5;
	s15 =	simm.s32 $0x13980;
	[dreg:$0xc] =	wrdreg s7  }
0x1b: {  	s17 =	simm.s32 $0x14980;
	s18 =	simm.s32 $0x15180;
	[dreg:$0xe] =	wrdreg s21  }
0x1c: {  	s19 =	simm.s32 $0x17180;
	s7 =	sadd.s32 s6, s20;
	[dreg:$0x10] =	wrdreg s24  }
0x1d: {  	s6 =	sadd.s32 s6, s22;
	s26 =	sadd.s32 s1, s25;
	[dreg:$0xd] =	wrdreg s7  }
0x1e: {  	s1 =	sadd.s32 s1, s28;
	s21 =	simm.s32 $0x4;
	[dreg:$0xf] =	wrdreg s6  }
0x1f: {  	v2 =	vlaneseq.u32;
	s22 =	simm.s32 $0x2;
	s24 =	simm.s32 $0x10980;
	[dreg:$0x11] =	wrdreg s26  }
0x20: {  	vm0 =	vmmov $0xffff;
	v1 =	vshrl.u32 v2, $0x3;
	s25 =	simm.s32 $0x17980;
	s6 =	sadd.s32 $0x171700, s0;
	[dreg:$0x12] =	wrdreg s1  }
0x21: {  	v0 =	vand.u32 $0x7, v2;
	v2 =	vor.u32 $0x8, v2;
	v1 =	vmul.u32 $0x8, v1;
	s7 =	smax.u32 s10, $0x1;
	s10 =	simm.s32 $0x1;
	s26 =	simm.s32 $0x180  }
.LBB2_1:
0x22: {  	s28 =	rddreg [dreg:$0x3]  }
0x23: {  	[tilespmem:s2], [sflag:$0x7] =	stream.linear.gather [hbm4b:s28+s2], $0x20, $0x38;
	[tilespmem:$0x18180] =	vst v63  }
0x24: {  	_ =	swait.ge [sflag:s8], $0x20  }
0x25: {  	[sflag:s8] =	ssyncset.done $0x0  }
0x26: {  	[sflag:s8] =	ssyncadd.s32 $0xFFFFFFE0  }
0x27: {  	v3 =	vld [tilespmem:$0x0];
	_ =	sdelay $0x4  }
0x28: {  	v4 =	vshll.u32 v3, $0x3  }
0x29: {  	v3 =	vand.u32 $0x7, v3;
	v4 =	vand.u32 $0xFFFFFFC0, v4  }
0x2a: {  	v3 =	vor.u32 v3, v4  }
0x2b: {  	v4 =	vperm.xlane v3, v0;
	_ =	sdelay $0x1  }
0x2c: {  	v4 =	vadd.s32 v1, v4;
	_ =	sdelay $0x4  }
0x2d: {  	[tilespmem:s26], [sflag:$0x1] =	stream.indirect_vreg.gather [hbm4b:s3+s2], $0x80, v4, vm0, $0xb8;
	[tilespmem:$0x18180] =	vst v63  }
0x2e: {  	s0 =	simm.s32 $0x980;
	v3 =	vperm.xlane v3, v2  }
0x2f: {  	[tilespmem:s0], [sflag:$0x1] =	stream.indirect_vreg.gather [hbm4b:s4+s2], $0x80, v4, vm0, $0xb8;
	[tilespmem:$0x18180] =	vst v63  }
0x30: {  	s11 =	simm.s32 $0x1180;
	v3 =	vadd.s32 v1, v3  }
0x31: {  	[tilespmem:s11], [sflag:$0x1] =	stream.indirect_vreg.gather [hbm4b:s5+s2], $0x80, v4, vm0, $0xb8;
	[tilespmem:$0x18180] =	vst v63  }
0x32: {  	s20 =	simm.s32 $0x1980  }
0x33: {  	[tilespmem:s20], [sflag:$0x1] =	stream.indirect_vreg.gather [hbm4b:s6+s2], $0x80, v4, vm0, $0xb8;
	[tilespmem:$0x18180] =	vst v63  }
0x34: {  	s28 =	simm.s32 $0x2180  }
0x35: {  	[tilespmem:s28], [sflag:$0x1] =	stream.indirect_vreg.gather [hbm4b:s3+s2], $0x80, v3, vm0, $0xb8;
	[tilespmem:$0x18180] =	vst v63  }
0x36: {  	s11 =	simm.s32 $0x2980  }
0x37: {  	[tilespmem:s11], [sflag:$0x1] =	stream.indirect_vreg.gather [hbm4b:s4+s2], $0x80, v3, vm0, $0xb8;
	[tilespmem:$0x18180] =	vst v63  }
0x38: {  	s20 =	simm.s32 $0x3180  }
0x39: {  	[tilespmem:s20], [sflag:$0x1] =	stream.indirect_vreg.gather [hbm4b:s5+s2], $0x80, v3, vm0, $0xb8;
	[tilespmem:$0x18180] =	vst v63  }
0x3a: {  	s28 =	simm.s32 $0x3980  }
0x3b: {  	[tilespmem:s28], [sflag:$0x1] =	stream.indirect_vreg.gather [hbm4b:s6+s2], $0x80, v3, vm0, $0xb8;
	[tilespmem:$0x18180] =	vst v63  }
0x3c: {  	v3 =	vld [tilespmem:$0x10];
	_ =	sdelay $0x4  }
0x3d: {  	v49 =	vshll.u32 v3, $0x3  }
0x3e: {  	v3 =	vand.u32 $0x7, v3;
	v4 =	vand.u32 $0xFFFFFFC0, v49  }
0x3f: {  	v3 =	vor.u32 v3, v4  }
0x40: {  	v4 =	vperm.xlane v3, v0;
	_ =	sdelay $0x1  }
0x41: {  	v4 =	vadd.s32 v1, v4;
	_ =	sdelay $0x3  }
0x42: {  	s11 =	simm.s32 $0x4180  }
0x43: {  	[tilespmem:s11], [sflag:$0x1] =	stream.indirect_vreg.gather [hbm4b:s3+s2], $0x80, v4, vm0, $0xb8;
	[tilespmem:$0x18180] =	vst v63  }
0x44: {  	s20 =	simm.s32 $0x4980;
	v3 =	vperm.xlane v3, v2  }
0x45: {  	[tilespmem:s20], [sflag:$0x1] =	stream.indirect_vreg.gather [hbm4b:s4+s2], $0x80, v4, vm0, $0xb8;
	[tilespmem:$0x18180] =	vst v63  }
0x46: {  	s28 =	simm.s32 $0x5180;
	v3 =	vadd.s32 v1, v3  }
0x47: {  	[tilespmem:s28], [sflag:$0x1] =	stream.indirect_vreg.gather [hbm4b:s5+s2], $0x80, v4, vm0, $0xb8;
	[tilespmem:$0x18180] =	vst v63  }
0x48: {  	s11 =	simm.s32 $0x5980  }
0x49: {  	[tilespmem:s11], [sflag:$0x1] =	stream.indirect_vreg.gather [hbm4b:s6+s2], $0x80, v4, vm0, $0xb8;
	[tilespmem:$0x18180] =	vst v63  }
0x4a: {  	s20 =	simm.s32 $0x6180  }
0x4b: {  	[tilespmem:s20], [sflag:$0x1] =	stream.indirect_vreg.gather [hbm4b:s3+s2], $0x80, v3, vm0, $0xb8;
	[tilespmem:$0x18180] =	vst v63  }
0x4c: {  	s28 =	simm.s32 $0x6980  }
0x4d: {  	[tilespmem:s28], [sflag:$0x1] =	stream.indirect_vreg.gather [hbm4b:s4+s2], $0x80, v3, vm0, $0xb8;
	[tilespmem:$0x18180] =	vst v63  }
0x4e: {  	s11 =	simm.s32 $0x7180  }
0x4f: {  	[tilespmem:s11], [sflag:$0x1] =	stream.indirect_vreg.gather [hbm4b:s5+s2], $0x80, v3, vm0, $0xb8;
	[tilespmem:$0x18180] =	vst v63  }
0x50: {  	s20 =	simm.s32 $0x7980  }
0x51: {  	[tilespmem:s20], [sflag:$0x1] =	stream.indirect_vreg.gather [hbm4b:s6+s2], $0x80, v3, vm0, $0xb8;
	[tilespmem:$0x18180] =	vst v63  }
0x52: {  	s28 =	rddreg [dreg:$0x4];
	s11 =	simm.s32 $0x80  }
0x53: {  	[tilespmem:s11], [sflag:$0x7] =	stream.linear.gather [hbm4b:s28+s2], $0x20, $0x38;
	[tilespmem:$0x18180] =	vst v63  }
0x54: {  	_ =	swait.ge [sflag:s8], $0x20  }
0x55: {  	[sflag:s8] =	ssyncset.done $0x0  }
0x56: {  	[sflag:s8] =	ssyncadd.s32 $0xFFFFFFE0  }
0x57: {  	v3 =	vld [tilespmem:$0x80];
	_ =	sdelay $0x4  }
0x58: {  	v50 =	vshll.u32 v3, $0x3  }
0x59: {  	v3 =	vand.u32 $0x7, v3;
	v4 =	vand.u32 $0xFFFFFFC0, v50  }
0x5a: {  	v3 =	vor.u32 v3, v4  }
0x5b: {  	v4 =	vperm.xlane v3, v0;
	_ =	sdelay $0x1  }
0x5c: {  	v4 =	vadd.s32 v1, v4;
	_ =	sdelay $0x4  }
0x5d: {  	[tilespmem:s9], [sflag:$0x2] =	stream.indirect_vreg.gather [hbm4b:s3+s2], $0x80, v4, vm0, $0xb8;
	[tilespmem:$0x18180] =	vst v63  }
0x5e: {  	s11 =	simm.s32 $0x8980;
	v3 =	vperm.xlane v3, v2  }
0x5f: {  	[tilespmem:s11], [sflag:$0x2] =	stream.indirect_vreg.gather [hbm4b:s4+s2], $0x80, v4, vm0, $0xb8;
	[tilespmem:$0x18180] =	vst v63  }
0x60: {  	s28 =	simm.s32 $0x9180;
	v3 =	vadd.s32 v1, v3  }
0x61: {  	[tilespmem:s28], [sflag:$0x2] =	stream.indirect_vreg.gather [hbm4b:s5+s2], $0x80, v4, vm0, $0xb8;
	[tilespmem:$0x18180] =	vst v63  }
0x62: {  	s11 =	simm.s32 $0x9980  }
0x63: {  	[tilespmem:s11], [sflag:$0x2] =	stream.indirect_vreg.gather [hbm4b:s6+s2], $0x80, v4, vm0, $0xb8;
	[tilespmem:$0x18180] =	vst v63  }
0x64: {  	s28 =	simm.s32 $0xA180  }
0x65: {  	[tilespmem:s28], [sflag:$0x2] =	stream.indirect_vreg.gather [hbm4b:s3+s2], $0x80, v3, vm0, $0xb8;
	[tilespmem:$0x18180] =	vst v63  }
0x66: {  	s11 =	simm.s32 $0xA980  }
0x67: {  	[tilespmem:s11], [sflag:$0x2] =	stream.indirect_vreg.gather [hbm4b:s4+s2], $0x80, v3, vm0, $0xb8;
	[tilespmem:$0x18180] =	vst v63  }
0x68: {  	s28 =	simm.s32 $0xB180  }
0x69: {  	[tilespmem:s28], [sflag:$0x2] =	stream.indirect_vreg.gather [hbm4b:s5+s2], $0x80, v3, vm0, $0xb8;
	[tilespmem:$0x18180] =	vst v63  }
0x6a: {  	s11 =	simm.s32 $0xB980  }
0x6b: {  	[tilespmem:s11], [sflag:$0x2] =	stream.indirect_vreg.gather [hbm4b:s6+s2], $0x80, v3, vm0, $0xb8;
	[tilespmem:$0x18180] =	vst v63  }
0x6c: {  	v3 =	vld [tilespmem:$0x90];
	_ =	sdelay $0x4  }
0x6d: {  	v51 =	vshll.u32 v3, $0x3  }
0x6e: {  	v3 =	vand.u32 $0x7, v3;
	v4 =	vand.u32 $0xFFFFFFC0, v51  }
0x6f: {  	v3 =	vor.u32 v3, v4  }
0x70: {  	v4 =	vperm.xlane v3, v0;
	_ =	sdelay $0x1  }
0x71: {  	v4 =	vadd.s32 v1, v4;
	_ =	sdelay $0x3  }
0x72: {  	s28 =	simm.s32 $0xC180  }
0x73: {  	[tilespmem:s28], [sflag:$0x2] =	stream.indirect_vreg.gather [hbm4b:s3+s2], $0x80, v4, vm0, $0xb8;
	[tilespmem:$0x18180] =	vst v63  }
0x74: {  	s11 =	simm.s32 $0xC980;
	v3 =	vperm.xlane v3, v2  }
0x75: {  	[tilespmem:s11], [sflag:$0x2] =	stream.indirect_vreg.gather [hbm4b:s4+s2], $0x80, v4, vm0, $0xb8;
	[tilespmem:$0x18180] =	vst v63  }
0x76: {  	v3 =	vadd.s32 v1, v3;
	s28 =	simm.s32 $0xD180  }
0x77: {  	[tilespmem:s28], [sflag:$0x2] =	stream.indirect_vreg.gather [hbm4b:s5+s2], $0x80, v4, vm0, $0xb8;
	[tilespmem:$0x18180] =	vst v63  }
0x78: {  	s11 =	simm.s32 $0xD980  }
0x79: {  	[tilespmem:s11], [sflag:$0x2] =	stream.indirect_vreg.gather [hbm4b:s6+s2], $0x80, v4, vm0, $0xb8;
	[tilespmem:$0x18180] =	vst v63  }
0x7a: {  	s28 =	simm.s32 $0xE180  }
0x7b: {  	[tilespmem:s28], [sflag:$0x2] =	stream.indirect_vreg.gather [hbm4b:s3+s2], $0x80, v3, vm0, $0xb8;
	[tilespmem:$0x18180] =	vst v63  }
0x7c: {  	s11 =	simm.s32 $0xE980  }
0x7d: {  	[tilespmem:s11], [sflag:$0x2] =	stream.indirect_vreg.gather [hbm4b:s4+s2], $0x80, v3, vm0, $0xb8;
	[tilespmem:$0x18180] =	vst v63  }
0x7e: {  	s28 =	simm.s32 $0xF180  }
0x7f: {  	[tilespmem:s28], [sflag:$0x2] =	stream.indirect_vreg.gather [hbm4b:s5+s2], $0x80, v3, vm0, $0xb8;
	[tilespmem:$0x18180] =	vst v63  }
0x80: {  	s11 =	simm.s32 $0xF980  }
0x81: {  	[tilespmem:s11], [sflag:$0x2] =	stream.indirect_vreg.gather [hbm4b:s6+s2], $0x80, v3, vm0, $0xb8;
	[tilespmem:$0x18180] =	vst v63  }
0x82: {  	s28 =	rddreg [dreg:$0x5];
	s11 =	simm.s32 $0x100  }
0x83: {  	[tilespmem:s11], [sflag:$0x7] =	stream.linear.gather [hbm4b:s28+s2], $0x20, $0x38;
	[tilespmem:$0x18180] =	vst v63  }
0x84: {  	_ =	swait.ge [sflag:s8], $0x20  }
0x85: {  	[sflag:s8] =	ssyncset.done $0x0  }
0x86: {  	[sflag:s8] =	ssyncadd.s32 $0xFFFFFFE0  }
0x87: {  	v3 =	vld [tilespmem:$0x100];
	_ =	sdelay $0x4  }
0x88: {  	v52 =	vshll.u32 v3, $0x3  }
0x89: {  	v3 =	vand.u32 $0x7, v3;
	v4 =	vand.u32 $0xFFFFFFC0, v52  }
0x8a: {  	v3 =	vor.u32 v3, v4  }
0x8b: {  	v4 =	vperm.xlane v3, v0;
	_ =	sdelay $0x1  }
0x8c: {  	v4 =	vadd.s32 v1, v4;
	_ =	sdelay $0x3  }
0x8d: {  	s28 =	simm.s32 $0x10180  }
0x8e: {  	[tilespmem:s28], [sflag:$0x3] =	stream.indirect_vreg.gather [hbm4b:s3+s2], $0x80, v4, vm0, $0xb8;
	[tilespmem:$0x18180] =	vst v63  }
0x8f: {  	v3 =	vperm.xlane v3, v2  }
0x90: {  	[tilespmem:s24], [sflag:$0x3] =	stream.indirect_vreg.gather [hbm4b:s4+s2], $0x80, v4, vm0, $0xb8;
	[tilespmem:$0x18180] =	vst v63  }
0x91: {  	s11 =	simm.s32 $0x11180;
	v3 =	vadd.s32 v1, v3  }
0x92: {  	[tilespmem:s11], [sflag:$0x3] =	stream.indirect_vreg.gather [hbm4b:s5+s2], $0x80, v4, vm0, $0xb8;
	[tilespmem:$0x18180] =	vst v63  }
0x93: {  	s28 =	simm.s32 $0x11980  }
0x94: {  	[tilespmem:s28], [sflag:$0x3] =	stream.indirect_vreg.gather [hbm4b:s6+s2], $0x80, v4, vm0, $0xb8;
	[tilespmem:$0x18180] =	vst v63  }
0x95: {  	_ = 	snop  }
0x96: {  	[tilespmem:s12], [sflag:$0x3] =	stream.indirect_vreg.gather [hbm4b:s3+s2], $0x80, v3, vm0, $0xb8;
	[tilespmem:$0x18180] =	vst v63  }
0x97: {  	_ = 	snop  }
0x98: {  	[tilespmem:s13], [sflag:$0x3] =	stream.indirect_vreg.gather [hbm4b:s4+s2], $0x80, v3, vm0, $0xb8;
	[tilespmem:$0x18180] =	vst v63  }
0x99: {  	_ = 	snop  }
0x9a: {  	[tilespmem:s14], [sflag:$0x3] =	stream.indirect_vreg.gather [hbm4b:s5+s2], $0x80, v3, vm0, $0xb8;
	[tilespmem:$0x18180] =	vst v63  }
0x9b: {  	_ = 	snop  }
0x9c: {  	[tilespmem:s15], [sflag:$0x3] =	stream.indirect_vreg.gather [hbm4b:s6+s2], $0x80, v3, vm0, $0xb8;
	[tilespmem:$0x18180] =	vst v63  }
0x9d: {  	v3 =	vld [tilespmem:$0x110];
	_ =	sdelay $0x4  }
0x9e: {  	v53 =	vshll.u32 v3, $0x3  }
0x9f: {  	v3 =	vand.u32 $0x7, v3;
	v4 =	vand.u32 $0xFFFFFFC0, v53  }
0xa0: {  	v3 =	vor.u32 v3, v4  }
0xa1: {  	v4 =	vperm.xlane v3, v0;
	_ =	sdelay $0x1  }
0xa2: {  	v4 =	vadd.s32 v1, v4;
	_ =	sdelay $0x4  }
0xa3: {  	[tilespmem:s16], [sflag:$0x3] =	stream.indirect_vreg.gather [hbm4b:s3+s2], $0x80, v4, vm0, $0xb8;
	[tilespmem:$0x18180] =	vst v63  }
0xa4: {  	v3 =	vperm.xlane v3, v2  }
0xa5: {  	[tilespmem:s17], [sflag:$0x3] =	stream.indirect_vreg.gather [hbm4b:s4+s2], $0x80, v4, vm0, $0xb8;
	[tilespmem:$0x18180] =	vst v63  }
0xa6: {  	v3 =	vadd.s32 v1, v3  }
0xa7: {  	[tilespmem:s18], [sflag:$0x3] =	stream.indirect_vreg.gather [hbm4b:s5+s2], $0x80, v4, vm0, $0xb8;
	[tilespmem:$0x18180] =	vst v63  }
0xa8: {  	_ = 	snop  }
0xa9: {  	[tilespmem:s29], [sflag:$0x3] =	stream.indirect_vreg.gather [hbm4b:s6+s2], $0x80, v4, vm0, $0xb8;
	[tilespmem:$0x18180] =	vst v63  }
0xaa: {  	_ = 	snop  }
0xab: {  	[tilespmem:s30], [sflag:$0x3] =	stream.indirect_vreg.gather [hbm4b:s3+s2], $0x80, v3, vm0, $0xb8;
	[tilespmem:$0x18180] =	vst v63  }
0xac: {  	_ = 	snop  }
0xad: {  	[tilespmem:s31], [sflag:$0x3] =	stream.indirect_vreg.gather [hbm4b:s4+s2], $0x80, v3, vm0, $0xb8;
	[tilespmem:$0x18180] =	vst v63  }
0xae: {  	_ = 	snop  }
0xaf: {  	[tilespmem:s19], [sflag:$0x3] =	stream.indirect_vreg.gather [hbm4b:s5+s2], $0x80, v3, vm0, $0xb8;
	[tilespmem:$0x18180] =	vst v63  }
0xb0: {  	_ = 	snop  }
0xb1: {  	[tilespmem:s25], [sflag:$0x3] =	stream.indirect_vreg.gather [hbm4b:s6+s2], $0x80, v3, vm0, $0xb8;
	[tilespmem:$0x18180] =	vst v63  }
0xb2: {  	_ =	swait.ge [sflag:s10], $0x8000  }
0xb3: {  	[sflag:s10] =	ssyncset.done $0x0  }
0xb4: {  	s11 =	rddreg [dreg:$0x6];
	[sflag:s10] =	ssyncadd.s32 $0xFFFF8000  }
0xb5: {  	[hbm4b:s11+s2] =	stream.linear.scatter [tilespmem:s26], [sflag:$0x4], $0x8000, $0x38;
	[tilespmem:$0x18180] =	vst v63  }
0xb6: {  	_ =	swait.ge [sflag:s21], $0x8000  }
0xb7: {  	[sflag:s21] =	ssyncset.done $0x0  }
0xb8: {  	s0 =	rddreg [dreg:$0x7];
	[sflag:s21] =	ssyncadd.s32 $0xFFFF8000  }
0xb9: {  	[tilespmem:s2], [sflag:$0x7] =	stream.linear.gather [hbm4b:s0+s2], $0x20, $0x38;
	[tilespmem:$0x18180] =	vst v63  }
0xba: {  	_ =	swait.ge [sflag:s8], $0x20  }
0xbb: {  	[sflag:s8] =	ssyncset.done $0x0  }
0xbc: {  	[sflag:s8] =	ssyncadd.s32 $0xFFFFFFE0  }
0xbd: {  	v3 =	vld [tilespmem:$0x0];
	_ =	sdelay $0x4  }
0xbe: {  	v54 =	vshll.u32 v3, $0x3  }
0xbf: {  	v3 =	vand.u32 $0x7, v3;
	v4 =	vand.u32 $0xFFFFFFC0, v54  }
0xc0: {  	v3 =	vor.u32 v3, v4  }
0xc1: {  	v4 =	vperm.xlane v3, v0;
	_ =	sdelay $0x1  }
0xc2: {  	v4 =	vadd.s32 v1, v4;
	_ =	sdelay $0x4  }
0xc3: {  	[tilespmem:s26], [sflag:$0x1] =	stream.indirect_vreg.gather [hbm4b:s3+s2], $0x80, v4, vm0, $0xb8;
	[tilespmem:$0x18180] =	vst v63  }
0xc4: {  	s1 =	simm.s32 $0x980;
	v3 =	vperm.xlane v3, v2  }
0xc5: {  	[tilespmem:s1], [sflag:$0x1] =	stream.indirect_vreg.gather [hbm4b:s4+s2], $0x80, v4, vm0, $0xb8;
	[tilespmem:$0x18180] =	vst v63  }
0xc6: {  	s11 =	simm.s32 $0x1180;
	v3 =	vadd.s32 v1, v3  }
0xc7: {  	[tilespmem:s11], [sflag:$0x1] =	stream.indirect_vreg.gather [hbm4b:s5+s2], $0x80, v4, vm0, $0xb8;
	[tilespmem:$0x18180] =	vst v63  }
0xc8: {  	s28 =	simm.s32 $0x1980  }
0xc9: {  	[tilespmem:s28], [sflag:$0x1] =	stream.indirect_vreg.gather [hbm4b:s6+s2], $0x80, v4, vm0, $0xb8;
	[tilespmem:$0x18180] =	vst v63  }
0xca: {  	s1 =	simm.s32 $0x2180  }
0xcb: {  	[tilespmem:s1], [sflag:$0x1] =	stream.indirect_vreg.gather [hbm4b:s3+s2], $0x80, v3, vm0, $0xb8;
	[tilespmem:$0x18180] =	vst v63  }
0xcc: {  	s11 =	simm.s32 $0x2980  }
0xcd: {  	[tilespmem:s11], [sflag:$0x1] =	stream.indirect_vreg.gather [hbm4b:s4+s2], $0x80, v3, vm0, $0xb8;
	[tilespmem:$0x18180] =	vst v63  }
0xce: {  	s28 =	simm.s32 $0x3180  }
0xcf: {  	[tilespmem:s28], [sflag:$0x1] =	stream.indirect_vreg.gather [hbm4b:s5+s2], $0x80, v3, vm0, $0xb8;
	[tilespmem:$0x18180] =	vst v63  }
0xd0: {  	s1 =	simm.s32 $0x3980  }
0xd1: {  	[tilespmem:s1], [sflag:$0x1] =	stream.indirect_vreg.gather [hbm4b:s6+s2], $0x80, v3, vm0, $0xb8;
	[tilespmem:$0x18180] =	vst v63  }
0xd2: {  	v3 =	vld [tilespmem:$0x10];
	_ =	sdelay $0x4  }
0xd3: {  	v55 =	vshll.u32 v3, $0x3  }
0xd4: {  	v3 =	vand.u32 $0x7, v3;
	v4 =	vand.u32 $0xFFFFFFC0, v55  }
0xd5: {  	v3 =	vor.u32 v3, v4  }
0xd6: {  	v4 =	vperm.xlane v3, v0;
	_ =	sdelay $0x1  }
0xd7: {  	v4 =	vadd.s32 v1, v4;
	_ =	sdelay $0x3  }
0xd8: {  	s11 =	simm.s32 $0x4180  }
0xd9: {  	[tilespmem:s11], [sflag:$0x1] =	stream.indirect_vreg.gather [hbm4b:s3+s2], $0x80, v4, vm0, $0xb8;
	[tilespmem:$0x18180] =	vst v63  }
0xda: {  	s28 =	simm.s32 $0x4980;
	v3 =	vperm.xlane v3, v2  }
0xdb: {  	[tilespmem:s28], [sflag:$0x1] =	stream.indirect_vreg.gather [hbm4b:s4+s2], $0x80, v4, vm0, $0xb8;
	[tilespmem:$0x18180] =	vst v63  }
0xdc: {  	s1 =	simm.s32 $0x5180;
	v3 =	vadd.s32 v1, v3  }
0xdd: {  	[tilespmem:s1], [sflag:$0x1] =	stream.indirect_vreg.gather [hbm4b:s5+s2], $0x80, v4, vm0, $0xb8;
	[tilespmem:$0x18180] =	vst v63  }
0xde: {  	s11 =	simm.s32 $0x5980  }
0xdf: {  	[tilespmem:s11], [sflag:$0x1] =	stream.indirect_vreg.gather [hbm4b:s6+s2], $0x80, v4, vm0, $0xb8;
	[tilespmem:$0x18180] =	vst v63  }
0xe0: {  	s28 =	simm.s32 $0x6180  }
0xe1: {  	[tilespmem:s28], [sflag:$0x1] =	stream.indirect_vreg.gather [hbm4b:s3+s2], $0x80, v3, vm0, $0xb8;
	[tilespmem:$0x18180] =	vst v63  }
0xe2: {  	s1 =	simm.s32 $0x6980  }
0xe3: {  	[tilespmem:s1], [sflag:$0x1] =	stream.indirect_vreg.gather [hbm4b:s4+s2], $0x80, v3, vm0, $0xb8;
	[tilespmem:$0x18180] =	vst v63  }
0xe4: {  	s11 =	simm.s32 $0x7180  }
0xe5: {  	[tilespmem:s11], [sflag:$0x1] =	stream.indirect_vreg.gather [hbm4b:s5+s2], $0x80, v3, vm0, $0xb8;
	[tilespmem:$0x18180] =	vst v63  }
0xe6: {  	s20 =	simm.s32 $0x7980  }
0xe7: {  	[tilespmem:s20], [sflag:$0x1] =	stream.indirect_vreg.gather [hbm4b:s6+s2], $0x80, v3, vm0, $0xb8;
	[tilespmem:$0x18180] =	vst v63  }
0xe8: {  	_ =	swait.ge [sflag:s22], $0x8000  }
0xe9: {  	[sflag:s22] =	ssyncset.done $0x0  }
0xea: {  	s20 =	rddreg [dreg:$0x8];
	[sflag:s22] =	ssyncadd.s32 $0xFFFF8000  }
0xeb: {  	[hbm4b:s20+s2] =	stream.linear.scatter [tilespmem:s9], [sflag:$0x5], $0x8000, $0x38;
	[tilespmem:$0x18180] =	vst v63  }
0xec: {  	_ =	swait.ge [sflag:s23], $0x8000  }
0xed: {  	[sflag:s23] =	ssyncset.done $0x0  }
0xee: {  	s1 =	simm.s32 $0x80;
	s0 =	rddreg [dreg:$0x9];
	[sflag:s23] =	ssyncadd.s32 $0xFFFF8000  }
0xef: {  	[tilespmem:s1], [sflag:$0x7] =	stream.linear.gather [hbm4b:s0+s2], $0x20, $0x38;
	[tilespmem:$0x18180] =	vst v63  }
0xf0: {  	_ =	swait.ge [sflag:s8], $0x20  }
0xf1: {  	[sflag:s8] =	ssyncset.done $0x0  }
0xf2: {  	[sflag:s8] =	ssyncadd.s32 $0xFFFFFFE0  }
0xf3: {  	v3 =	vld [tilespmem:$0x80];
	_ =	sdelay $0x4  }
0xf4: {  	v56 =	vshll.u32 v3, $0x3  }
0xf5: {  	v3 =	vand.u32 $0x7, v3;
	v4 =	vand.u32 $0xFFFFFFC0, v56  }
0xf6: {  	v3 =	vor.u32 v3, v4  }
0xf7: {  	v4 =	vperm.xlane v3, v0;
	_ =	sdelay $0x1  }
0xf8: {  	v4 =	vadd.s32 v1, v4;
	_ =	sdelay $0x4  }
0xf9: {  	[tilespmem:s9], [sflag:$0x2] =	stream.indirect_vreg.gather [hbm4b:s3+s2], $0x80, v4, vm0, $0xb8;
	[tilespmem:$0x18180] =	vst v63  }
0xfa: {  	s11 =	simm.s32 $0x8980;
	v3 =	vperm.xlane v3, v2  }
0xfb: {  	[tilespmem:s11], [sflag:$0x2] =	stream.indirect_vreg.gather [hbm4b:s4+s2], $0x80, v4, vm0, $0xb8;
	[tilespmem:$0x18180] =	vst v63  }
0xfc: {  	s20 =	simm.s32 $0x9180;
	v3 =	vadd.s32 v1, v3  }
0xfd: {  	[tilespmem:s20], [sflag:$0x2] =	stream.indirect_vreg.gather [hbm4b:s5+s2], $0x80, v4, vm0, $0xb8;
	[tilespmem:$0x18180] =	vst v63  }
0xfe: {  	s28 =	simm.s32 $0x9980  }
0xff: {  	[tilespmem:s28], [sflag:$0x2] =	stream.indirect_vreg.gather [hbm4b:s6+s2], $0x80, v4, vm0, $0xb8;
	[tilespmem:$0x18180] =	vst v63  }
0x100: {  	s1 =	simm.s32 $0xA180  }
0x101: {  	[tilespmem:s1], [sflag:$0x2] =	stream.indirect_vreg.gather [hbm4b:s3+s2], $0x80, v3, vm0, $0xb8;
	[tilespmem:$0x18180] =	vst v63  }
0x102: {  	s11 =	simm.s32 $0xA980  }
0x103: {  	[tilespmem:s11], [sflag:$0x2] =	stream.indirect_vreg.gather [hbm4b:s4+s2], $0x80, v3, vm0, $0xb8;
	[tilespmem:$0x18180] =	vst v63  }
0x104: {  	s20 =	simm.s32 $0xB180  }
0x105: {  	[tilespmem:s20], [sflag:$0x2] =	stream.indirect_vreg.gather [hbm4b:s5+s2], $0x80, v3, vm0, $0xb8;
	[tilespmem:$0x18180] =	vst v63  }
0x106: {  	s28 =	simm.s32 $0xB980  }
0x107: {  	[tilespmem:s28], [sflag:$0x2] =	stream.indirect_vreg.gather [hbm4b:s6+s2], $0x80, v3, vm0, $0xb8;
	[tilespmem:$0x18180] =	vst v63  }
0x108: {  	v3 =	vld [tilespmem:$0x90];
	_ =	sdelay $0x4  }
0x109: {  	v57 =	vshll.u32 v3, $0x3  }
0x10a: {  	v3 =	vand.u32 $0x7, v3;
	v4 =	vand.u32 $0xFFFFFFC0, v57  }
0x10b: {  	v3 =	vor.u32 v3, v4  }
0x10c: {  	v4 =	vperm.xlane v3, v0;
	_ =	sdelay $0x1  }
0x10d: {  	v4 =	vadd.s32 v1, v4;
	_ =	sdelay $0x3  }
0x10e: {  	s1 =	simm.s32 $0xC180  }
0x10f: {  	[tilespmem:s1], [sflag:$0x2] =	stream.indirect_vreg.gather [hbm4b:s3+s2], $0x80, v4, vm0, $0xb8;
	[tilespmem:$0x18180] =	vst v63  }
0x110: {  	s11 =	simm.s32 $0xC980;
	v3 =	vperm.xlane v3, v2  }
0x111: {  	[tilespmem:s11], [sflag:$0x2] =	stream.indirect_vreg.gather [hbm4b:s4+s2], $0x80, v4, vm0, $0xb8;
	[tilespmem:$0x18180] =	vst v63  }
0x112: {  	s20 =	simm.s32 $0xD180;
	v3 =	vadd.s32 v1, v3  }
0x113: {  	[tilespmem:s20], [sflag:$0x2] =	stream.indirect_vreg.gather [hbm4b:s5+s2], $0x80, v4, vm0, $0xb8;
	[tilespmem:$0x18180] =	vst v63  }
0x114: {  	s28 =	simm.s32 $0xD980  }
0x115: {  	[tilespmem:s28], [sflag:$0x2] =	stream.indirect_vreg.gather [hbm4b:s6+s2], $0x80, v4, vm0, $0xb8;
	[tilespmem:$0x18180] =	vst v63  }
0x116: {  	s1 =	simm.s32 $0xE180  }
0x117: {  	[tilespmem:s1], [sflag:$0x2] =	stream.indirect_vreg.gather [hbm4b:s3+s2], $0x80, v3, vm0, $0xb8;
	[tilespmem:$0x18180] =	vst v63  }
0x118: {  	s11 =	simm.s32 $0xE980  }
0x119: {  	[tilespmem:s11], [sflag:$0x2] =	stream.indirect_vreg.gather [hbm4b:s4+s2], $0x80, v3, vm0, $0xb8;
	[tilespmem:$0x18180] =	vst v63  }
0x11a: {  	s20 =	simm.s32 $0xF180  }
0x11b: {  	[tilespmem:s20], [sflag:$0x2] =	stream.indirect_vreg.gather [hbm4b:s5+s2], $0x80, v3, vm0, $0xb8;
	[tilespmem:$0x18180] =	vst v63  }
0x11c: {  	s0 =	simm.s32 $0x3;
	s28 =	simm.s32 $0xF980  }
0x11d: {  	[tilespmem:s28], [sflag:$0x2] =	stream.indirect_vreg.gather [hbm4b:s6+s2], $0x80, v3, vm0, $0xb8;
	[tilespmem:$0x18180] =	vst v63  }
0x11e: {  	_ =	swait.ge [sflag:s0], $0x8000  }
0x11f: {  	[sflag:s0] =	ssyncset.done $0x0  }
0x120: {  	s20 =	simm.s32 $0x10180;
	s1 =	rddreg [dreg:$0xa];
	[sflag:s0] =	ssyncadd.s32 $0xFFFF8000  }
0x121: {  	[hbm4b:s1+s2] =	stream.linear.scatter [tilespmem:s20], [sflag:$0x6], $0x8000, $0x38;
	[tilespmem:$0x18180] =	vst v63  }
0x122: {  	s1 =	simm.s32 $0x6  }
0x123: {  	_ =	swait.ge [sflag:s1], $0x8000  }
0x124: {  	[sflag:s1] =	ssyncset.done $0x0  }
0x125: {  	s11 =	simm.s32 $0x100;
	s28 =	rddreg [dreg:$0xb];
	[sflag:s1] =	ssyncadd.s32 $0xFFFF8000  }
0x126: {  	[tilespmem:s11], [sflag:$0x7] =	stream.linear.gather [hbm4b:s28+s2], $0x20, $0x38;
	[tilespmem:$0x18180] =	vst v63  }
0x127: {  	_ =	swait.ge [sflag:s8], $0x20  }
0x128: {  	[sflag:s8] =	ssyncset.done $0x0  }
0x129: {  	[sflag:s8] =	ssyncadd.s32 $0xFFFFFFE0  }
0x12a: {  	v3 =	vld [tilespmem:$0x100];
	_ =	sdelay $0x4  }
0x12b: {  	v58 =	vshll.u32 v3, $0x3  }
0x12c: {  	v3 =	vand.u32 $0x7, v3;
	v4 =	vand.u32 $0xFFFFFFC0, v58  }
0x12d: {  	v3 =	vor.u32 v3, v4  }
0x12e: {  	v4 =	vperm.xlane v3, v0;
	_ =	sdelay $0x1  }
0x12f: {  	v4 =	vadd.s32 v1, v4;
	_ =	sdelay $0x4  }
0x130: {  	[tilespmem:s20], [sflag:$0x3] =	stream.indirect_vreg.gather [hbm4b:s3+s2], $0x80, v4, vm0, $0xb8;
	[tilespmem:$0x18180] =	vst v63  }
0x131: {  	v3 =	vperm.xlane v3, v2  }
0x132: {  	[tilespmem:s24], [sflag:$0x3] =	stream.indirect_vreg.gather [hbm4b:s4+s2], $0x80, v4, vm0, $0xb8;
	[tilespmem:$0x18180] =	vst v63  }
0x133: {  	s11 =	simm.s32 $0x11180;
	v3 =	vadd.s32 v1, v3  }
0x134: {  	[tilespmem:s11], [sflag:$0x3] =	stream.indirect_vreg.gather [hbm4b:s5+s2], $0x80, v4, vm0, $0xb8;
	[tilespmem:$0x18180] =	vst v63  }
0x135: {  	s28 =	simm.s32 $0x11980  }
0x136: {  	[tilespmem:s28], [sflag:$0x3] =	stream.indirect_vreg.gather [hbm4b:s6+s2], $0x80, v4, vm0, $0xb8;
	[tilespmem:$0x18180] =	vst v63  }
0x137: {  	_ = 	snop  }
0x138: {  	[tilespmem:s12], [sflag:$0x3] =	stream.indirect_vreg.gather [hbm4b:s3+s2], $0x80, v3, vm0, $0xb8;
	[tilespmem:$0x18180] =	vst v63  }
0x139: {  	_ = 	snop  }
0x13a: {  	[tilespmem:s13], [sflag:$0x3] =	stream.indirect_vreg.gather [hbm4b:s4+s2], $0x80, v3, vm0, $0xb8;
	[tilespmem:$0x18180] =	vst v63  }
0x13b: {  	_ = 	snop  }
0x13c: {  	[tilespmem:s14], [sflag:$0x3] =	stream.indirect_vreg.gather [hbm4b:s5+s2], $0x80, v3, vm0, $0xb8;
	[tilespmem:$0x18180] =	vst v63  }
0x13d: {  	_ = 	snop  }
0x13e: {  	[tilespmem:s15], [sflag:$0x3] =	stream.indirect_vreg.gather [hbm4b:s6+s2], $0x80, v3, vm0, $0xb8;
	[tilespmem:$0x18180] =	vst v63  }
0x13f: {  	v3 =	vld [tilespmem:$0x110];
	_ =	sdelay $0x4  }
0x140: {  	v59 =	vshll.u32 v3, $0x3  }
0x141: {  	v3 =	vand.u32 $0x7, v3;
	v4 =	vand.u32 $0xFFFFFFC0, v59  }
0x142: {  	v3 =	vor.u32 v3, v4  }
0x143: {  	v4 =	vperm.xlane v3, v0;
	_ =	sdelay $0x1  }
0x144: {  	v4 =	vadd.s32 v1, v4;
	_ =	sdelay $0x4  }
0x145: {  	[tilespmem:s16], [sflag:$0x3] =	stream.indirect_vreg.gather [hbm4b:s3+s2], $0x80, v4, vm0, $0xb8;
	[tilespmem:$0x18180] =	vst v63  }
0x146: {  	v3 =	vperm.xlane v3, v2  }
0x147: {  	[tilespmem:s17], [sflag:$0x3] =	stream.indirect_vreg.gather [hbm4b:s4+s2], $0x80, v4, vm0, $0xb8;
	[tilespmem:$0x18180] =	vst v63  }
0x148: {  	v3 =	vadd.s32 v1, v3  }
0x149: {  	[tilespmem:s18], [sflag:$0x3] =	stream.indirect_vreg.gather [hbm4b:s5+s2], $0x80, v4, vm0, $0xb8;
	[tilespmem:$0x18180] =	vst v63  }
0x14a: {  	_ = 	snop  }
0x14b: {  	[tilespmem:s29], [sflag:$0x3] =	stream.indirect_vreg.gather [hbm4b:s6+s2], $0x80, v4, vm0, $0xb8;
	[tilespmem:$0x18180] =	vst v63  }
0x14c: {  	_ = 	snop  }
0x14d: {  	[tilespmem:s30], [sflag:$0x3] =	stream.indirect_vreg.gather [hbm4b:s3+s2], $0x80, v3, vm0, $0xb8;
	[tilespmem:$0x18180] =	vst v63  }
0x14e: {  	_ = 	snop  }
0x14f: {  	[tilespmem:s31], [sflag:$0x3] =	stream.indirect_vreg.gather [hbm4b:s4+s2], $0x80, v3, vm0, $0xb8;
	[tilespmem:$0x18180] =	vst v63  }
0x150: {  	_ = 	snop  }
0x151: {  	[tilespmem:s19], [sflag:$0x3] =	stream.indirect_vreg.gather [hbm4b:s5+s2], $0x80, v3, vm0, $0xb8;
	[tilespmem:$0x18180] =	vst v63  }
0x152: {  	_ = 	snop  }
0x153: {  	[tilespmem:s25], [sflag:$0x3] =	stream.indirect_vreg.gather [hbm4b:s6+s2], $0x80, v3, vm0, $0xb8;
	[tilespmem:$0x18180] =	vst v63  }
0x154: {  	_ =	swait.ge [sflag:s10], $0x8000  }
0x155: {  	[sflag:s10] =	ssyncset.done $0x0  }
0x156: {  	s11 =	rddreg [dreg:$0xc];
	[sflag:s10] =	ssyncadd.s32 $0xFFFF8000  }
0x157: {  	[hbm4b:s11+s2] =	stream.linear.scatter [tilespmem:s26], [sflag:$0x4], $0x8000, $0x38;
	[tilespmem:$0x18180] =	vst v63  }
0x158: {  	_ =	swait.ge [sflag:s21], $0x8000  }
0x159: {  	[sflag:s21] =	ssyncset.done $0x0  }
0x15a: {  	s20 =	rddreg [dreg:$0xd];
	[sflag:s21] =	ssyncadd.s32 $0xFFFF8000  }
0x15b: {  	[tilespmem:s2], [sflag:$0x7] =	stream.linear.gather [hbm4b:s20+s2], $0x20, $0x38;
	[tilespmem:$0x18180] =	vst v63  }
0x15c: {  	_ =	swait.ge [sflag:s8], $0x20  }
0x15d: {  	[sflag:s8] =	ssyncset.done $0x0  }
0x15e: {  	[sflag:s8] =	ssyncadd.s32 $0xFFFFFFE0  }
0x15f: {  	v3 =	vld [tilespmem:$0x0];
	_ =	sdelay $0x4  }
0x160: {  	v60 =	vshll.u32 v3, $0x3  }
0x161: {  	v3 =	vand.u32 $0x7, v3;
	v4 =	vand.u32 $0xFFFFFFC0, v60  }
0x162: {  	v3 =	vor.u32 v3, v4  }
0x163: {  	v4 =	vperm.xlane v3, v0;
	_ =	sdelay $0x1  }
0x164: {  	v4 =	vadd.s32 v1, v4;
	_ =	sdelay $0x4  }
0x165: {  	[tilespmem:s26], [sflag:$0x1] =	stream.indirect_vreg.gather [hbm4b:s3+s2], $0x80, v4, vm0, $0xb8;
	[tilespmem:$0x18180] =	vst v63  }
0x166: {  	s28 =	simm.s32 $0x980;
	v3 =	vperm.xlane v3, v2  }
0x167: {  	[tilespmem:s28], [sflag:$0x1] =	stream.indirect_vreg.gather [hbm4b:s4+s2], $0x80, v4, vm0, $0xb8;
	[tilespmem:$0x18180] =	vst v63  }
0x168: {  	s20 =	simm.s32 $0x1180;
	v3 =	vadd.s32 v1, v3  }
0x169: {  	[tilespmem:s20], [sflag:$0x1] =	stream.indirect_vreg.gather [hbm4b:s5+s2], $0x80, v4, vm0, $0xb8;
	[tilespmem:$0x18180] =	vst v63  }
0x16a: {  	s28 =	simm.s32 $0x1980  }
0x16b: {  	[tilespmem:s28], [sflag:$0x1] =	stream.indirect_vreg.gather [hbm4b:s6+s2], $0x80, v4, vm0, $0xb8;
	[tilespmem:$0x18180] =	vst v63  }
0x16c: {  	s20 =	simm.s32 $0x2180  }
0x16d: {  	[tilespmem:s20], [sflag:$0x1] =	stream.indirect_vreg.gather [hbm4b:s3+s2], $0x80, v3, vm0, $0xb8;
	[tilespmem:$0x18180] =	vst v63  }
0x16e: {  	s28 =	simm.s32 $0x2980  }
0x16f: {  	[tilespmem:s28], [sflag:$0x1] =	stream.indirect_vreg.gather [hbm4b:s4+s2], $0x80, v3, vm0, $0xb8;
	[tilespmem:$0x18180] =	vst v63  }
0x170: {  	s20 =	simm.s32 $0x3180  }
0x171: {  	[tilespmem:s20], [sflag:$0x1] =	stream.indirect_vreg.gather [hbm4b:s5+s2], $0x80, v3, vm0, $0xb8;
	[tilespmem:$0x18180] =	vst v63  }
0x172: {  	s28 =	simm.s32 $0x3980  }
0x173: {  	[tilespmem:s28], [sflag:$0x1] =	stream.indirect_vreg.gather [hbm4b:s6+s2], $0x80, v3, vm0, $0xb8;
	[tilespmem:$0x18180] =	vst v63  }
0x174: {  	v3 =	vld [tilespmem:$0x10];
	_ =	sdelay $0x4  }
0x175: {  	v61 =	vshll.u32 v3, $0x3  }
0x176: {  	v3 =	vand.u32 $0x7, v3;
	v4 =	vand.u32 $0xFFFFFFC0, v61  }
0x177: {  	v3 =	vor.u32 v3, v4  }
0x178: {  	v4 =	vperm.xlane v3, v0;
	_ =	sdelay $0x1  }
0x179: {  	v4 =	vadd.s32 v1, v4;
	_ =	sdelay $0x3  }
0x17a: {  	s20 =	simm.s32 $0x4180  }
0x17b: {  	[tilespmem:s20], [sflag:$0x1] =	stream.indirect_vreg.gather [hbm4b:s3+s2], $0x80, v4, vm0, $0xb8;
	[tilespmem:$0x18180] =	vst v63  }
0x17c: {  	s28 =	simm.s32 $0x4980;
	v3 =	vperm.xlane v3, v2  }
0x17d: {  	[tilespmem:s28], [sflag:$0x1] =	stream.indirect_vreg.gather [hbm4b:s4+s2], $0x80, v4, vm0, $0xb8;
	[tilespmem:$0x18180] =	vst v63  }
0x17e: {  	v3 =	vadd.s32 v1, v3;
	s20 =	simm.s32 $0x5180  }
0x17f: {  	[tilespmem:s20], [sflag:$0x1] =	stream.indirect_vreg.gather [hbm4b:s5+s2], $0x80, v4, vm0, $0xb8;
	[tilespmem:$0x18180] =	vst v63  }
0x180: {  	s28 =	simm.s32 $0x5980  }
0x181: {  	[tilespmem:s28], [sflag:$0x1] =	stream.indirect_vreg.gather [hbm4b:s6+s2], $0x80, v4, vm0, $0xb8;
	[tilespmem:$0x18180] =	vst v63  }
0x182: {  	s20 =	simm.s32 $0x6180  }
0x183: {  	[tilespmem:s20], [sflag:$0x1] =	stream.indirect_vreg.gather [hbm4b:s3+s2], $0x80, v3, vm0, $0xb8;
	[tilespmem:$0x18180] =	vst v63  }
0x184: {  	s28 =	simm.s32 $0x6980  }
0x185: {  	[tilespmem:s28], [sflag:$0x1] =	stream.indirect_vreg.gather [hbm4b:s4+s2], $0x80, v3, vm0, $0xb8;
	[tilespmem:$0x18180] =	vst v63  }
0x186: {  	s20 =	simm.s32 $0x7180  }
0x187: {  	[tilespmem:s20], [sflag:$0x1] =	stream.indirect_vreg.gather [hbm4b:s5+s2], $0x80, v3, vm0, $0xb8;
	[tilespmem:$0x18180] =	vst v63  }
0x188: {  	s28 =	simm.s32 $0x7980  }
0x189: {  	[tilespmem:s28], [sflag:$0x1] =	stream.indirect_vreg.gather [hbm4b:s6+s2], $0x80, v3, vm0, $0xb8;
	[tilespmem:$0x18180] =	vst v63  }
0x18a: {  	_ =	swait.ge [sflag:s22], $0x8000  }
0x18b: {  	[sflag:s22] =	ssyncset.done $0x0  }
0x18c: {  	s20 =	rddreg [dreg:$0xe];
	[sflag:s22] =	ssyncadd.s32 $0xFFFF8000  }
0x18d: {  	[hbm4b:s20+s2] =	stream.linear.scatter [tilespmem:s9], [sflag:$0x5], $0x8000, $0x38;
	[tilespmem:$0x18180] =	vst v63  }
0x18e: {  	_ =	swait.ge [sflag:s23], $0x8000  }
0x18f: {  	[sflag:s23] =	ssyncset.done $0x0  }
0x190: {  	s20 =	simm.s32 $0x80;
	s11 =	rddreg [dreg:$0xf];
	[sflag:s23] =	ssyncadd.s32 $0xFFFF8000  }
0x191: {  	[tilespmem:s20], [sflag:$0x7] =	stream.linear.gather [hbm4b:s11+s2], $0x20, $0x38;
	[tilespmem:$0x18180] =	vst v63  }
0x192: {  	_ =	swait.ge [sflag:s8], $0x20  }
0x193: {  	[sflag:s8] =	ssyncset.done $0x0  }
0x194: {  	[sflag:s8] =	ssyncadd.s32 $0xFFFFFFE0  }
0x195: {  	v3 =	vld [tilespmem:$0x80];
	_ =	sdelay $0x4  }
0x196: {  	v62 =	vshll.u32 v3, $0x3  }
0x197: {  	v3 =	vand.u32 $0x7, v3;
	v4 =	vand.u32 $0xFFFFFFC0, v62  }
0x198: {  	v3 =	vor.u32 v3, v4  }
0x199: {  	v4 =	vperm.xlane v3, v0;
	_ =	sdelay $0x1  }
0x19a: {  	v4 =	vadd.s32 v1, v4;
	_ =	sdelay $0x4  }
0x19b: {  	[tilespmem:s9], [sflag:$0x2] =	stream.indirect_vreg.gather [hbm4b:s3+s2], $0x80, v4, vm0, $0xb8;
	[tilespmem:$0x18180] =	vst v63  }
0x19c: {  	s28 =	simm.s32 $0x8980;
	v3 =	vperm.xlane v3, v2  }
0x19d: {  	[tilespmem:s28], [sflag:$0x2] =	stream.indirect_vreg.gather [hbm4b:s4+s2], $0x80, v4, vm0, $0xb8;
	[tilespmem:$0x18180] =	vst v63  }
0x19e: {  	s20 =	simm.s32 $0x9180;
	v3 =	vadd.s32 v1, v3  }
0x19f: {  	[tilespmem:s20], [sflag:$0x2] =	stream.indirect_vreg.gather [hbm4b:s5+s2], $0x80, v4, vm0, $0xb8;
	[tilespmem:$0x18180] =	vst v63  }
0x1a0: {  	s28 =	simm.s32 $0x9980  }
0x1a1: {  	[tilespmem:s28], [sflag:$0x2] =	stream.indirect_vreg.gather [hbm4b:s6+s2], $0x80, v4, vm0, $0xb8;
	[tilespmem:$0x18180] =	vst v63  }
0x1a2: {  	s20 =	simm.s32 $0xA180  }
0x1a3: {  	[tilespmem:s20], [sflag:$0x2] =	stream.indirect_vreg.gather [hbm4b:s3+s2], $0x80, v3, vm0, $0xb8;
	[tilespmem:$0x18180] =	vst v63  }
0x1a4: {  	s28 =	simm.s32 $0xA980  }
0x1a5: {  	[tilespmem:s28], [sflag:$0x2] =	stream.indirect_vreg.gather [hbm4b:s4+s2], $0x80, v3, vm0, $0xb8;
	[tilespmem:$0x18180] =	vst v63  }
0x1a6: {  	s20 =	simm.s32 $0xB180  }
0x1a7: {  	[tilespmem:s20], [sflag:$0x2] =	stream.indirect_vreg.gather [hbm4b:s5+s2], $0x80, v3, vm0, $0xb8;
	[tilespmem:$0x18180] =	vst v63  }
0x1a8: {  	s28 =	simm.s32 $0xB980  }
0x1a9: {  	[tilespmem:s28], [sflag:$0x2] =	stream.indirect_vreg.gather [hbm4b:s6+s2], $0x80, v3, vm0, $0xb8;
	[tilespmem:$0x18180] =	vst v63  }
0x1aa: {  	v3 =	vld [tilespmem:$0x90];
	_ =	sdelay $0x4  }
0x1ab: {  	v63 =	vshll.u32 v3, $0x3  }
0x1ac: {  	v3 =	vand.u32 $0x7, v3;
	v4 =	vand.u32 $0xFFFFFFC0, v63  }
0x1ad: {  	v3 =	vor.u32 v3, v4  }
0x1ae: {  	v4 =	vperm.xlane v3, v0;
	_ =	sdelay $0x1  }
0x1af: {  	v4 =	vadd.s32 v1, v4;
	_ =	sdelay $0x3  }
0x1b0: {  	s20 =	simm.s32 $0xC180  }
0x1b1: {  	[tilespmem:s20], [sflag:$0x2] =	stream.indirect_vreg.gather [hbm4b:s3+s2], $0x80, v4, vm0, $0xb8;
	[tilespmem:$0x18180] =	vst v63  }
0x1b2: {  	s28 =	simm.s32 $0xC980;
	v3 =	vperm.xlane v3, v2  }
0x1b3: {  	[tilespmem:s28], [sflag:$0x2] =	stream.indirect_vreg.gather [hbm4b:s4+s2], $0x80, v4, vm0, $0xb8;
	[tilespmem:$0x18180] =	vst v63  }
0x1b4: {  	v3 =	vadd.s32 v1, v3;
	s20 =	simm.s32 $0xD180  }
0x1b5: {  	[tilespmem:s20], [sflag:$0x2] =	stream.indirect_vreg.gather [hbm4b:s5+s2], $0x80, v4, vm0, $0xb8;
	[tilespmem:$0x18180] =	vst v63  }
0x1b6: {  	s28 =	simm.s32 $0xD980  }
0x1b7: {  	[tilespmem:s28], [sflag:$0x2] =	stream.indirect_vreg.gather [hbm4b:s6+s2], $0x80, v4, vm0, $0xb8;
	[tilespmem:$0x18180] =	vst v63  }
0x1b8: {  	s20 =	simm.s32 $0xE180  }
0x1b9: {  	[tilespmem:s20], [sflag:$0x2] =	stream.indirect_vreg.gather [hbm4b:s3+s2], $0x80, v3, vm0, $0xb8;
	[tilespmem:$0x18180] =	vst v63  }
0x1ba: {  	s28 =	simm.s32 $0xE980  }
0x1bb: {  	[tilespmem:s28], [sflag:$0x2] =	stream.indirect_vreg.gather [hbm4b:s4+s2], $0x80, v3, vm0, $0xb8;
	[tilespmem:$0x18180] =	vst v63  }
0x1bc: {  	s20 =	simm.s32 $0xF180  }
0x1bd: {  	[tilespmem:s20], [sflag:$0x2] =	stream.indirect_vreg.gather [hbm4b:s5+s2], $0x80, v3, vm0, $0xb8;
	[tilespmem:$0x18180] =	vst v63  }
0x1be: {  	s28 =	simm.s32 $0xF980  }
0x1bf: {  	[tilespmem:s28], [sflag:$0x2] =	stream.indirect_vreg.gather [hbm4b:s6+s2], $0x80, v3, vm0, $0xb8;
	[tilespmem:$0x18180] =	vst v63  }
0x1c0: {  	_ =	swait.ge [sflag:s0], $0x8000  }
0x1c1: {  	[sflag:s0] =	ssyncset.done $0x0  }
0x1c2: {  	s20 =	simm.s32 $0x10180;
	s11 =	rddreg [dreg:$0x10];
	[sflag:s0] =	ssyncadd.s32 $0xFFFF8000  }
0x1c3: {  	[hbm4b:s11+s2] =	stream.linear.scatter [tilespmem:s20], [sflag:$0x6], $0x8000, $0x38;
	[tilespmem:$0x18180] =	vst v63  }
0x1c4: {  	_ =	swait.ge [sflag:s10], $0x8000  }
0x1c5: {  	[sflag:s10] =	ssyncset.done $0x0  }
0x1c6: {  	s11 =	rddreg [dreg:$0x11];
	[sflag:s10] =	ssyncadd.s32 $0xFFFF8000  }
0x1c7: {  	[hbm4b:s11+s2] =	stream.linear.scatter [tilespmem:s26], [sflag:$0x4], $0x8000, $0x38;
	[tilespmem:$0x18180] =	vst v63  }
0x1c8: {  	_ =	swait.ge [sflag:s22], $0x8000  }
0x1c9: {  	[sflag:s22] =	ssyncset.done $0x0  }
0x1ca: {  	s20 =	rddreg [dreg:$0x12];
	[sflag:s22] =	ssyncadd.s32 $0xFFFF8000  }
0x1cb: {  	[hbm4b:s20+s2] =	stream.linear.scatter [tilespmem:s9], [sflag:$0x5], $0x8000, $0x38;
	[tilespmem:$0x18180] =	vst v63  }
0x1cc: {  	_ =	swait.ge [sflag:s1], $0x8000  }
0x1cd: {  	[sflag:s1] =	ssyncset.done $0x0  }
0x1ce: {  	[sflag:s1] =	ssyncadd.s32 $0xFFFF8000  }
0x1cf: {  	p0 =	sne.s32 s7, $0x1;
	_ =	swait.ge [sflag:s21], $0x8000  }
.Ltmp0:
0x1d0: {  	[sflag:s21] =	ssyncset.done $0x0;
	(pc) =	sbr.rel @p0 .LBB2_1-.Ltmp0, $4  }
0x1d1: {  	[sflag:s21] =	ssyncadd.s32 $0xFFFF8000  }
0x1d2: {  	_ =	swait.ge [sflag:s23], $0x8000  }
0x1d3: {  	[sflag:s23] =	ssyncset.done $0x0  }
0x1d4: {  	s7 =	sadd.s32 $0xFFFFFFFF, s7;
	[sflag:s23] =	ssyncadd.s32 $0xFFFF8000  }
0x1d5: {  	_ =	sfence.sel $0x180000  }
0x1d6: {  	[bflag:$0x0] =	sbarrier.arrive $0xFFFF  }
0x1d7: {  	_ =	strace $0x9000004A  }
0x1d8: {  	s0 =	stileid.u32;
	[bflag:$0x2] =	sbarrier.arrive $0xFFFF  }
0x1d9: {  	p0 =	sne.s32 s0, $0x0;
	s0 =	rddreg [dreg:$0x2]  }
0x1da: {  	s0 =	sadd.s32 @!p0 $0x100000, s0  }
0x1db: {  	[sflag:s0] =	ssyncadd.tile.s32 @!p0 $0x1;
	_ =	shalt  }
.Lfunc_end2:
_tile_overlayer_lowered:
.L_overlay_start_2:
0x1dc: {  	(tag) =	ssettag $0x2  }
0x1dd: {  	s0 =	rddreg [dreg:$0x0];
	s2 =	stileid.u32  }
0x1de: {  	s1 =	rddreg [dreg:$0x1];
	p0 =	sne.s32 s2, $0x0  }
0x1df: {  	s3 =	rddreg [dreg:$0x2];
	[bflag:$0x3] =	sbarrier.arrive $0xFFFF;
	s2 =	simm.s32 @!p0 $0x1C07  }
0x1e0: {  	[timem:s3], [sflag:s2] =	dma.local @!p0 [hbm:s0], s1  }
0x1e1: {  	s0 =	simm.s32 @!p0 $0x7  }
0x1e2: {  	_ =	swait.ge @!p0 [sflag:s0], s1  }
0x1e3: {  	s1 =	ssub.s32 @!p0 $0x0, s1;
	[sflag:s0] =	ssyncset.done @!p0 $0x0  }
0x1e4: {  	[sflag:s0] =	ssyncadd.s32 @!p0 s1  }
0x1e5: {  	[bflag:$0x3] =	sbarrier.arrive $0xFFFF  }
0x1e6: {  	_ =	shalt  }

</sc_bundles>
